<compile_context>
chip_gen: v7x
topology: tpu7x:2x2x1
jax: 0.10.2.dev20260603
libtpu: 0.0.44.dev20260713+nightly
codegen_flags: <defaults>
</compile_context>

<pallas_src>
import functools

import jax
import jax.numpy as jnp
from jax import lax
from jax.experimental import pallas as pl
from jax.experimental.pallas import tpu as pltpu
from jax.experimental.pallas import tpu_sc as plsc

_N = 64 * 8192
_NT = 16
_CHUNK = _N // _NT
_VECS = _CHUNK // 16
_UNROLL = 16

_P_LOW = 0.05
_P_HIGH = 0.95
_DECAY = 0.99
_MIN = 1.0

_KA = int(_P_LOW * (_N - 1))
_KB = int(_P_HIGH * (_N - 1))
_FRACA = _P_LOW * (_N - 1) - _KA
_FRACB = _P_HIGH * (_N - 1) - _KB

_SIGN = -2147483648
_UMAX = 0xFFFFFFFF

_mesh = plsc.VectorSubcoreMesh(
    core_axis_name="c", subcore_axis_name="s", num_cores=1, num_subcores=_NT)


def _lanesum_u32(v):
    s = v[0]
    for i in range(1, 16):
        s = s + v[i]
    return s


def _lanemin_u32(v):
    s = v[0]
    for i in range(1, 16):
        s = jnp.minimum(s, v[i])
    return s


def _body(x_hbm, p_hbm, out_hbm,
          xbuf, ubuf, pub, rd, fin, rdf, pbuf, obuf, sh_cnt, sh_fin):
    wid = lax.axis_index("s")
    base = wid * _CHUNK
    pltpu.sync_copy(x_hbm.at[pl.ds(base, _CHUNK)], xbuf)
    pltpu.sync_copy(p_hbm, pbuf)

    one = jnp.ones((16,), jnp.uint32)
    zero = jnp.zeros((16,), jnp.uint32)
    umax_v = jnp.full((16,), _UMAX, jnp.uint32)

    def map_body(i, _):
        for j in range(_UNROLL):
            off = (i * _UNROLL + j) * 16
            b = lax.bitcast_convert_type(xbuf[pl.ds(off, 16)], jnp.int32)
            u = b ^ ((b >> 31) | jnp.int32(_SIGN))
            ubuf[pl.ds(off, 16)] = lax.bitcast_convert_type(u, jnp.uint32)
        return 0
    lax.fori_loop(0, _VECS // _UNROLL, map_body, 0)

    kA1 = jnp.uint32(_KA + 1)
    kB1 = jnp.uint32(_KB + 1)

    def round_body(t, carry):
        resA, resB, bit = carry
        midA = resA | bit
        midB = resB | bit

        def cnt_body(i, acc):
            aA, aB = acc
            for j in range(_UNROLL):
                off = (i * _UNROLL + j) * 16
                u = ubuf[pl.ds(off, 16)]
                aA = aA + jnp.where(u < midA, one, zero)
                aB = aB + jnp.where(u < midB, one, zero)
            return (aA, aB)
        accA, accB = lax.fori_loop(0, (_VECS // _UNROLL) // 16, cnt_body,
                                   (zero, zero))

        pub[pl.ds(0, 16)] = accA
        pub[pl.ds(16, 16)] = accB
        par = t & 1
        pltpu.sync_copy(pub, sh_cnt.at[pl.ds((par * _NT + wid) * 32, 32)])
        plsc.subcore_barrier()
        pltpu.sync_copy(sh_cnt.at[pl.ds(par * (_NT * 32), _NT * 32)], rd)
        sA = zero
        sB = zero
        for tt in range(_NT):
            sA = sA + rd[pl.ds(tt * 32, 16)]
            sB = sB + rd[pl.ds(tt * 32 + 16, 16)]
        cA = _lanesum_u32(sA)
        cB = _lanesum_u32(sB)
        resA = jnp.where(cA >= kA1, resA, midA)
        resB = jnp.where(cB >= kB1, resB, midB)
        return (resA, resB, bit >> jnp.uint32(1))

    resA, resB, _ = lax.fori_loop(
        0, 32, round_body,
        (jnp.uint32(0), jnp.uint32(0), jnp.uint32(0x80000000)))

    def fin_body(i, acc):
        leA, gtA, leB, gtB = acc
        for j in range(_UNROLL):
            off = (i * _UNROLL + j) * 16
            u = ubuf[pl.ds(off, 16)]
            leA = leA + jnp.where(u <= resA, one, zero)
            gtA = jnp.minimum(gtA, jnp.where(u > resA, u, umax_v))
            leB = leB + jnp.where(u <= resB, one, zero)
            gtB = jnp.minimum(gtB, jnp.where(u > resB, u, umax_v))
        return (leA, gtA, leB, gtB)
    leA, gtA, leB, gtB = lax.fori_loop(
        0, _VECS // _UNROLL, fin_body, (zero, umax_v, zero, umax_v))

    fin[pl.ds(0, 16)] = leA
    fin[pl.ds(16, 16)] = gtA
    fin[pl.ds(32, 16)] = leB
    fin[pl.ds(48, 16)] = gtB
    pltpu.sync_copy(fin, sh_fin.at[pl.ds(wid * 64, 64)])
    plsc.subcore_barrier()
    pltpu.sync_copy(sh_fin, rdf)
    sLeA = zero
    sLeB = zero
    mGtA = umax_v
    mGtB = umax_v
    for tt in range(_NT):
        sLeA = sLeA + rdf[pl.ds(tt * 64, 16)]
        mGtA = jnp.minimum(mGtA, rdf[pl.ds(tt * 64 + 16, 16)])
        sLeB = sLeB + rdf[pl.ds(tt * 64 + 32, 16)]
        mGtB = jnp.minimum(mGtB, rdf[pl.ds(tt * 64 + 48, 16)])
    cLeA = _lanesum_u32(sLeA)
    cLeB = _lanesum_u32(sLeB)
    minGtA = _lanemin_u32(mGtA)
    minGtB = _lanemin_u32(mGtB)

    vA1 = jnp.where(cLeA >= jnp.uint32(_KA + 2), resA, minGtA)
    vB1 = jnp.where(cLeB >= jnp.uint32(_KB + 2), resB, minGtB)

    def unmap(uv):
        sgn = uv >> jnp.uint32(31)
        bits = jnp.where(sgn == jnp.uint32(1),
                         uv ^ jnp.uint32(0x80000000), ~uv)
        return lax.bitcast_convert_type(bits, jnp.float32)

    vA0f = unmap(resA)
    vA1f = unmap(vA1)
    vB0f = unmap(resB)
    vB1f = unmap(vB1)

    f32 = jnp.float32
    q_low = vA0f * f32(1.0 - _FRACA) + vA1f * f32(_FRACA)
    q_high = vB0f * f32(1.0 - _FRACB) + vB1f * f32(_FRACB)

    pv = pbuf[pl.ds(0, 16)]
    low_s = pv[0]
    high_s = pv[1]
    new_low = f32(_DECAY) * low_s + f32(1.0 - _DECAY) * q_low
    new_high = f32(_DECAY) * high_s + f32(1.0 - _DECAY) * q_high
    inv_scale = jnp.maximum(f32(_MIN), new_high - new_low)

    lanes = lax.iota(jnp.int32, 16)
    zf = jnp.zeros((16,), f32)
    obuf[pl.ds(0, 16)] = jnp.where(
        lanes == 0, new_low, jnp.where(lanes == 1, inv_scale, zf))

    @pl.when(wid == 0)
    def _():
        pltpu.sync_copy(obuf, out_hbm)


_moments_sc = functools.partial(
    pl.kernel,
    out_type=jax.ShapeDtypeStruct((16,), jnp.float32),
    mesh=_mesh,
    scratch_types=[
        pltpu.VMEM((_CHUNK,), jnp.float32),
        pltpu.VMEM((_CHUNK,), jnp.uint32),
        pltpu.VMEM((32,), jnp.uint32),
        pltpu.VMEM((_NT * 32,), jnp.uint32),
        pltpu.VMEM((64,), jnp.uint32),
        pltpu.VMEM((_NT * 64,), jnp.uint32),
        pltpu.VMEM((16,), jnp.float32),
        pltpu.VMEM((16,), jnp.float32),
        pltpu.VMEM_SHARED((2 * _NT * 32,), jnp.uint32),
        pltpu.VMEM_SHARED((_NT * 64,), jnp.uint32),
    ],
)(_body)


def kernel(x, low, high):
    xf = x.reshape(-1)
    p = jnp.zeros((16,), jnp.float32).at[0].set(low).at[1].set(high)
    out = _moments_sc(xf, p)
    return (out[0], out[1])

# --- scband reference (transcript-rebuilt; emitter-appended) ---
"""Pipeline reference for scband-moments-9732395893193 (READ-ONLY COPY).

The authoritative reference and input builder live on the scoring server;
editing this copy changes nothing except your own understanding.
"""

import jax, jax.numpy as jnp
import numpy as np

DECAY = 0.99
MIN_ = 1.0
P_LOW = 0.05
P_HIGH = 0.95


def setup_inputs(seed: int = 0) -> dict:
    key = jax.random.key(seed)
    x = jax.random.normal(key, (64, 8192), dtype=jnp.float32)
    # registered buffers, zero-initialized as in __init__
    low = jnp.zeros((), dtype=jnp.float32)
    high = jnp.zeros((), dtype=jnp.float32)
    return {"x": x, "low": low, "high": high}


def reference(x, low, high):
    # x = x.detach()
    x = jax.lax.stop_gradient(x)
    # torch.quantile default interpolation is 'linear'; jnp.quantile default is 'linear'
    q_low = jnp.quantile(x, P_LOW)
    q_high = jnp.quantile(x, P_HIGH)
    new_low = DECAY * low + (1.0 - DECAY) * q_low
    new_high = DECAY * high + (1.0 - DECAY) * q_high
    inverse_scale = jnp.maximum(jnp.asarray(MIN_, dtype=jnp.float32), new_high - new_low)
    return (jax.lax.stop_gradient(new_low), jax.lax.stop_gradient(inverse_scale))

if __name__ == "__main__":
    import jax
    _d = setup_inputs()
    print(jax.jit(kernel)(*tuple(_d.values())))

</pallas_src>

<mosaic_0001>
#map = affine_map<(d0, d1) -> (0)>
module attributes {stable_mosaic.version = 14 : i64} {
  func.func @_body(%arg0: i32, %arg1: i32, %arg2: memref<524288xf32, #tpu.memory_space<hbm>>, %arg3: memref<16xf32, #tpu.memory_space<hbm>>, %arg4: memref<16xf32, #tpu.memory_space<hbm>>, %arg5: memref<32768xf32, #tpu.memory_space<vmem>>, %arg6: memref<32768xi32, #tpu.memory_space<vmem>>, %arg7: memref<32xi32, #tpu.memory_space<vmem>>, %arg8: memref<512xi32, #tpu.memory_space<vmem>>, %arg9: memref<64xi32, #tpu.memory_space<vmem>>, %arg10: memref<1024xi32, #tpu.memory_space<vmem>>, %arg11: memref<16xf32, #tpu.memory_space<vmem>>, %arg12: memref<16xf32, #tpu.memory_space<vmem>>, %arg13: memref<1024xi32, #tpu.memory_space<vmem_shared>>, %arg14: memref<1024xi32, #tpu.memory_space<vmem_shared>>) attributes {dimension_semantics = [#tpu.dimension_semantics<core_parallel>, #tpu.dimension_semantics<subcore_parallel>], iteration_bounds = array<i64: 1, 16>, scalar_prefetch = 0 : i64, scratch_operands = 10 : i64, tpu.core_type = #tpu.core_type<sc_vector_subcore>, window_params = [{transform_indices = #map}, {transform_indices = #map}, {transform_indices = #map}]} {
    %mul3A = arith.constant 32768 : i32
    %mul3A_0 = arith.muli %arg1, %mul3A : i32
    "tpu.region"() ({
      %run_scoped3A = tpu.sem_alloc : memref<!tpu.dma_semaphore, #tpu.memory_space<semaphore_mem>>
      %dma_start3A = tpu.memref_slice %arg2[%mul3A_0] : memref<524288xf32, #tpu.memory_space<hbm>> -> memref<32768xf32, #tpu.memory_space<hbm>>
      %dma_start3A_571 = tpu.memref_slice %arg2[%mul3A_0] : memref<524288xf32, #tpu.memory_space<hbm>> -> memref<32768xf32, #tpu.memory_space<hbm>>
      tpu.enqueue_dma source(%dma_start3A_571 : memref<32768xf32, #tpu.memory_space<hbm>>) target(%arg5 : memref<32768xf32, #tpu.memory_space<vmem>>) target_semaphore(%run_scoped3A : memref<!tpu.dma_semaphore, #tpu.memory_space<semaphore_mem>>)
      %dma_wait3A = tpu.memref_slice %arg2[%mul3A_0] : memref<524288xf32, #tpu.memory_space<hbm>> -> memref<32768xf32, #tpu.memory_space<hbm>>
      %dma_wait3A_572 = tpu.memref_slice %arg2[%mul3A_0] : memref<524288xf32, #tpu.memory_space<hbm>> -> memref<32768xf32, #tpu.memory_space<hbm>>
      tpu.wait_dma2 semaphore(%run_scoped3A : memref<!tpu.dma_semaphore, #tpu.memory_space<semaphore_mem>>) src(%dma_wait3A_572 : memref<32768xf32, #tpu.memory_space<hbm>>) dst(%arg5 : memref<32768xf32, #tpu.memory_space<vmem>>)
      tpu.yield
    }) : () -> ()
    "tpu.region"() ({
      %run_scoped3A = tpu.sem_alloc : memref<!tpu.dma_semaphore, #tpu.memory_space<semaphore_mem>>
      tpu.enqueue_dma source(%arg3 : memref<16xf32, #tpu.memory_space<hbm>>) target(%arg11 : memref<16xf32, #tpu.memory_space<vmem>>) target_semaphore(%run_scoped3A : memref<!tpu.dma_semaphore, #tpu.memory_space<semaphore_mem>>)
      tpu.wait_dma2 semaphore(%run_scoped3A : memref<!tpu.dma_semaphore, #tpu.memory_space<semaphore_mem>>) src(%arg3 : memref<16xf32, #tpu.memory_space<hbm>>) dst(%arg11 : memref<16xf32, #tpu.memory_space<vmem>>)
      tpu.yield
    }) : () -> ()
    %broadcast_in_dim3A = arith.constant 1 : i32
    %broadcast_in_dim3A_1 = vector.broadcast %broadcast_in_dim3A : i32 to vector<16xi32>
    %broadcast_in_dim3A_2 = arith.constant 0 : i32
    %broadcast_in_dim3A_3 = vector.broadcast %broadcast_in_dim3A_2 : i32 to vector<16xi32>
    %broadcast_in_dim3A_4 = arith.constant -1 : i32
    %broadcast_in_dim3A_5 = vector.broadcast %broadcast_in_dim3A_4 : i32 to vector<16xi32>
    %scan3A = arith.constant 0 : i32
    %scan3A_6 = arith.constant 0 : i32
    %scan3A_7 = arith.constant 128 : i32
    %scan3A_8 = arith.addi %scan3A_6, %scan3A_7 : i32
    %scan3A_9 = arith.constant 1 : i32
    %scan3A_10 = scf.for %scan3A_571 = %scan3A_6 to %scan3A_8 step %scan3A_9 iter_args(%scan3A_572 = %scan3A) -> (i32)  : i32 {
      %mul3A_573 = arith.constant 16 : i32
      %mul3A_574 = arith.muli %scan3A_571, %mul3A_573 : i32
      %add3A_575 = arith.constant 0 : i32
      %add3A_576 = arith.addi %mul3A_574, %add3A_575 : i32
      %mul3A_577 = arith.constant 16 : i32
      %mul3A_578 = arith.muli %add3A_576, %mul3A_577 : i32
      %get3A_579 = arith.index_cast %mul3A_578 : i32 to index
      %get3A_580 = tpu.vector_load %arg5[%get3A_579] {strides = array<i32>} : memref<32768xf32, #tpu.memory_space<vmem>>, vector<16xf32>,
      %get3A_581 = vector.shape_cast %get3A_580 : vector<16xf32> to vector<16xf32>
      %bitcast_convert_type3A_582 = tpu.bitcast %get3A_581 : vector<16xf32> -> vector<16xi32>
      %shift_right_arithmetic3A = arith.constant 31 : i32
      %shift_right_arithmetic3A_583 = vector.broadcast %shift_right_arithmetic3A : i32 to vector<16xi32>
      %shift_right_arithmetic3A_584 = arith.shrsi %bitcast_convert_type3A_582, %shift_right_arithmetic3A_583 : vector<16xi32>
      %or3A = arith.constant -2147483648 : i32
      %or3A_585 = vector.broadcast %or3A : i32 to vector<16xi32>
      %or3A_586 = arith.ori %shift_right_arithmetic3A_584, %or3A_585 : vector<16xi32>
      %xor3A_587 = arith.xori %bitcast_convert_type3A_582, %or3A_586 : vector<16xi32>
      %bitcast_convert_type3A_588 = tpu.bitcast %xor3A_587 : vector<16xi32> -> vector<16xi32>
      %swap3A_589 = arith.index_cast %mul3A_578 : i32 to index
      %swap3A_590 = tpu.vector_load %arg6[%swap3A_589] {strides = array<i32>} : memref<32768xi32, #tpu.memory_space<vmem>>, vector<16xi32>,
      %swap3A_591 = vector.shape_cast %swap3A_590 : vector<16xi32> to vector<16xi32>
      %swap3A_592 = vector.shape_cast %bitcast_convert_type3A_588 : vector<16xi32> to vector<16xi32>
      tpu.vector_store %arg6[%swap3A_589], %swap3A_592 {strides = array<i32>} : memref<32768xi32, #tpu.memory_space<vmem>>, vector<16xi32>,
      %mul3A_593 = arith.constant 16 : i32
      %mul3A_594 = arith.muli %scan3A_571, %mul3A_593 : i32
      %add3A_595 = arith.constant 1 : i32
      %add3A_596 = arith.addi %mul3A_594, %add3A_595 : i32
      %mul3A_597 = arith.constant 16 : i32
      %mul3A_598 = arith.muli %add3A_596, %mul3A_597 : i32
      %get3A_599 = arith.index_cast %mul3A_598 : i32 to index
      %get3A_600 = tpu.vector_load %arg5[%get3A_599] {strides = array<i32>} : memref<32768xf32, #tpu.memory_space<vmem>>, vector<16xf32>,
      %get3A_601 = vector.shape_cast %get3A_600 : vector<16xf32> to vector<16xf32>
      %bitcast_convert_type3A_602 = tpu.bitcast %get3A_601 : vector<16xf32> -> vector<16xi32>
      %shift_right_arithmetic3A_603 = arith.constant 31 : i32
      %shift_right_arithmetic3A_604 = vector.broadcast %shift_right_arithmetic3A_603 : i32 to vector<16xi32>
      %shift_right_arithmetic3A_605 = arith.shrsi %bitcast_convert_type3A_602, %shift_right_arithmetic3A_604 : vector<16xi32>
      %or3A_606 = arith.constant -2147483648 : i32
      %or3A_607 = vector.broadcast %or3A_606 : i32 to vector<16xi32>
      %or3A_608 = arith.ori %shift_right_arithmetic3A_605, %or3A_607 : vector<16xi32>
      %xor3A_609 = arith.xori %bitcast_convert_type3A_602, %or3A_608 : vector<16xi32>
      %bitcast_convert_type3A_610 = tpu.bitcast %xor3A_609 : vector<16xi32> -> vector<16xi32>
      %swap3A_611 = arith.index_cast %mul3A_598 : i32 to index
      %swap3A_612 = tpu.vector_load %arg6[%swap3A_611] {strides = array<i32>} : memref<32768xi32, #tpu.memory_space<vmem>>, vector<16xi32>,
      %swap3A_613 = vector.shape_cast %swap3A_612 : vector<16xi32> to vector<16xi32>
      %swap3A_614 = vector.shape_cast %bitcast_convert_type3A_610 : vector<16xi32> to vector<16xi32>
      tpu.vector_store %arg6[%swap3A_611], %swap3A_614 {strides = array<i32>} : memref<32768xi32, #tpu.memory_space<vmem>>, vector<16xi32>,
      %mul3A_615 = arith.constant 16 : i32
      %mul3A_616 = arith.muli %scan3A_571, %mul3A_615 : i32
      %add3A_617 = arith.constant 2 : i32
      %add3A_618 = arith.addi %mul3A_616, %add3A_617 : i32
      %mul3A_619 = arith.constant 16 : i32
      %mul3A_620 = arith.muli %add3A_618, %mul3A_619 : i32
      %get3A_621 = arith.index_cast %mul3A_620 : i32 to index
      %get3A_622 = tpu.vector_load %arg5[%get3A_621] {strides = array<i32>} : memref<32768xf32, #tpu.memory_space<vmem>>, vector<16xf32>,
      %get3A_623 = vector.shape_cast %get3A_622 : vector<16xf32> to vector<16xf32>
      %bitcast_convert_type3A_624 = tpu.bitcast %get3A_623 : vector<16xf32> -> vector<16xi32>
      %shift_right_arithmetic3A_625 = arith.constant 31 : i32
      %shift_right_arithmetic3A_626 = vector.broadcast %shift_right_arithmetic3A_625 : i32 to vector<16xi32>
      %shift_right_arithmetic3A_627 = arith.shrsi %bitcast_convert_type3A_624, %shift_right_arithmetic3A_626 : vector<16xi32>
      %or3A_628 = arith.constant -2147483648 : i32
      %or3A_629 = vector.broadcast %or3A_628 : i32 to vector<16xi32>
      %or3A_630 = arith.ori %shift_right_arithmetic3A_627, %or3A_629 : vector<16xi32>
      %xor3A_631 = arith.xori %bitcast_convert_type3A_624, %or3A_630 : vector<16xi32>
      %bitcast_convert_type3A_632 = tpu.bitcast %xor3A_631 : vector<16xi32> -> vector<16xi32>
      %swap3A_633 = arith.index_cast %mul3A_620 : i32 to index
      %swap3A_634 = tpu.vector_load %arg6[%swap3A_633] {strides = array<i32>} : memref<32768xi32, #tpu.memory_space<vmem>>, vector<16xi32>,
      %swap3A_635 = vector.shape_cast %swap3A_634 : vector<16xi32> to vector<16xi32>
      %swap3A_636 = vector.shape_cast %bitcast_convert_type3A_632 : vector<16xi32> to vector<16xi32>
      tpu.vector_store %arg6[%swap3A_633], %swap3A_636 {strides = array<i32>} : memref<32768xi32, #tpu.memory_space<vmem>>, vector<16xi32>,
      %mul3A_637 = arith.constant 16 : i32
      %mul3A_638 = arith.muli %scan3A_571, %mul3A_637 : i32
      %add3A_639 = arith.constant 3 : i32
      %add3A_640 = arith.addi %mul3A_638, %add3A_639 : i32
      %mul3A_641 = arith.constant 16 : i32
      %mul3A_642 = arith.muli %add3A_640, %mul3A_641 : i32
      %get3A_643 = arith.index_cast %mul3A_642 : i32 to index
      %get3A_644 = tpu.vector_load %arg5[%get3A_643] {strides = array<i32>} : memref<32768xf32, #tpu.memory_space<vmem>>, vector<16xf32>,
      %get3A_645 = vector.shape_cast %get3A_644 : vector<16xf32> to vector<16xf32>
      %bitcast_convert_type3A_646 = tpu.bitcast %get3A_645 : vector<16xf32> -> vector<16xi32>
      %shift_right_arithmetic3A_647 = arith.constant 31 : i32
      %shift_right_arithmetic3A_648 = vector.broadcast %shift_right_arithmetic3A_647 : i32 to vector<16xi32>
      %shift_right_arithmetic3A_649 = arith.shrsi %bitcast_convert_type3A_646, %shift_right_arithmetic3A_648 : vector<16xi32>
      %or3A_650 = arith.constant -2147483648 : i32
      %or3A_651 = vector.broadcast %or3A_650 : i32 to vector<16xi32>
      %or3A_652 = arith.ori %shift_right_arithmetic3A_649, %or3A_651 : vector<16xi32>
      %xor3A_653 = arith.xori %bitcast_convert_type3A_646, %or3A_652 : vector<16xi32>
      %bitcast_convert_type3A_654 = tpu.bitcast %xor3A_653 : vector<16xi32> -> vector<16xi32>
      %swap3A_655 = arith.index_cast %mul3A_642 : i32 to index
      %swap3A_656 = tpu.vector_load %arg6[%swap3A_655] {strides = array<i32>} : memref<32768xi32, #tpu.memory_space<vmem>>, vector<16xi32>,
      %swap3A_657 = vector.shape_cast %swap3A_656 : vector<16xi32> to vector<16xi32>
      %swap3A_658 = vector.shape_cast %bitcast_convert_type3A_654 : vector<16xi32> to vector<16xi32>
      tpu.vector_store %arg6[%swap3A_655], %swap3A_658 {strides = array<i32>} : memref<32768xi32, #tpu.memory_space<vmem>>, vector<16xi32>,
      %mul3A_659 = arith.constant 16 : i32
      %mul3A_660 = arith.muli %scan3A_571, %mul3A_659 : i32
      %add3A_661 = arith.constant 4 : i32
      %add3A_662 = arith.addi %mul3A_660, %add3A_661 : i32
      %mul3A_663 = arith.constant 16 : i32
      %mul3A_664 = arith.muli %add3A_662, %mul3A_663 : i32
      %get3A_665 = arith.index_cast %mul3A_664 : i32 to index
      %get3A_666 = tpu.vector_load %arg5[%get3A_665] {strides = array<i32>} : memref<32768xf32, #tpu.memory_space<vmem>>, vector<16xf32>,
      %get3A_667 = vector.shape_cast %get3A_666 : vector<16xf32> to vector<16xf32>
      %bitcast_convert_type3A_668 = tpu.bitcast %get3A_667 : vector<16xf32> -> vector<16xi32>
      %shift_right_arithmetic3A_669 = arith.constant 31 : i32
      %shift_right_arithmetic3A_670 = vector.broadcast %shift_right_arithmetic3A_669 : i32 to vector<16xi32>
      %shift_right_arithmetic3A_671 = arith.shrsi %bitcast_convert_type3A_668, %shift_right_arithmetic3A_670 : vector<16xi32>
      %or3A_672 = arith.constant -2147483648 : i32
      %or3A_673 = vector.broadcast %or3A_672 : i32 to vector<16xi32>
      %or3A_674 = arith.ori %shift_right_arithmetic3A_671, %or3A_673 : vector<16xi32>
      %xor3A_675 = arith.xori %bitcast_convert_type3A_668, %or3A_674 : vector<16xi32>
      %bitcast_convert_type3A_676 = tpu.bitcast %xor3A_675 : vector<16xi32> -> vector<16xi32>
      %swap3A_677 = arith.index_cast %mul3A_664 : i32 to index
      %swap3A_678 = tpu.vector_load %arg6[%swap3A_677] {strides = array<i32>} : memref<32768xi32, #tpu.memory_space<vmem>>, vector<16xi32>,
      %swap3A_679 = vector.shape_cast %swap3A_678 : vector<16xi32> to vector<16xi32>
      %swap3A_680 = vector.shape_cast %bitcast_convert_type3A_676 : vector<16xi32> to vector<16xi32>
      tpu.vector_store %arg6[%swap3A_677], %swap3A_680 {strides = array<i32>} : memref<32768xi32, #tpu.memory_space<vmem>>, vector<16xi32>,
      %mul3A_681 = arith.constant 16 : i32
      %mul3A_682 = arith.muli %scan3A_571, %mul3A_681 : i32
      %add3A_683 = arith.constant 5 : i32
      %add3A_684 = arith.addi %mul3A_682, %add3A_683 : i32
      %mul3A_685 = arith.constant 16 : i32
      %mul3A_686 = arith.muli %add3A_684, %mul3A_685 : i32
      %get3A_687 = arith.index_cast %mul3A_686 : i32 to index
      %get3A_688 = tpu.vector_load %arg5[%get3A_687] {strides = array<i32>} : memref<32768xf32, #tpu.memory_space<vmem>>, vector<16xf32>,
      %get3A_689 = vector.shape_cast %get3A_688 : vector<16xf32> to vector<16xf32>
      %bitcast_convert_type3A_690 = tpu.bitcast %get3A_689 : vector<16xf32> -> vector<16xi32>
      %shift_right_arithmetic3A_691 = arith.constant 31 : i32
      %shift_right_arithmetic3A_692 = vector.broadcast %shift_right_arithmetic3A_691 : i32 to vector<16xi32>
      %shift_right_arithmetic3A_693 = arith.shrsi %bitcast_convert_type3A_690, %shift_right_arithmetic3A_692 : vector<16xi32>
      %or3A_694 = arith.constant -2147483648 : i32
      %or3A_695 = vector.broadcast %or3A_694 : i32 to vector<16xi32>
      %or3A_696 = arith.ori %shift_right_arithmetic3A_693, %or3A_695 : vector<16xi32>
      %xor3A_697 = arith.xori %bitcast_convert_type3A_690, %or3A_696 : vector<16xi32>
      %bitcast_convert_type3A_698 = tpu.bitcast %xor3A_697 : vector<16xi32> -> vector<16xi32>
      %swap3A_699 = arith.index_cast %mul3A_686 : i32 to index
      %swap3A_700 = tpu.vector_load %arg6[%swap3A_699] {strides = array<i32>} : memref<32768xi32, #tpu.memory_space<vmem>>, vector<16xi32>,
      %swap3A_701 = vector.shape_cast %swap3A_700 : vector<16xi32> to vector<16xi32>
      %swap3A_702 = vector.shape_cast %bitcast_convert_type3A_698 : vector<16xi32> to vector<16xi32>
      tpu.vector_store %arg6[%swap3A_699], %swap3A_702 {strides = array<i32>} : memref<32768xi32, #tpu.memory_space<vmem>>, vector<16xi32>,
      %mul3A_703 = arith.constant 16 : i32
      %mul3A_704 = arith.muli %scan3A_571, %mul3A_703 : i32
      %add3A_705 = arith.constant 6 : i32
      %add3A_706 = arith.addi %mul3A_704, %add3A_705 : i32
      %mul3A_707 = arith.constant 16 : i32
      %mul3A_708 = arith.muli %add3A_706, %mul3A_707 : i32
      %get3A_709 = arith.index_cast %mul3A_708 : i32 to index
      %get3A_710 = tpu.vector_load %arg5[%get3A_709] {strides = array<i32>} : memref<32768xf32, #tpu.memory_space<vmem>>, vector<16xf32>,
      %get3A_711 = vector.shape_cast %get3A_710 : vector<16xf32> to vector<16xf32>
      %bitcast_convert_type3A_712 = tpu.bitcast %get3A_711 : vector<16xf32> -> vector<16xi32>
      %shift_right_arithmetic3A_713 = arith.constant 31 : i32
      %shift_right_arithmetic3A_714 = vector.broadcast %shift_right_arithmetic3A_713 : i32 to vector<16xi32>
      %shift_right_arithmetic3A_715 = arith.shrsi %bitcast_convert_type3A_712, %shift_right_arithmetic3A_714 : vector<16xi32>
      %or3A_716 = arith.constant -2147483648 : i32
      %or3A_717 = vector.broadcast %or3A_716 : i32 to vector<16xi32>
      %or3A_718 = arith.ori %shift_right_arithmetic3A_715, %or3A_717 : vector<16xi32>
      %xor3A_719 = arith.xori %bitcast_convert_type3A_712, %or3A_718 : vector<16xi32>
      %bitcast_convert_type3A_720 = tpu.bitcast %xor3A_719 : vector<16xi32> -> vector<16xi32>
      %swap3A_721 = arith.index_cast %mul3A_708 : i32 to index
      %swap3A_722 = tpu.vector_load %arg6[%swap3A_721] {strides = array<i32>} : memref<32768xi32, #tpu.memory_space<vmem>>, vector<16xi32>,
      %swap3A_723 = vector.shape_cast %swap3A_722 : vector<16xi32> to vector<16xi32>
      %swap3A_724 = vector.shape_cast %bitcast_convert_type3A_720 : vector<16xi32> to vector<16xi32>
      tpu.vector_store %arg6[%swap3A_721], %swap3A_724 {strides = array<i32>} : memref<32768xi32, #tpu.memory_space<vmem>>, vector<16xi32>,
      %mul3A_725 = arith.constant 16 : i32
      %mul3A_726 = arith.muli %scan3A_571, %mul3A_725 : i32
      %add3A_727 = arith.constant 7 : i32
      %add3A_728 = arith.addi %mul3A_726, %add3A_727 : i32
      %mul3A_729 = arith.constant 16 : i32
      %mul3A_730 = arith.muli %add3A_728, %mul3A_729 : i32
      %get3A_731 = arith.index_cast %mul3A_730 : i32 to index
      %get3A_732 = tpu.vector_load %arg5[%get3A_731] {strides = array<i32>} : memref<32768xf32, #tpu.memory_space<vmem>>, vector<16xf32>,
      %get3A_733 = vector.shape_cast %get3A_732 : vector<16xf32> to vector<16xf32>
      %bitcast_convert_type3A_734 = tpu.bitcast %get3A_733 : vector<16xf32> -> vector<16xi32>
      %shift_right_arithmetic3A_735 = arith.constant 31 : i32
      %shift_right_arithmetic3A_736 = vector.broadcast %shift_right_arithmetic3A_735 : i32 to vector<16xi32>
      %shift_right_arithmetic3A_737 = arith.shrsi %bitcast_convert_type3A_734, %shift_right_arithmetic3A_736 : vector<16xi32>
      %or3A_738 = arith.constant -2147483648 : i32
      %or3A_739 = vector.broadcast %or3A_738 : i32 to vector<16xi32>
      %or3A_740 = arith.ori %shift_right_arithmetic3A_737, %or3A_739 : vector<16xi32>
      %xor3A_741 = arith.xori %bitcast_convert_type3A_734, %or3A_740 : vector<16xi32>
      %bitcast_convert_type3A_742 = tpu.bitcast %xor3A_741 : vector<16xi32> -> vector<16xi32>
      %swap3A_743 = arith.index_cast %mul3A_730 : i32 to index
      %swap3A_744 = tpu.vector_load %arg6[%swap3A_743] {strides = array<i32>} : memref<32768xi32, #tpu.memory_space<vmem>>, vector<16xi32>,
      %swap3A_745 = vector.shape_cast %swap3A_744 : vector<16xi32> to vector<16xi32>
      %swap3A_746 = vector.shape_cast %bitcast_convert_type3A_742 : vector<16xi32> to vector<16xi32>
      tpu.vector_store %arg6[%swap3A_743], %swap3A_746 {strides = array<i32>} : memref<32768xi32, #tpu.memory_space<vmem>>, vector<16xi32>,
      %mul3A_747 = arith.constant 16 : i32
      %mul3A_748 = arith.muli %scan3A_571, %mul3A_747 : i32
      %add3A_749 = arith.constant 8 : i32
      %add3A_750 = arith.addi %mul3A_748, %add3A_749 : i32
      %mul3A_751 = arith.constant 16 : i32
      %mul3A_752 = arith.muli %add3A_750, %mul3A_751 : i32
      %get3A_753 = arith.index_cast %mul3A_752 : i32 to index
      %get3A_754 = tpu.vector_load %arg5[%get3A_753] {strides = array<i32>} : memref<32768xf32, #tpu.memory_space<vmem>>, vector<16xf32>,
      %get3A_755 = vector.shape_cast %get3A_754 : vector<16xf32> to vector<16xf32>
      %bitcast_convert_type3A_756 = tpu.bitcast %get3A_755 : vector<16xf32> -> vector<16xi32>
      %shift_right_arithmetic3A_757 = arith.constant 31 : i32
      %shift_right_arithmetic3A_758 = vector.broadcast %shift_right_arithmetic3A_757 : i32 to vector<16xi32>
      %shift_right_arithmetic3A_759 = arith.shrsi %bitcast_convert_type3A_756, %shift_right_arithmetic3A_758 : vector<16xi32>
      %or3A_760 = arith.constant -2147483648 : i32
      %or3A_761 = vector.broadcast %or3A_760 : i32 to vector<16xi32>
      %or3A_762 = arith.ori %shift_right_arithmetic3A_759, %or3A_761 : vector<16xi32>
      %xor3A_763 = arith.xori %bitcast_convert_type3A_756, %or3A_762 : vector<16xi32>
      %bitcast_convert_type3A_764 = tpu.bitcast %xor3A_763 : vector<16xi32> -> vector<16xi32>
      %swap3A_765 = arith.index_cast %mul3A_752 : i32 to index
      %swap3A_766 = tpu.vector_load %arg6[%swap3A_765] {strides = array<i32>} : memref<32768xi32, #tpu.memory_space<vmem>>, vector<16xi32>,
      %swap3A_767 = vector.shape_cast %swap3A_766 : vector<16xi32> to vector<16xi32>
      %swap3A_768 = vector.shape_cast %bitcast_convert_type3A_764 : vector<16xi32> to vector<16xi32>
      tpu.vector_store %arg6[%swap3A_765], %swap3A_768 {strides = array<i32>} : memref<32768xi32, #tpu.memory_space<vmem>>, vector<16xi32>,
      %mul3A_769 = arith.constant 16 : i32
      %mul3A_770 = arith.muli %scan3A_571, %mul3A_769 : i32
      %add3A_771 = arith.constant 9 : i32
      %add3A_772 = arith.addi %mul3A_770, %add3A_771 : i32
      %mul3A_773 = arith.constant 16 : i32
      %mul3A_774 = arith.muli %add3A_772, %mul3A_773 : i32
      %get3A_775 = arith.index_cast %mul3A_774 : i32 to index
      %get3A_776 = tpu.vector_load %arg5[%get3A_775] {strides = array<i32>} : memref<32768xf32, #tpu.memory_space<vmem>>, vector<16xf32>,
      %get3A_777 = vector.shape_cast %get3A_776 : vector<16xf32> to vector<16xf32>
      %bitcast_convert_type3A_778 = tpu.bitcast %get3A_777 : vector<16xf32> -> vector<16xi32>
      %shift_right_arithmetic3A_779 = arith.constant 31 : i32
      %shift_right_arithmetic3A_780 = vector.broadcast %shift_right_arithmetic3A_779 : i32 to vector<16xi32>
      %shift_right_arithmetic3A_781 = arith.shrsi %bitcast_convert_type3A_778, %shift_right_arithmetic3A_780 : vector<16xi32>
      %or3A_782 = arith.constant -2147483648 : i32
      %or3A_783 = vector.broadcast %or3A_782 : i32 to vector<16xi32>
      %or3A_784 = arith.ori %shift_right_arithmetic3A_781, %or3A_783 : vector<16xi32>
      %xor3A_785 = arith.xori %bitcast_convert_type3A_778, %or3A_784 : vector<16xi32>
      %bitcast_convert_type3A_786 = tpu.bitcast %xor3A_785 : vector<16xi32> -> vector<16xi32>
      %swap3A_787 = arith.index_cast %mul3A_774 : i32 to index
      %swap3A_788 = tpu.vector_load %arg6[%swap3A_787] {strides = array<i32>} : memref<32768xi32, #tpu.memory_space<vmem>>, vector<16xi32>,
      %swap3A_789 = vector.shape_cast %swap3A_788 : vector<16xi32> to vector<16xi32>
      %swap3A_790 = vector.shape_cast %bitcast_convert_type3A_786 : vector<16xi32> to vector<16xi32>
      tpu.vector_store %arg6[%swap3A_787], %swap3A_790 {strides = array<i32>} : memref<32768xi32, #tpu.memory_space<vmem>>, vector<16xi32>,
      %mul3A_791 = arith.constant 16 : i32
      %mul3A_792 = arith.muli %scan3A_571, %mul3A_791 : i32
      %add3A_793 = arith.constant 10 : i32
      %add3A_794 = arith.addi %mul3A_792, %add3A_793 : i32
      %mul3A_795 = arith.constant 16 : i32
      %mul3A_796 = arith.muli %add3A_794, %mul3A_795 : i32
      %get3A_797 = arith.index_cast %mul3A_796 : i32 to index
      %get3A_798 = tpu.vector_load %arg5[%get3A_797] {strides = array<i32>} : memref<32768xf32, #tpu.memory_space<vmem>>, vector<16xf32>,
      %get3A_799 = vector.shape_cast %get3A_798 : vector<16xf32> to vector<16xf32>
      %bitcast_convert_type3A_800 = tpu.bitcast %get3A_799 : vector<16xf32> -> vector<16xi32>
      %shift_right_arithmetic3A_801 = arith.constant 31 : i32
      %shift_right_arithmetic3A_802 = vector.broadcast %shift_right_arithmetic3A_801 : i32 to vector<16xi32>
      %shift_right_arithmetic3A_803 = arith.shrsi %bitcast_convert_type3A_800, %shift_right_arithmetic3A_802 : vector<16xi32>
      %or3A_804 = arith.constant -2147483648 : i32
      %or3A_805 = vector.broadcast %or3A_804 : i32 to vector<16xi32>
      %or3A_806 = arith.ori %shift_right_arithmetic3A_803, %or3A_805 : vector<16xi32>
      %xor3A_807 = arith.xori %bitcast_convert_type3A_800, %or3A_806 : vector<16xi32>
      %bitcast_convert_type3A_808 = tpu.bitcast %xor3A_807 : vector<16xi32> -> vector<16xi32>
      %swap3A_809 = arith.index_cast %mul3A_796 : i32 to index
      %swap3A_810 = tpu.vector_load %arg6[%swap3A_809] {strides = array<i32>} : memref<32768xi32, #tpu.memory_space<vmem>>, vector<16xi32>,
      %swap3A_811 = vector.shape_cast %swap3A_810 : vector<16xi32> to vector<16xi32>
      %swap3A_812 = vector.shape_cast %bitcast_convert_type3A_808 : vector<16xi32> to vector<16xi32>
      tpu.vector_store %arg6[%swap3A_809], %swap3A_812 {strides = array<i32>} : memref<32768xi32, #tpu.memory_space<vmem>>, vector<16xi32>,
      %mul3A_813 = arith.constant 16 : i32
      %mul3A_814 = arith.muli %scan3A_571, %mul3A_813 : i32
      %add3A_815 = arith.constant 11 : i32
      %add3A_816 = arith.addi %mul3A_814, %add3A_815 : i32
      %mul3A_817 = arith.constant 16 : i32
      %mul3A_818 = arith.muli %add3A_816, %mul3A_817 : i32
      %get3A_819 = arith.index_cast %mul3A_818 : i32 to index
      %get3A_820 = tpu.vector_load %arg5[%get3A_819] {strides = array<i32>} : memref<32768xf32, #tpu.memory_space<vmem>>, vector<16xf32>,
      %get3A_821 = vector.shape_cast %get3A_820 : vector<16xf32> to vector<16xf32>
      %bitcast_convert_type3A_822 = tpu.bitcast %get3A_821 : vector<16xf32> -> vector<16xi32>
      %shift_right_arithmetic3A_823 = arith.constant 31 : i32
      %shift_right_arithmetic3A_824 = vector.broadcast %shift_right_arithmetic3A_823 : i32 to vector<16xi32>
      %shift_right_arithmetic3A_825 = arith.shrsi %bitcast_convert_type3A_822, %shift_right_arithmetic3A_824 : vector<16xi32>
      %or3A_826 = arith.constant -2147483648 : i32
      %or3A_827 = vector.broadcast %or3A_826 : i32 to vector<16xi32>
      %or3A_828 = arith.ori %shift_right_arithmetic3A_825, %or3A_827 : vector<16xi32>
      %xor3A_829 = arith.xori %bitcast_convert_type3A_822, %or3A_828 : vector<16xi32>
      %bitcast_convert_type3A_830 = tpu.bitcast %xor3A_829 : vector<16xi32> -> vector<16xi32>
      %swap3A_831 = arith.index_cast %mul3A_818 : i32 to index
      %swap3A_832 = tpu.vector_load %arg6[%swap3A_831] {strides = array<i32>} : memref<32768xi32, #tpu.memory_space<vmem>>, vector<16xi32>,
      %swap3A_833 = vector.shape_cast %swap3A_832 : vector<16xi32> to vector<16xi32>
      %swap3A_834 = vector.shape_cast %bitcast_convert_type3A_830 : vector<16xi32> to vector<16xi32>
      tpu.vector_store %arg6[%swap3A_831], %swap3A_834 {strides = array<i32>} : memref<32768xi32, #tpu.memory_space<vmem>>, vector<16xi32>,
      %mul3A_835 = arith.constant 16 : i32
      %mul3A_836 = arith.muli %scan3A_571, %mul3A_835 : i32
      %add3A_837 = arith.constant 12 : i32
      %add3A_838 = arith.addi %mul3A_836, %add3A_837 : i32
      %mul3A_839 = arith.constant 16 : i32
      %mul3A_840 = arith.muli %add3A_838, %mul3A_839 : i32
      %get3A_841 = arith.index_cast %mul3A_840 : i32 to index
      %get3A_842 = tpu.vector_load %arg5[%get3A_841] {strides = array<i32>} : memref<32768xf32, #tpu.memory_space<vmem>>, vector<16xf32>,
      %get3A_843 = vector.shape_cast %get3A_842 : vector<16xf32> to vector<16xf32>
      %bitcast_convert_type3A_844 = tpu.bitcast %get3A_843 : vector<16xf32> -> vector<16xi32>
      %shift_right_arithmetic3A_845 = arith.constant 31 : i32
      %shift_right_arithmetic3A_846 = vector.broadcast %shift_right_arithmetic3A_845 : i32 to vector<16xi32>
      %shift_right_arithmetic3A_847 = arith.shrsi %bitcast_convert_type3A_844, %shift_right_arithmetic3A_846 : vector<16xi32>
      %or3A_848 = arith.constant -2147483648 : i32
      %or3A_849 = vector.broadcast %or3A_848 : i32 to vector<16xi32>
      %or3A_850 = arith.ori %shift_right_arithmetic3A_847, %or3A_849 : vector<16xi32>
      %xor3A_851 = arith.xori %bitcast_convert_type3A_844, %or3A_850 : vector<16xi32>
      %bitcast_convert_type3A_852 = tpu.bitcast %xor3A_851 : vector<16xi32> -> vector<16xi32>
      %swap3A_853 = arith.index_cast %mul3A_840 : i32 to index
      %swap3A_854 = tpu.vector_load %arg6[%swap3A_853] {strides = array<i32>} : memref<32768xi32, #tpu.memory_space<vmem>>, vector<16xi32>,
      %swap3A_855 = vector.shape_cast %swap3A_854 : vector<16xi32> to vector<16xi32>
      %swap3A_856 = vector.shape_cast %bitcast_convert_type3A_852 : vector<16xi32> to vector<16xi32>
      tpu.vector_store %arg6[%swap3A_853], %swap3A_856 {strides = array<i32>} : memref<32768xi32, #tpu.memory_space<vmem>>, vector<16xi32>,
      %mul3A_857 = arith.constant 16 : i32
      %mul3A_858 = arith.muli %scan3A_571, %mul3A_857 : i32
      %add3A_859 = arith.constant 13 : i32
      %add3A_860 = arith.addi %mul3A_858, %add3A_859 : i32
      %mul3A_861 = arith.constant 16 : i32
      %mul3A_862 = arith.muli %add3A_860, %mul3A_861 : i32
      %get3A_863 = arith.index_cast %mul3A_862 : i32 to index
      %get3A_864 = tpu.vector_load %arg5[%get3A_863] {strides = array<i32>} : memref<32768xf32, #tpu.memory_space<vmem>>, vector<16xf32>,
      %get3A_865 = vector.shape_cast %get3A_864 : vector<16xf32> to vector<16xf32>
      %bitcast_convert_type3A_866 = tpu.bitcast %get3A_865 : vector<16xf32> -> vector<16xi32>
      %shift_right_arithmetic3A_867 = arith.constant 31 : i32
      %shift_right_arithmetic3A_868 = vector.broadcast %shift_right_arithmetic3A_867 : i32 to vector<16xi32>
      %shift_right_arithmetic3A_869 = arith.shrsi %bitcast_convert_type3A_866, %shift_right_arithmetic3A_868 : vector<16xi32>
      %or3A_870 = arith.constant -2147483648 : i32
      %or3A_871 = vector.broadcast %or3A_870 : i32 to vector<16xi32>
      %or3A_872 = arith.ori %shift_right_arithmetic3A_869, %or3A_871 : vector<16xi32>
      %xor3A_873 = arith.xori %bitcast_convert_type3A_866, %or3A_872 : vector<16xi32>
      %bitcast_convert_type3A_874 = tpu.bitcast %xor3A_873 : vector<16xi32> -> vector<16xi32>
      %swap3A_875 = arith.index_cast %mul3A_862 : i32 to index
      %swap3A_876 = tpu.vector_load %arg6[%swap3A_875] {strides = array<i32>} : memref<32768xi32, #tpu.memory_space<vmem>>, vector<16xi32>,
      %swap3A_877 = vector.shape_cast %swap3A_876 : vector<16xi32> to vector<16xi32>
      %swap3A_878 = vector.shape_cast %bitcast_convert_type3A_874 : vector<16xi32> to vector<16xi32>
      tpu.vector_store %arg6[%swap3A_875], %swap3A_878 {strides = array<i32>} : memref<32768xi32, #tpu.memory_space<vmem>>, vector<16xi32>,
      %mul3A_879 = arith.constant 16 : i32
      %mul3A_880 = arith.muli %scan3A_571, %mul3A_879 : i32
      %add3A_881 = arith.constant 14 : i32
      %add3A_882 = arith.addi %mul3A_880, %add3A_881 : i32
      %mul3A_883 = arith.constant 16 : i32
      %mul3A_884 = arith.muli %add3A_882, %mul3A_883 : i32
      %get3A_885 = arith.index_cast %mul3A_884 : i32 to index
      %get3A_886 = tpu.vector_load %arg5[%get3A_885] {strides = array<i32>} : memref<32768xf32, #tpu.memory_space<vmem>>, vector<16xf32>,
      %get3A_887 = vector.shape_cast %get3A_886 : vector<16xf32> to vector<16xf32>
      %bitcast_convert_type3A_888 = tpu.bitcast %get3A_887 : vector<16xf32> -> vector<16xi32>
      %shift_right_arithmetic3A_889 = arith.constant 31 : i32
      %shift_right_arithmetic3A_890 = vector.broadcast %shift_right_arithmetic3A_889 : i32 to vector<16xi32>
      %shift_right_arithmetic3A_891 = arith.shrsi %bitcast_convert_type3A_888, %shift_right_arithmetic3A_890 : vector<16xi32>
      %or3A_892 = arith.constant -2147483648 : i32
      %or3A_893 = vector.broadcast %or3A_892 : i32 to vector<16xi32>
      %or3A_894 = arith.ori %shift_right_arithmetic3A_891, %or3A_893 : vector<16xi32>
      %xor3A_895 = arith.xori %bitcast_convert_type3A_888, %or3A_894 : vector<16xi32>
      %bitcast_convert_type3A_896 = tpu.bitcast %xor3A_895 : vector<16xi32> -> vector<16xi32>
      %swap3A_897 = arith.index_cast %mul3A_884 : i32 to index
      %swap3A_898 = tpu.vector_load %arg6[%swap3A_897] {strides = array<i32>} : memref<32768xi32, #tpu.memory_space<vmem>>, vector<16xi32>,
      %swap3A_899 = vector.shape_cast %swap3A_898 : vector<16xi32> to vector<16xi32>
      %swap3A_900 = vector.shape_cast %bitcast_convert_type3A_896 : vector<16xi32> to vector<16xi32>
      tpu.vector_store %arg6[%swap3A_897], %swap3A_900 {strides = array<i32>} : memref<32768xi32, #tpu.memory_space<vmem>>, vector<16xi32>,
      %mul3A_901 = arith.constant 16 : i32
      %mul3A_902 = arith.muli %scan3A_571, %mul3A_901 : i32
      %add3A_903 = arith.constant 15 : i32
      %add3A_904 = arith.addi %mul3A_902, %add3A_903 : i32
      %mul3A_905 = arith.constant 16 : i32
      %mul3A_906 = arith.muli %add3A_904, %mul3A_905 : i32
      %get3A_907 = arith.index_cast %mul3A_906 : i32 to index
      %get3A_908 = tpu.vector_load %arg5[%get3A_907] {strides = array<i32>} : memref<32768xf32, #tpu.memory_space<vmem>>, vector<16xf32>,
      %get3A_909 = vector.shape_cast %get3A_908 : vector<16xf32> to vector<16xf32>
      %bitcast_convert_type3A_910 = tpu.bitcast %get3A_909 : vector<16xf32> -> vector<16xi32>
      %shift_right_arithmetic3A_911 = arith.constant 31 : i32
      %shift_right_arithmetic3A_912 = vector.broadcast %shift_right_arithmetic3A_911 : i32 to vector<16xi32>
      %shift_right_arithmetic3A_913 = arith.shrsi %bitcast_convert_type3A_910, %shift_right_arithmetic3A_912 : vector<16xi32>
      %or3A_914 = arith.constant -2147483648 : i32
      %or3A_915 = vector.broadcast %or3A_914 : i32 to vector<16xi32>
      %or3A_916 = arith.ori %shift_right_arithmetic3A_913, %or3A_915 : vector<16xi32>
      %xor3A_917 = arith.xori %bitcast_convert_type3A_910, %or3A_916 : vector<16xi32>
      %bitcast_convert_type3A_918 = tpu.bitcast %xor3A_917 : vector<16xi32> -> vector<16xi32>
      %swap3A_919 = arith.index_cast %mul3A_906 : i32 to index
      %swap3A_920 = tpu.vector_load %arg6[%swap3A_919] {strides = array<i32>} : memref<32768xi32, #tpu.memory_space<vmem>>, vector<16xi32>,
      %swap3A_921 = vector.shape_cast %swap3A_920 : vector<16xi32> to vector<16xi32>
      %swap3A_922 = vector.shape_cast %bitcast_convert_type3A_918 : vector<16xi32> to vector<16xi32>
      tpu.vector_store %arg6[%swap3A_919], %swap3A_922 {strides = array<i32>} : memref<32768xi32, #tpu.memory_space<vmem>>, vector<16xi32>,
      %scan3A_923 = arith.constant 0 : i32
      scf.yield %scan3A_923 : i32
    }
    %scan3A_11 = arith.constant 128 : i32
    %scan3A_12 = arith.constant 26215 : i32
    %scan3A_13 = arith.constant 498073 : i32
    %scan3A_14 = arith.constant 0 : i32
    %scan3A_15 = arith.constant 0 : i32
    %scan3A_16 = arith.constant -2147483648 : i32
    %scan3A_17 = arith.constant 0 : i32
    %scan3A_18 = arith.constant 32 : i32
    %scan3A_19 = arith.addi %scan3A_17, %scan3A_18 : i32
    %scan3A_20 = arith.constant 1 : i32
    %scan3A_21:3 = scf.for %scan3A_571 = %scan3A_17 to %scan3A_19 step %scan3A_20 iter_args(%scan3A_572 = %scan3A_14, %scan3A_573 = %scan3A_15, %scan3A_574 = %scan3A_16) -> (i32, i32, i32)  : i32 {
      %or3A = arith.ori %scan3A_572, %scan3A_574 : i32
      %or3A_575 = arith.ori %scan3A_573, %scan3A_574 : i32
      %scan3A_576 = arith.constant 0 : i32
      %scan3A_577 = arith.constant 8 : i32
      %scan3A_578 = arith.addi %scan3A_576, %scan3A_577 : i32
      %scan3A_579 = arith.constant 1 : i32
      %scan3A_580:2 = scf.for %scan3A_827 = %scan3A_576 to %scan3A_578 step %scan3A_579 iter_args(%scan3A_828 = %broadcast_in_dim3A_3, %scan3A_829 = %broadcast_in_dim3A_3) -> (vector<16xi32>, vector<16xi32>)  : i32 {
        %mul3A_830 = arith.constant 16 : i32
        %mul3A_831 = arith.muli %scan3A_827, %mul3A_830 : i32
        %add3A_832 = arith.constant 0 : i32
        %add3A_833 = arith.addi %mul3A_831, %add3A_832 : i32
        %mul3A_834 = arith.constant 16 : i32
        %mul3A_835 = arith.muli %add3A_833, %mul3A_834 : i32
        %get3A_836 = arith.index_cast %mul3A_835 : i32 to index
        %get3A_837 = tpu.vector_load %arg6[%get3A_836] {strides = array<i32>} : memref<32768xi32, #tpu.memory_space<vmem>>, vector<16xi32>,
        %get3A_838 = vector.shape_cast %get3A_837 : vector<16xi32> to vector<16xi32>
        %lt3A = vector.broadcast %or3A : i32 to vector<16xi32>
        %lt3A_839 = arith.cmpi ult, %get3A_838, %lt3A : vector<16xi32>
        %select_n3A_840 = arith.select %lt3A_839, %broadcast_in_dim3A_1, %broadcast_in_dim3A_3 : vector<16xi1>, vector<16xi32>
        %add3A_841 = arith.addi %scan3A_828, %select_n3A_840 : vector<16xi32>
        %lt3A_842 = vector.broadcast %or3A_575 : i32 to vector<16xi32>
        %lt3A_843 = arith.cmpi ult, %get3A_838, %lt3A_842 : vector<16xi32>
        %select_n3A_844 = arith.select %lt3A_843, %broadcast_in_dim3A_1, %broadcast_in_dim3A_3 : vector<16xi1>, vector<16xi32>
        %add3A_845 = arith.addi %scan3A_829, %select_n3A_844 : vector<16xi32>
        %mul3A_846 = arith.constant 16 : i32
        %mul3A_847 = arith.muli %scan3A_827, %mul3A_846 : i32
        %add3A_848 = arith.constant 1 : i32
        %add3A_849 = arith.addi %mul3A_847, %add3A_848 : i32
        %mul3A_850 = arith.constant 16 : i32
        %mul3A_851 = arith.muli %add3A_849, %mul3A_850 : i32
        %get3A_852 = arith.index_cast %mul3A_851 : i32 to index
        %get3A_853 = tpu.vector_load %arg6[%get3A_852] {strides = array<i32>} : memref<32768xi32, #tpu.memory_space<vmem>>, vector<16xi32>,
        %get3A_854 = vector.shape_cast %get3A_853 : vector<16xi32> to vector<16xi32>
        %lt3A_855 = vector.broadcast %or3A : i32 to vector<16xi32>
        %lt3A_856 = arith.cmpi ult, %get3A_854, %lt3A_855 : vector<16xi32>
        %select_n3A_857 = arith.select %lt3A_856, %broadcast_in_dim3A_1, %broadcast_in_dim3A_3 : vector<16xi1>, vector<16xi32>
        %add3A_858 = arith.addi %add3A_841, %select_n3A_857 : vector<16xi32>
        %lt3A_859 = vector.broadcast %or3A_575 : i32 to vector<16xi32>
        %lt3A_860 = arith.cmpi ult, %get3A_854, %lt3A_859 : vector<16xi32>
        %select_n3A_861 = arith.select %lt3A_860, %broadcast_in_dim3A_1, %broadcast_in_dim3A_3 : vector<16xi1>, vector<16xi32>
        %add3A_862 = arith.addi %add3A_845, %select_n3A_861 : vector<16xi32>
        %mul3A_863 = arith.constant 16 : i32
        %mul3A_864 = arith.muli %scan3A_827, %mul3A_863 : i32
        %add3A_865 = arith.constant 2 : i32
        %add3A_866 = arith.addi %mul3A_864, %add3A_865 : i32
        %mul3A_867 = arith.constant 16 : i32
        %mul3A_868 = arith.muli %add3A_866, %mul3A_867 : i32
        %get3A_869 = arith.index_cast %mul3A_868 : i32 to index
        %get3A_870 = tpu.vector_load %arg6[%get3A_869] {strides = array<i32>} : memref<32768xi32, #tpu.memory_space<vmem>>, vector<16xi32>,
        %get3A_871 = vector.shape_cast %get3A_870 : vector<16xi32> to vector<16xi32>
        %lt3A_872 = vector.broadcast %or3A : i32 to vector<16xi32>
        %lt3A_873 = arith.cmpi ult, %get3A_871, %lt3A_872 : vector<16xi32>
        %select_n3A_874 = arith.select %lt3A_873, %broadcast_in_dim3A_1, %broadcast_in_dim3A_3 : vector<16xi1>, vector<16xi32>
        %add3A_875 = arith.addi %add3A_858, %select_n3A_874 : vector<16xi32>
        %lt3A_876 = vector.broadcast %or3A_575 : i32 to vector<16xi32>
        %lt3A_877 = arith.cmpi ult, %get3A_871, %lt3A_876 : vector<16xi32>
        %select_n3A_878 = arith.select %lt3A_877, %broadcast_in_dim3A_1, %broadcast_in_dim3A_3 : vector<16xi1>, vector<16xi32>
        %add3A_879 = arith.addi %add3A_862, %select_n3A_878 : vector<16xi32>
        %mul3A_880 = arith.constant 16 : i32
        %mul3A_881 = arith.muli %scan3A_827, %mul3A_880 : i32
        %add3A_882 = arith.constant 3 : i32
        %add3A_883 = arith.addi %mul3A_881, %add3A_882 : i32
        %mul3A_884 = arith.constant 16 : i32
        %mul3A_885 = arith.muli %add3A_883, %mul3A_884 : i32
        %get3A_886 = arith.index_cast %mul3A_885 : i32 to index
        %get3A_887 = tpu.vector_load %arg6[%get3A_886] {strides = array<i32>} : memref<32768xi32, #tpu.memory_space<vmem>>, vector<16xi32>,
        %get3A_888 = vector.shape_cast %get3A_887 : vector<16xi32> to vector<16xi32>
        %lt3A_889 = vector.broadcast %or3A : i32 to vector<16xi32>
        %lt3A_890 = arith.cmpi ult, %get3A_888, %lt3A_889 : vector<16xi32>
        %select_n3A_891 = arith.select %lt3A_890, %broadcast_in_dim3A_1, %broadcast_in_dim3A_3 : vector<16xi1>, vector<16xi32>
        %add3A_892 = arith.addi %add3A_875, %select_n3A_891 : vector<16xi32>
        %lt3A_893 = vector.broadcast %or3A_575 : i32 to vector<16xi32>
        %lt3A_894 = arith.cmpi ult, %get3A_888, %lt3A_893 : vector<16xi32>
        %select_n3A_895 = arith.select %lt3A_894, %broadcast_in_dim3A_1, %broadcast_in_dim3A_3 : vector<16xi1>, vector<16xi32>
        %add3A_896 = arith.addi %add3A_879, %select_n3A_895 : vector<16xi32>
        %mul3A_897 = arith.constant 16 : i32
        %mul3A_898 = arith.muli %scan3A_827, %mul3A_897 : i32
        %add3A_899 = arith.constant 4 : i32
        %add3A_900 = arith.addi %mul3A_898, %add3A_899 : i32
        %mul3A_901 = arith.constant 16 : i32
        %mul3A_902 = arith.muli %add3A_900, %mul3A_901 : i32
        %get3A_903 = arith.index_cast %mul3A_902 : i32 to index
        %get3A_904 = tpu.vector_load %arg6[%get3A_903] {strides = array<i32>} : memref<32768xi32, #tpu.memory_space<vmem>>, vector<16xi32>,
        %get3A_905 = vector.shape_cast %get3A_904 : vector<16xi32> to vector<16xi32>
        %lt3A_906 = vector.broadcast %or3A : i32 to vector<16xi32>
        %lt3A_907 = arith.cmpi ult, %get3A_905, %lt3A_906 : vector<16xi32>
        %select_n3A_908 = arith.select %lt3A_907, %broadcast_in_dim3A_1, %broadcast_in_dim3A_3 : vector<16xi1>, vector<16xi32>
        %add3A_909 = arith.addi %add3A_892, %select_n3A_908 : vector<16xi32>
        %lt3A_910 = vector.broadcast %or3A_575 : i32 to vector<16xi32>
        %lt3A_911 = arith.cmpi ult, %get3A_905, %lt3A_910 : vector<16xi32>
        %select_n3A_912 = arith.select %lt3A_911, %broadcast_in_dim3A_1, %broadcast_in_dim3A_3 : vector<16xi1>, vector<16xi32>
        %add3A_913 = arith.addi %add3A_896, %select_n3A_912 : vector<16xi32>
        %mul3A_914 = arith.constant 16 : i32
        %mul3A_915 = arith.muli %scan3A_827, %mul3A_914 : i32
        %add3A_916 = arith.constant 5 : i32
        %add3A_917 = arith.addi %mul3A_915, %add3A_916 : i32
        %mul3A_918 = arith.constant 16 : i32
        %mul3A_919 = arith.muli %add3A_917, %mul3A_918 : i32
        %get3A_920 = arith.index_cast %mul3A_919 : i32 to index
        %get3A_921 = tpu.vector_load %arg6[%get3A_920] {strides = array<i32>} : memref<32768xi32, #tpu.memory_space<vmem>>, vector<16xi32>,
        %get3A_922 = vector.shape_cast %get3A_921 : vector<16xi32> to vector<16xi32>
        %lt3A_923 = vector.broadcast %or3A : i32 to vector<16xi32>
        %lt3A_924 = arith.cmpi ult, %get3A_922, %lt3A_923 : vector<16xi32>
        %select_n3A_925 = arith.select %lt3A_924, %broadcast_in_dim3A_1, %broadcast_in_dim3A_3 : vector<16xi1>, vector<16xi32>
        %add3A_926 = arith.addi %add3A_909, %select_n3A_925 : vector<16xi32>
        %lt3A_927 = vector.broadcast %or3A_575 : i32 to vector<16xi32>
        %lt3A_928 = arith.cmpi ult, %get3A_922, %lt3A_927 : vector<16xi32>
        %select_n3A_929 = arith.select %lt3A_928, %broadcast_in_dim3A_1, %broadcast_in_dim3A_3 : vector<16xi1>, vector<16xi32>
        %add3A_930 = arith.addi %add3A_913, %select_n3A_929 : vector<16xi32>
        %mul3A_931 = arith.constant 16 : i32
        %mul3A_932 = arith.muli %scan3A_827, %mul3A_931 : i32
        %add3A_933 = arith.constant 6 : i32
        %add3A_934 = arith.addi %mul3A_932, %add3A_933 : i32
        %mul3A_935 = arith.constant 16 : i32
        %mul3A_936 = arith.muli %add3A_934, %mul3A_935 : i32
        %get3A_937 = arith.index_cast %mul3A_936 : i32 to index
        %get3A_938 = tpu.vector_load %arg6[%get3A_937] {strides = array<i32>} : memref<32768xi32, #tpu.memory_space<vmem>>, vector<16xi32>,
        %get3A_939 = vector.shape_cast %get3A_938 : vector<16xi32> to vector<16xi32>
        %lt3A_940 = vector.broadcast %or3A : i32 to vector<16xi32>
        %lt3A_941 = arith.cmpi ult, %get3A_939, %lt3A_940 : vector<16xi32>
        %select_n3A_942 = arith.select %lt3A_941, %broadcast_in_dim3A_1, %broadcast_in_dim3A_3 : vector<16xi1>, vector<16xi32>
        %add3A_943 = arith.addi %add3A_926, %select_n3A_942 : vector<16xi32>
        %lt3A_944 = vector.broadcast %or3A_575 : i32 to vector<16xi32>
        %lt3A_945 = arith.cmpi ult, %get3A_939, %lt3A_944 : vector<16xi32>
        %select_n3A_946 = arith.select %lt3A_945, %broadcast_in_dim3A_1, %broadcast_in_dim3A_3 : vector<16xi1>, vector<16xi32>
        %add3A_947 = arith.addi %add3A_930, %select_n3A_946 : vector<16xi32>
        %mul3A_948 = arith.constant 16 : i32
        %mul3A_949 = arith.muli %scan3A_827, %mul3A_948 : i32
        %add3A_950 = arith.constant 7 : i32
        %add3A_951 = arith.addi %mul3A_949, %add3A_950 : i32
        %mul3A_952 = arith.constant 16 : i32
        %mul3A_953 = arith.muli %add3A_951, %mul3A_952 : i32
        %get3A_954 = arith.index_cast %mul3A_953 : i32 to index
        %get3A_955 = tpu.vector_load %arg6[%get3A_954] {strides = array<i32>} : memref<32768xi32, #tpu.memory_space<vmem>>, vector<16xi32>,
        %get3A_956 = vector.shape_cast %get3A_955 : vector<16xi32> to vector<16xi32>
        %lt3A_957 = vector.broadcast %or3A : i32 to vector<16xi32>
        %lt3A_958 = arith.cmpi ult, %get3A_956, %lt3A_957 : vector<16xi32>
        %select_n3A_959 = arith.select %lt3A_958, %broadcast_in_dim3A_1, %broadcast_in_dim3A_3 : vector<16xi1>, vector<16xi32>
        %add3A_960 = arith.addi %add3A_943, %select_n3A_959 : vector<16xi32>
        %lt3A_961 = vector.broadcast %or3A_575 : i32 to vector<16xi32>
        %lt3A_962 = arith.cmpi ult, %get3A_956, %lt3A_961 : vector<16xi32>
        %select_n3A_963 = arith.select %lt3A_962, %broadcast_in_dim3A_1, %broadcast_in_dim3A_3 : vector<16xi1>, vector<16xi32>
        %add3A_964 = arith.addi %add3A_947, %select_n3A_963 : vector<16xi32>
        %mul3A_965 = arith.constant 16 : i32
        %mul3A_966 = arith.muli %scan3A_827, %mul3A_965 : i32
        %add3A_967 = arith.constant 8 : i32
        %add3A_968 = arith.addi %mul3A_966, %add3A_967 : i32
        %mul3A_969 = arith.constant 16 : i32
        %mul3A_970 = arith.muli %add3A_968, %mul3A_969 : i32
        %get3A_971 = arith.index_cast %mul3A_970 : i32 to index
        %get3A_972 = tpu.vector_load %arg6[%get3A_971] {strides = array<i32>} : memref<32768xi32, #tpu.memory_space<vmem>>, vector<16xi32>,
        %get3A_973 = vector.shape_cast %get3A_972 : vector<16xi32> to vector<16xi32>
        %lt3A_974 = vector.broadcast %or3A : i32 to vector<16xi32>
        %lt3A_975 = arith.cmpi ult, %get3A_973, %lt3A_974 : vector<16xi32>
        %select_n3A_976 = arith.select %lt3A_975, %broadcast_in_dim3A_1, %broadcast_in_dim3A_3 : vector<16xi1>, vector<16xi32>
        %add3A_977 = arith.addi %add3A_960, %select_n3A_976 : vector<16xi32>
        %lt3A_978 = vector.broadcast %or3A_575 : i32 to vector<16xi32>
        %lt3A_979 = arith.cmpi ult, %get3A_973, %lt3A_978 : vector<16xi32>
        %select_n3A_980 = arith.select %lt3A_979, %broadcast_in_dim3A_1, %broadcast_in_dim3A_3 : vector<16xi1>, vector<16xi32>
        %add3A_981 = arith.addi %add3A_964, %select_n3A_980 : vector<16xi32>
        %mul3A_982 = arith.constant 16 : i32
        %mul3A_983 = arith.muli %scan3A_827, %mul3A_982 : i32
        %add3A_984 = arith.constant 9 : i32
        %add3A_985 = arith.addi %mul3A_983, %add3A_984 : i32
        %mul3A_986 = arith.constant 16 : i32
        %mul3A_987 = arith.muli %add3A_985, %mul3A_986 : i32
        %get3A_988 = arith.index_cast %mul3A_987 : i32 to index
        %get3A_989 = tpu.vector_load %arg6[%get3A_988] {strides = array<i32>} : memref<32768xi32, #tpu.memory_space<vmem>>, vector<16xi32>,
        %get3A_990 = vector.shape_cast %get3A_989 : vector<16xi32> to vector<16xi32>
        %lt3A_991 = vector.broadcast %or3A : i32 to vector<16xi32>
        %lt3A_992 = arith.cmpi ult, %get3A_990, %lt3A_991 : vector<16xi32>
        %select_n3A_993 = arith.select %lt3A_992, %broadcast_in_dim3A_1, %broadcast_in_dim3A_3 : vector<16xi1>, vector<16xi32>
        %add3A_994 = arith.addi %add3A_977, %select_n3A_993 : vector<16xi32>
        %lt3A_995 = vector.broadcast %or3A_575 : i32 to vector<16xi32>
        %lt3A_996 = arith.cmpi ult, %get3A_990, %lt3A_995 : vector<16xi32>
        %select_n3A_997 = arith.select %lt3A_996, %broadcast_in_dim3A_1, %broadcast_in_dim3A_3 : vector<16xi1>, vector<16xi32>
        %add3A_998 = arith.addi %add3A_981, %select_n3A_997 : vector<16xi32>
        %mul3A_999 = arith.constant 16 : i32
        %mul3A_1000 = arith.muli %scan3A_827, %mul3A_999 : i32
        %add3A_1001 = arith.constant 10 : i32
        %add3A_1002 = arith.addi %mul3A_1000, %add3A_1001 : i32
        %mul3A_1003 = arith.constant 16 : i32
        %mul3A_1004 = arith.muli %add3A_1002, %mul3A_1003 : i32
        %get3A_1005 = arith.index_cast %mul3A_1004 : i32 to index
        %get3A_1006 = tpu.vector_load %arg6[%get3A_1005] {strides = array<i32>} : memref<32768xi32, #tpu.memory_space<vmem>>, vector<16xi32>,
        %get3A_1007 = vector.shape_cast %get3A_1006 : vector<16xi32> to vector<16xi32>
        %lt3A_1008 = vector.broadcast %or3A : i32 to vector<16xi32>
        %lt3A_1009 = arith.cmpi ult, %get3A_1007, %lt3A_1008 : vector<16xi32>
        %select_n3A_1010 = arith.select %lt3A_1009, %broadcast_in_dim3A_1, %broadcast_in_dim3A_3 : vector<16xi1>, vector<16xi32>
        %add3A_1011 = arith.addi %add3A_994, %select_n3A_1010 : vector<16xi32>
        %lt3A_1012 = vector.broadcast %or3A_575 : i32 to vector<16xi32>
        %lt3A_1013 = arith.cmpi ult, %get3A_1007, %lt3A_1012 : vector<16xi32>
        %select_n3A_1014 = arith.select %lt3A_1013, %broadcast_in_dim3A_1, %broadcast_in_dim3A_3 : vector<16xi1>, vector<16xi32>
        %add3A_1015 = arith.addi %add3A_998, %select_n3A_1014 : vector<16xi32>
        %mul3A_1016 = arith.constant 16 : i32
        %mul3A_1017 = arith.muli %scan3A_827, %mul3A_1016 : i32
        %add3A_1018 = arith.constant 11 : i32
        %add3A_1019 = arith.addi %mul3A_1017, %add3A_1018 : i32
        %mul3A_1020 = arith.constant 16 : i32
        %mul3A_1021 = arith.muli %add3A_1019, %mul3A_1020 : i32
        %get3A_1022 = arith.index_cast %mul3A_1021 : i32 to index
        %get3A_1023 = tpu.vector_load %arg6[%get3A_1022] {strides = array<i32>} : memref<32768xi32, #tpu.memory_space<vmem>>, vector<16xi32>,
        %get3A_1024 = vector.shape_cast %get3A_1023 : vector<16xi32> to vector<16xi32>
        %lt3A_1025 = vector.broadcast %or3A : i32 to vector<16xi32>
        %lt3A_1026 = arith.cmpi ult, %get3A_1024, %lt3A_1025 : vector<16xi32>
        %select_n3A_1027 = arith.select %lt3A_1026, %broadcast_in_dim3A_1, %broadcast_in_dim3A_3 : vector<16xi1>, vector<16xi32>
        %add3A_1028 = arith.addi %add3A_1011, %select_n3A_1027 : vector<16xi32>
        %lt3A_1029 = vector.broadcast %or3A_575 : i32 to vector<16xi32>
        %lt3A_1030 = arith.cmpi ult, %get3A_1024, %lt3A_1029 : vector<16xi32>
        %select_n3A_1031 = arith.select %lt3A_1030, %broadcast_in_dim3A_1, %broadcast_in_dim3A_3 : vector<16xi1>, vector<16xi32>
        %add3A_1032 = arith.addi %add3A_1015, %select_n3A_1031 : vector<16xi32>
        %mul3A_1033 = arith.constant 16 : i32
        %mul3A_1034 = arith.muli %scan3A_827, %mul3A_1033 : i32
        %add3A_1035 = arith.constant 12 : i32
        %add3A_1036 = arith.addi %mul3A_1034, %add3A_1035 : i32
        %mul3A_1037 = arith.constant 16 : i32
        %mul3A_1038 = arith.muli %add3A_1036, %mul3A_1037 : i32
        %get3A_1039 = arith.index_cast %mul3A_1038 : i32 to index
        %get3A_1040 = tpu.vector_load %arg6[%get3A_1039] {strides = array<i32>} : memref<32768xi32, #tpu.memory_space<vmem>>, vector<16xi32>,
        %get3A_1041 = vector.shape_cast %get3A_1040 : vector<16xi32> to vector<16xi32>
        %lt3A_1042 = vector.broadcast %or3A : i32 to vector<16xi32>
        %lt3A_1043 = arith.cmpi ult, %get3A_1041, %lt3A_1042 : vector<16xi32>
        %select_n3A_1044 = arith.select %lt3A_1043, %broadcast_in_dim3A_1, %broadcast_in_dim3A_3 : vector<16xi1>, vector<16xi32>
        %add3A_1045 = arith.addi %add3A_1028, %select_n3A_1044 : vector<16xi32>
        %lt3A_1046 = vector.broadcast %or3A_575 : i32 to vector<16xi32>
        %lt3A_1047 = arith.cmpi ult, %get3A_1041, %lt3A_1046 : vector<16xi32>
        %select_n3A_1048 = arith.select %lt3A_1047, %broadcast_in_dim3A_1, %broadcast_in_dim3A_3 : vector<16xi1>, vector<16xi32>
        %add3A_1049 = arith.addi %add3A_1032, %select_n3A_1048 : vector<16xi32>
        %mul3A_1050 = arith.constant 16 : i32
        %mul3A_1051 = arith.muli %scan3A_827, %mul3A_1050 : i32
        %add3A_1052 = arith.constant 13 : i32
        %add3A_1053 = arith.addi %mul3A_1051, %add3A_1052 : i32
        %mul3A_1054 = arith.constant 16 : i32
        %mul3A_1055 = arith.muli %add3A_1053, %mul3A_1054 : i32
        %get3A_1056 = arith.index_cast %mul3A_1055 : i32 to index
        %get3A_1057 = tpu.vector_load %arg6[%get3A_1056] {strides = array<i32>} : memref<32768xi32, #tpu.memory_space<vmem>>, vector<16xi32>,
        %get3A_1058 = vector.shape_cast %get3A_1057 : vector<16xi32> to vector<16xi32>
        %lt3A_1059 = vector.broadcast %or3A : i32 to vector<16xi32>
        %lt3A_1060 = arith.cmpi ult, %get3A_1058, %lt3A_1059 : vector<16xi32>
        %select_n3A_1061 = arith.select %lt3A_1060, %broadcast_in_dim3A_1, %broadcast_in_dim3A_3 : vector<16xi1>, vector<16xi32>
        %add3A_1062 = arith.addi %add3A_1045, %select_n3A_1061 : vector<16xi32>
        %lt3A_1063 = vector.broadcast %or3A_575 : i32 to vector<16xi32>
        %lt3A_1064 = arith.cmpi ult, %get3A_1058, %lt3A_1063 : vector<16xi32>
        %select_n3A_1065 = arith.select %lt3A_1064, %broadcast_in_dim3A_1, %broadcast_in_dim3A_3 : vector<16xi1>, vector<16xi32>
        %add3A_1066 = arith.addi %add3A_1049, %select_n3A_1065 : vector<16xi32>
        %mul3A_1067 = arith.constant 16 : i32
        %mul3A_1068 = arith.muli %scan3A_827, %mul3A_1067 : i32
        %add3A_1069 = arith.constant 14 : i32
        %add3A_1070 = arith.addi %mul3A_1068, %add3A_1069 : i32
        %mul3A_1071 = arith.constant 16 : i32
        %mul3A_1072 = arith.muli %add3A_1070, %mul3A_1071 : i32
        %get3A_1073 = arith.index_cast %mul3A_1072 : i32 to index
        %get3A_1074 = tpu.vector_load %arg6[%get3A_1073] {strides = array<i32>} : memref<32768xi32, #tpu.memory_space<vmem>>, vector<16xi32>,
        %get3A_1075 = vector.shape_cast %get3A_1074 : vector<16xi32> to vector<16xi32>
        %lt3A_1076 = vector.broadcast %or3A : i32 to vector<16xi32>
        %lt3A_1077 = arith.cmpi ult, %get3A_1075, %lt3A_1076 : vector<16xi32>
        %select_n3A_1078 = arith.select %lt3A_1077, %broadcast_in_dim3A_1, %broadcast_in_dim3A_3 : vector<16xi1>, vector<16xi32>
        %add3A_1079 = arith.addi %add3A_1062, %select_n3A_1078 : vector<16xi32>
        %lt3A_1080 = vector.broadcast %or3A_575 : i32 to vector<16xi32>
        %lt3A_1081 = arith.cmpi ult, %get3A_1075, %lt3A_1080 : vector<16xi32>
        %select_n3A_1082 = arith.select %lt3A_1081, %broadcast_in_dim3A_1, %broadcast_in_dim3A_3 : vector<16xi1>, vector<16xi32>
        %add3A_1083 = arith.addi %add3A_1066, %select_n3A_1082 : vector<16xi32>
        %mul3A_1084 = arith.constant 16 : i32
        %mul3A_1085 = arith.muli %scan3A_827, %mul3A_1084 : i32
        %add3A_1086 = arith.constant 15 : i32
        %add3A_1087 = arith.addi %mul3A_1085, %add3A_1086 : i32
        %mul3A_1088 = arith.constant 16 : i32
        %mul3A_1089 = arith.muli %add3A_1087, %mul3A_1088 : i32
        %get3A_1090 = arith.index_cast %mul3A_1089 : i32 to index
        %get3A_1091 = tpu.vector_load %arg6[%get3A_1090] {strides = array<i32>} : memref<32768xi32, #tpu.memory_space<vmem>>, vector<16xi32>,
        %get3A_1092 = vector.shape_cast %get3A_1091 : vector<16xi32> to vector<16xi32>
        %lt3A_1093 = vector.broadcast %or3A : i32 to vector<16xi32>
        %lt3A_1094 = arith.cmpi ult, %get3A_1092, %lt3A_1093 : vector<16xi32>
        %select_n3A_1095 = arith.select %lt3A_1094, %broadcast_in_dim3A_1, %broadcast_in_dim3A_3 : vector<16xi1>, vector<16xi32>
        %add3A_1096 = arith.addi %add3A_1079, %select_n3A_1095 : vector<16xi32>
        %lt3A_1097 = vector.broadcast %or3A_575 : i32 to vector<16xi32>
        %lt3A_1098 = arith.cmpi ult, %get3A_1092, %lt3A_1097 : vector<16xi32>
        %select_n3A_1099 = arith.select %lt3A_1098, %broadcast_in_dim3A_1, %broadcast_in_dim3A_3 : vector<16xi1>, vector<16xi32>
        %add3A_1100 = arith.addi %add3A_1083, %select_n3A_1099 : vector<16xi32>
        scf.yield %add3A_1096, %add3A_1100 : vector<16xi32>, vector<16xi32>
      }
      %scan3A_581 = arith.constant 8 : i32
      %swap3A_582 = arith.constant 0 : index
      %swap3A_583 = tpu.vector_load %arg7[%swap3A_582] {strides = array<i32>} : memref<32xi32, #tpu.memory_space<vmem>>, vector<16xi32>,
      %swap3A_584 = vector.shape_cast %swap3A_583 : vector<16xi32> to vector<16xi32>
      %swap3A_585 = vector.shape_cast %scan3A_580#0 : vector<16xi32> to vector<16xi32>
      tpu.vector_store %arg7[%swap3A_582], %swap3A_585 {strides = array<i32>} : memref<32xi32, #tpu.memory_space<vmem>>, vector<16xi32>,
      %swap3A_586 = arith.constant 16 : index
      %swap3A_587 = tpu.vector_load %arg7[%swap3A_586] {strides = array<i32>} : memref<32xi32, #tpu.memory_space<vmem>>, vector<16xi32>,
      %swap3A_588 = vector.shape_cast %swap3A_587 : vector<16xi32> to vector<16xi32>
      %swap3A_589 = vector.shape_cast %scan3A_580#1 : vector<16xi32> to vector<16xi32>
      tpu.vector_store %arg7[%swap3A_586], %swap3A_589 {strides = array<i32>} : memref<32xi32, #tpu.memory_space<vmem>>, vector<16xi32>,
      %and3A = arith.constant 1 : i32
      %and3A_590 = arith.andi %scan3A_571, %and3A : i32
      %mul3A_591 = arith.constant 16 : i32
      %mul3A_592 = arith.muli %and3A_590, %mul3A_591 : i32
      %add3A_593 = arith.addi %mul3A_592, %arg1 : i32
      %mul3A_594 = arith.constant 32 : i32
      %mul3A_595 = arith.muli %add3A_593, %mul3A_594 : i32
      "tpu.region"() ({
        %run_scoped3A = tpu.sem_alloc : memref<!tpu.dma_semaphore, #tpu.memory_space<semaphore_mem>>
        %dma_start3A = tpu.memref_slice %arg13[%mul3A_595] : memref<1024xi32, #tpu.memory_space<vmem_shared>> -> memref<32xi32, #tpu.memory_space<vmem_shared>>
        %dma_start3A_827 = tpu.memref_slice %arg13[%mul3A_595] : memref<1024xi32, #tpu.memory_space<vmem_shared>> -> memref<32xi32, #tpu.memory_space<vmem_shared>>
        tpu.enqueue_dma source(%arg7 : memref<32xi32, #tpu.memory_space<vmem>>) target(%dma_start3A_827 : memref<32xi32, #tpu.memory_space<vmem_shared>>) target_semaphore(%run_scoped3A : memref<!tpu.dma_semaphore, #tpu.memory_space<semaphore_mem>>)
        %dma_wait3A = tpu.memref_slice %arg13[%mul3A_595] : memref<1024xi32, #tpu.memory_space<vmem_shared>> -> memref<32xi32, #tpu.memory_space<vmem_shared>>
        %dma_wait3A_828 = tpu.memref_slice %arg13[%mul3A_595] : memref<1024xi32, #tpu.memory_space<vmem_shared>> -> memref<32xi32, #tpu.memory_space<vmem_shared>>
        tpu.wait_dma2 semaphore(%run_scoped3A : memref<!tpu.dma_semaphore, #tpu.memory_space<semaphore_mem>>) src(%arg7 : memref<32xi32, #tpu.memory_space<vmem>>) dst(%dma_wait3A_828 : memref<32xi32, #tpu.memory_space<vmem_shared>>)
        tpu.yield
      }) : () -> ()
      %barrier3A_596 = arith.constant 0 : index
      tpu.barrier barrier_id(%barrier3A_596)
      %mul3A_597 = arith.constant 512 : i32
      %mul3A_598 = arith.muli %and3A_590, %mul3A_597 : i32
      "tpu.region"() ({
        %run_scoped3A = tpu.sem_alloc : memref<!tpu.dma_semaphore, #tpu.memory_space<semaphore_mem>>
        %dma_start3A = tpu.memref_slice %arg13[%mul3A_598] : memref<1024xi32, #tpu.memory_space<vmem_shared>> -> memref<512xi32, #tpu.memory_space<vmem_shared>>
        %dma_start3A_827 = tpu.memref_slice %arg13[%mul3A_598] : memref<1024xi32, #tpu.memory_space<vmem_shared>> -> memref<512xi32, #tpu.memory_space<vmem_shared>>
        tpu.enqueue_dma source(%dma_start3A_827 : memref<512xi32, #tpu.memory_space<vmem_shared>>) target(%arg8 : memref<512xi32, #tpu.memory_space<vmem>>) target_semaphore(%run_scoped3A : memref<!tpu.dma_semaphore, #tpu.memory_space<semaphore_mem>>)
        %dma_wait3A = tpu.memref_slice %arg13[%mul3A_598] : memref<1024xi32, #tpu.memory_space<vmem_shared>> -> memref<512xi32, #tpu.memory_space<vmem_shared>>
        %dma_wait3A_828 = tpu.memref_slice %arg13[%mul3A_598] : memref<1024xi32, #tpu.memory_space<vmem_shared>> -> memref<512xi32, #tpu.memory_space<vmem_shared>>
        tpu.wait_dma2 semaphore(%run_scoped3A : memref<!tpu.dma_semaphore, #tpu.memory_space<semaphore_mem>>) src(%dma_wait3A_828 : memref<512xi32, #tpu.memory_space<vmem_shared>>) dst(%arg8 : memref<512xi32, #tpu.memory_space<vmem>>)
        tpu.yield
      }) : () -> ()
      %get3A_599 = arith.constant 0 : index
      %get3A_600 = tpu.vector_load %arg8[%get3A_599] {strides = array<i32>} : memref<512xi32, #tpu.memory_space<vmem>>, vector<16xi32>,
      %get3A_601 = vector.shape_cast %get3A_600 : vector<16xi32> to vector<16xi32>
      %add3A_602 = arith.addi %broadcast_in_dim3A_3, %get3A_601 : vector<16xi32>
      %get3A_603 = arith.constant 16 : index
      %get3A_604 = tpu.vector_load %arg8[%get3A_603] {strides = array<i32>} : memref<512xi32, #tpu.memory_space<vmem>>, vector<16xi32>,
      %get3A_605 = vector.shape_cast %get3A_604 : vector<16xi32> to vector<16xi32>
      %add3A_606 = arith.addi %broadcast_in_dim3A_3, %get3A_605 : vector<16xi32>
      %get3A_607 = arith.constant 32 : index
      %get3A_608 = tpu.vector_load %arg8[%get3A_607] {strides = array<i32>} : memref<512xi32, #tpu.memory_space<vmem>>, vector<16xi32>,
      %get3A_609 = vector.shape_cast %get3A_608 : vector<16xi32> to vector<16xi32>
      %add3A_610 = arith.addi %add3A_602, %get3A_609 : vector<16xi32>
      %get3A_611 = arith.constant 48 : index
      %get3A_612 = tpu.vector_load %arg8[%get3A_611] {strides = array<i32>} : memref<512xi32, #tpu.memory_space<vmem>>, vector<16xi32>,
      %get3A_613 = vector.shape_cast %get3A_612 : vector<16xi32> to vector<16xi32>
      %add3A_614 = arith.addi %add3A_606, %get3A_613 : vector<16xi32>
      %get3A_615 = arith.constant 64 : index
      %get3A_616 = tpu.vector_load %arg8[%get3A_615] {strides = array<i32>} : memref<512xi32, #tpu.memory_space<vmem>>, vector<16xi32>,
      %get3A_617 = vector.shape_cast %get3A_616 : vector<16xi32> to vector<16xi32>
      %add3A_618 = arith.addi %add3A_610, %get3A_617 : vector<16xi32>
      %get3A_619 = arith.constant 80 : index
      %get3A_620 = tpu.vector_load %arg8[%get3A_619] {strides = array<i32>} : memref<512xi32, #tpu.memory_space<vmem>>, vector<16xi32>,
      %get3A_621 = vector.shape_cast %get3A_620 : vector<16xi32> to vector<16xi32>
      %add3A_622 = arith.addi %add3A_614, %get3A_621 : vector<16xi32>
      %get3A_623 = arith.constant 96 : index
      %get3A_624 = tpu.vector_load %arg8[%get3A_623] {strides = array<i32>} : memref<512xi32, #tpu.memory_space<vmem>>, vector<16xi32>,
      %get3A_625 = vector.shape_cast %get3A_624 : vector<16xi32> to vector<16xi32>
      %add3A_626 = arith.addi %add3A_618, %get3A_625 : vector<16xi32>
      %get3A_627 = arith.constant 112 : index
      %get3A_628 = tpu.vector_load %arg8[%get3A_627] {strides = array<i32>} : memref<512xi32, #tpu.memory_space<vmem>>, vector<16xi32>,
      %get3A_629 = vector.shape_cast %get3A_628 : vector<16xi32> to vector<16xi32>
      %add3A_630 = arith.addi %add3A_622, %get3A_629 : vector<16xi32>
      %get3A_631 = arith.constant 128 : index
      %get3A_632 = tpu.vector_load %arg8[%get3A_631] {strides = array<i32>} : memref<512xi32, #tpu.memory_space<vmem>>, vector<16xi32>,
      %get3A_633 = vector.shape_cast %get3A_632 : vector<16xi32> to vector<16xi32>
      %add3A_634 = arith.addi %add3A_626, %get3A_633 : vector<16xi32>
      %get3A_635 = arith.constant 144 : index
      %get3A_636 = tpu.vector_load %arg8[%get3A_635] {strides = array<i32>} : memref<512xi32, #tpu.memory_space<vmem>>, vector<16xi32>,
      %get3A_637 = vector.shape_cast %get3A_636 : vector<16xi32> to vector<16xi32>
      %add3A_638 = arith.addi %add3A_630, %get3A_637 : vector<16xi32>
      %get3A_639 = arith.constant 160 : index
      %get3A_640 = tpu.vector_load %arg8[%get3A_639] {strides = array<i32>} : memref<512xi32, #tpu.memory_space<vmem>>, vector<16xi32>,
      %get3A_641 = vector.shape_cast %get3A_640 : vector<16xi32> to vector<16xi32>
      %add3A_642 = arith.addi %add3A_634, %get3A_641 : vector<16xi32>
      %get3A_643 = arith.constant 176 : index
      %get3A_644 = tpu.vector_load %arg8[%get3A_643] {strides = array<i32>} : memref<512xi32, #tpu.memory_space<vmem>>, vector<16xi32>,
      %get3A_645 = vector.shape_cast %get3A_644 : vector<16xi32> to vector<16xi32>
      %add3A_646 = arith.addi %add3A_638, %get3A_645 : vector<16xi32>
      %get3A_647 = arith.constant 192 : index
      %get3A_648 = tpu.vector_load %arg8[%get3A_647] {strides = array<i32>} : memref<512xi32, #tpu.memory_space<vmem>>, vector<16xi32>,
      %get3A_649 = vector.shape_cast %get3A_648 : vector<16xi32> to vector<16xi32>
      %add3A_650 = arith.addi %add3A_642, %get3A_649 : vector<16xi32>
      %get3A_651 = arith.constant 208 : index
      %get3A_652 = tpu.vector_load %arg8[%get3A_651] {strides = array<i32>} : memref<512xi32, #tpu.memory_space<vmem>>, vector<16xi32>,
      %get3A_653 = vector.shape_cast %get3A_652 : vector<16xi32> to vector<16xi32>
      %add3A_654 = arith.addi %add3A_646, %get3A_653 : vector<16xi32>
      %get3A_655 = arith.constant 224 : index
      %get3A_656 = tpu.vector_load %arg8[%get3A_655] {strides = array<i32>} : memref<512xi32, #tpu.memory_space<vmem>>, vector<16xi32>,
      %get3A_657 = vector.shape_cast %get3A_656 : vector<16xi32> to vector<16xi32>
      %add3A_658 = arith.addi %add3A_650, %get3A_657 : vector<16xi32>
      %get3A_659 = arith.constant 240 : index
      %get3A_660 = tpu.vector_load %arg8[%get3A_659] {strides = array<i32>} : memref<512xi32, #tpu.memory_space<vmem>>, vector<16xi32>,
      %get3A_661 = vector.shape_cast %get3A_660 : vector<16xi32> to vector<16xi32>
      %add3A_662 = arith.addi %add3A_654, %get3A_661 : vector<16xi32>
      %get3A_663 = arith.constant 256 : index
      %get3A_664 = tpu.vector_load %arg8[%get3A_663] {strides = array<i32>} : memref<512xi32, #tpu.memory_space<vmem>>, vector<16xi32>,
      %get3A_665 = vector.shape_cast %get3A_664 : vector<16xi32> to vector<16xi32>
      %add3A_666 = arith.addi %add3A_658, %get3A_665 : vector<16xi32>
      %get3A_667 = arith.constant 272 : index
      %get3A_668 = tpu.vector_load %arg8[%get3A_667] {strides = array<i32>} : memref<512xi32, #tpu.memory_space<vmem>>, vector<16xi32>,
      %get3A_669 = vector.shape_cast %get3A_668 : vector<16xi32> to vector<16xi32>
      %add3A_670 = arith.addi %add3A_662, %get3A_669 : vector<16xi32>
      %get3A_671 = arith.constant 288 : index
      %get3A_672 = tpu.vector_load %arg8[%get3A_671] {strides = array<i32>} : memref<512xi32, #tpu.memory_space<vmem>>, vector<16xi32>,
      %get3A_673 = vector.shape_cast %get3A_672 : vector<16xi32> to vector<16xi32>
      %add3A_674 = arith.addi %add3A_666, %get3A_673 : vector<16xi32>
      %get3A_675 = arith.constant 304 : index
      %get3A_676 = tpu.vector_load %arg8[%get3A_675] {strides = array<i32>} : memref<512xi32, #tpu.memory_space<vmem>>, vector<16xi32>,
      %get3A_677 = vector.shape_cast %get3A_676 : vector<16xi32> to vector<16xi32>
      %add3A_678 = arith.addi %add3A_670, %get3A_677 : vector<16xi32>
      %get3A_679 = arith.constant 320 : index
      %get3A_680 = tpu.vector_load %arg8[%get3A_679] {strides = array<i32>} : memref<512xi32, #tpu.memory_space<vmem>>, vector<16xi32>,
      %get3A_681 = vector.shape_cast %get3A_680 : vector<16xi32> to vector<16xi32>
      %add3A_682 = arith.addi %add3A_674, %get3A_681 : vector<16xi32>
      %get3A_683 = arith.constant 336 : index
      %get3A_684 = tpu.vector_load %arg8[%get3A_683] {strides = array<i32>} : memref<512xi32, #tpu.memory_space<vmem>>, vector<16xi32>,
      %get3A_685 = vector.shape_cast %get3A_684 : vector<16xi32> to vector<16xi32>
      %add3A_686 = arith.addi %add3A_678, %get3A_685 : vector<16xi32>
      %get3A_687 = arith.constant 352 : index
      %get3A_688 = tpu.vector_load %arg8[%get3A_687] {strides = array<i32>} : memref<512xi32, #tpu.memory_space<vmem>>, vector<16xi32>,
      %get3A_689 = vector.shape_cast %get3A_688 : vector<16xi32> to vector<16xi32>
      %add3A_690 = arith.addi %add3A_682, %get3A_689 : vector<16xi32>
      %get3A_691 = arith.constant 368 : index
      %get3A_692 = tpu.vector_load %arg8[%get3A_691] {strides = array<i32>} : memref<512xi32, #tpu.memory_space<vmem>>, vector<16xi32>,
      %get3A_693 = vector.shape_cast %get3A_692 : vector<16xi32> to vector<16xi32>
      %add3A_694 = arith.addi %add3A_686, %get3A_693 : vector<16xi32>
      %get3A_695 = arith.constant 384 : index
      %get3A_696 = tpu.vector_load %arg8[%get3A_695] {strides = array<i32>} : memref<512xi32, #tpu.memory_space<vmem>>, vector<16xi32>,
      %get3A_697 = vector.shape_cast %get3A_696 : vector<16xi32> to vector<16xi32>
      %add3A_698 = arith.addi %add3A_690, %get3A_697 : vector<16xi32>
      %get3A_699 = arith.constant 400 : index
      %get3A_700 = tpu.vector_load %arg8[%get3A_699] {strides = array<i32>} : memref<512xi32, #tpu.memory_space<vmem>>, vector<16xi32>,
      %get3A_701 = vector.shape_cast %get3A_700 : vector<16xi32> to vector<16xi32>
      %add3A_702 = arith.addi %add3A_694, %get3A_701 : vector<16xi32>
      %get3A_703 = arith.constant 416 : index
      %get3A_704 = tpu.vector_load %arg8[%get3A_703] {strides = array<i32>} : memref<512xi32, #tpu.memory_space<vmem>>, vector<16xi32>,
      %get3A_705 = vector.shape_cast %get3A_704 : vector<16xi32> to vector<16xi32>
      %add3A_706 = arith.addi %add3A_698, %get3A_705 : vector<16xi32>
      %get3A_707 = arith.constant 432 : index
      %get3A_708 = tpu.vector_load %arg8[%get3A_707] {strides = array<i32>} : memref<512xi32, #tpu.memory_space<vmem>>, vector<16xi32>,
      %get3A_709 = vector.shape_cast %get3A_708 : vector<16xi32> to vector<16xi32>
      %add3A_710 = arith.addi %add3A_702, %get3A_709 : vector<16xi32>
      %get3A_711 = arith.constant 448 : index
      %get3A_712 = tpu.vector_load %arg8[%get3A_711] {strides = array<i32>} : memref<512xi32, #tpu.memory_space<vmem>>, vector<16xi32>,
      %get3A_713 = vector.shape_cast %get3A_712 : vector<16xi32> to vector<16xi32>
      %add3A_714 = arith.addi %add3A_706, %get3A_713 : vector<16xi32>
      %get3A_715 = arith.constant 464 : index
      %get3A_716 = tpu.vector_load %arg8[%get3A_715] {strides = array<i32>} : memref<512xi32, #tpu.memory_space<vmem>>, vector<16xi32>,
      %get3A_717 = vector.shape_cast %get3A_716 : vector<16xi32> to vector<16xi32>
      %add3A_718 = arith.addi %add3A_710, %get3A_717 : vector<16xi32>
      %get3A_719 = arith.constant 480 : index
      %get3A_720 = tpu.vector_load %arg8[%get3A_719] {strides = array<i32>} : memref<512xi32, #tpu.memory_space<vmem>>, vector<16xi32>,
      %get3A_721 = vector.shape_cast %get3A_720 : vector<16xi32> to vector<16xi32>
      %add3A_722 = arith.addi %add3A_714, %get3A_721 : vector<16xi32>
      %get3A_723 = arith.constant 496 : index
      %get3A_724 = tpu.vector_load %arg8[%get3A_723] {strides = array<i32>} : memref<512xi32, #tpu.memory_space<vmem>>, vector<16xi32>,
      %get3A_725 = vector.shape_cast %get3A_724 : vector<16xi32> to vector<16xi32>
      %add3A_726 = arith.addi %add3A_718, %get3A_725 : vector<16xi32>
      %slice3A_727 = vector.extract_strided_slice %add3A_722 {offsets = [0], sizes = [1], strides = [1]} : vector<16xi32> to vector<1xi32>
      %squeeze3A_728 = vector.extract %slice3A_727[0] : i32 from vector<1xi32>
      %slice3A_729 = vector.extract_strided_slice %add3A_722 {offsets = [1], sizes = [1], strides = [1]} : vector<16xi32> to vector<1xi32>
      %squeeze3A_730 = vector.extract %slice3A_729[0] : i32 from vector<1xi32>
      %add3A_731 = arith.addi %squeeze3A_728, %squeeze3A_730 : i32
      %slice3A_732 = vector.extract_strided_slice %add3A_722 {offsets = [2], sizes = [1], strides = [1]} : vector<16xi32> to vector<1xi32>
      %squeeze3A_733 = vector.extract %slice3A_732[0] : i32 from vector<1xi32>
      %add3A_734 = arith.addi %add3A_731, %squeeze3A_733 : i32
      %slice3A_735 = vector.extract_strided_slice %add3A_722 {offsets = [3], sizes = [1], strides = [1]} : vector<16xi32> to vector<1xi32>
      %squeeze3A_736 = vector.extract %slice3A_735[0] : i32 from vector<1xi32>
      %add3A_737 = arith.addi %add3A_734, %squeeze3A_736 : i32
      %slice3A_738 = vector.extract_strided_slice %add3A_722 {offsets = [4], sizes = [1], strides = [1]} : vector<16xi32> to vector<1xi32>
      %squeeze3A_739 = vector.extract %slice3A_738[0] : i32 from vector<1xi32>
      %add3A_740 = arith.addi %add3A_737, %squeeze3A_739 : i32
      %slice3A_741 = vector.extract_strided_slice %add3A_722 {offsets = [5], sizes = [1], strides = [1]} : vector<16xi32> to vector<1xi32>
      %squeeze3A_742 = vector.extract %slice3A_741[0] : i32 from vector<1xi32>
      %add3A_743 = arith.addi %add3A_740, %squeeze3A_742 : i32
      %slice3A_744 = vector.extract_strided_slice %add3A_722 {offsets = [6], sizes = [1], strides = [1]} : vector<16xi32> to vector<1xi32>
      %squeeze3A_745 = vector.extract %slice3A_744[0] : i32 from vector<1xi32>
      %add3A_746 = arith.addi %add3A_743, %squeeze3A_745 : i32
      %slice3A_747 = vector.extract_strided_slice %add3A_722 {offsets = [7], sizes = [1], strides = [1]} : vector<16xi32> to vector<1xi32>
      %squeeze3A_748 = vector.extract %slice3A_747[0] : i32 from vector<1xi32>
      %add3A_749 = arith.addi %add3A_746, %squeeze3A_748 : i32
      %slice3A_750 = vector.extract_strided_slice %add3A_722 {offsets = [8], sizes = [1], strides = [1]} : vector<16xi32> to vector<1xi32>
      %squeeze3A_751 = vector.extract %slice3A_750[0] : i32 from vector<1xi32>
      %add3A_752 = arith.addi %add3A_749, %squeeze3A_751 : i32
      %slice3A_753 = vector.extract_strided_slice %add3A_722 {offsets = [9], sizes = [1], strides = [1]} : vector<16xi32> to vector<1xi32>
      %squeeze3A_754 = vector.extract %slice3A_753[0] : i32 from vector<1xi32>
      %add3A_755 = arith.addi %add3A_752, %squeeze3A_754 : i32
      %slice3A_756 = vector.extract_strided_slice %add3A_722 {offsets = [10], sizes = [1], strides = [1]} : vector<16xi32> to vector<1xi32>
      %squeeze3A_757 = vector.extract %slice3A_756[0] : i32 from vector<1xi32>
      %add3A_758 = arith.addi %add3A_755, %squeeze3A_757 : i32
      %slice3A_759 = vector.extract_strided_slice %add3A_722 {offsets = [11], sizes = [1], strides = [1]} : vector<16xi32> to vector<1xi32>
      %squeeze3A_760 = vector.extract %slice3A_759[0] : i32 from vector<1xi32>
      %add3A_761 = arith.addi %add3A_758, %squeeze3A_760 : i32
      %slice3A_762 = vector.extract_strided_slice %add3A_722 {offsets = [12], sizes = [1], strides = [1]} : vector<16xi32> to vector<1xi32>
      %squeeze3A_763 = vector.extract %slice3A_762[0] : i32 from vector<1xi32>
      %add3A_764 = arith.addi %add3A_761, %squeeze3A_763 : i32
      %slice3A_765 = vector.extract_strided_slice %add3A_722 {offsets = [13], sizes = [1], strides = [1]} : vector<16xi32> to vector<1xi32>
      %squeeze3A_766 = vector.extract %slice3A_765[0] : i32 from vector<1xi32>
      %add3A_767 = arith.addi %add3A_764, %squeeze3A_766 : i32
      %slice3A_768 = vector.extract_strided_slice %add3A_722 {offsets = [14], sizes = [1], strides = [1]} : vector<16xi32> to vector<1xi32>
      %squeeze3A_769 = vector.extract %slice3A_768[0] : i32 from vector<1xi32>
      %add3A_770 = arith.addi %add3A_767, %squeeze3A_769 : i32
      %slice3A_771 = vector.extract_strided_slice %add3A_722 {offsets = [15], sizes = [1], strides = [1]} : vector<16xi32> to vector<1xi32>
      %squeeze3A_772 = vector.extract %slice3A_771[0] : i32 from vector<1xi32>
      %add3A_773 = arith.addi %add3A_770, %squeeze3A_772 : i32
      %slice3A_774 = vector.extract_strided_slice %add3A_726 {offsets = [0], sizes = [1], strides = [1]} : vector<16xi32> to vector<1xi32>
      %squeeze3A_775 = vector.extract %slice3A_774[0] : i32 from vector<1xi32>
      %slice3A_776 = vector.extract_strided_slice %add3A_726 {offsets = [1], sizes = [1], strides = [1]} : vector<16xi32> to vector<1xi32>
      %squeeze3A_777 = vector.extract %slice3A_776[0] : i32 from vector<1xi32>
      %add3A_778 = arith.addi %squeeze3A_775, %squeeze3A_777 : i32
      %slice3A_779 = vector.extract_strided_slice %add3A_726 {offsets = [2], sizes = [1], strides = [1]} : vector<16xi32> to vector<1xi32>
      %squeeze3A_780 = vector.extract %slice3A_779[0] : i32 from vector<1xi32>
      %add3A_781 = arith.addi %add3A_778, %squeeze3A_780 : i32
      %slice3A_782 = vector.extract_strided_slice %add3A_726 {offsets = [3], sizes = [1], strides = [1]} : vector<16xi32> to vector<1xi32>
      %squeeze3A_783 = vector.extract %slice3A_782[0] : i32 from vector<1xi32>
      %add3A_784 = arith.addi %add3A_781, %squeeze3A_783 : i32
      %slice3A_785 = vector.extract_strided_slice %add3A_726 {offsets = [4], sizes = [1], strides = [1]} : vector<16xi32> to vector<1xi32>
      %squeeze3A_786 = vector.extract %slice3A_785[0] : i32 from vector<1xi32>
      %add3A_787 = arith.addi %add3A_784, %squeeze3A_786 : i32
      %slice3A_788 = vector.extract_strided_slice %add3A_726 {offsets = [5], sizes = [1], strides = [1]} : vector<16xi32> to vector<1xi32>
      %squeeze3A_789 = vector.extract %slice3A_788[0] : i32 from vector<1xi32>
      %add3A_790 = arith.addi %add3A_787, %squeeze3A_789 : i32
      %slice3A_791 = vector.extract_strided_slice %add3A_726 {offsets = [6], sizes = [1], strides = [1]} : vector<16xi32> to vector<1xi32>
      %squeeze3A_792 = vector.extract %slice3A_791[0] : i32 from vector<1xi32>
      %add3A_793 = arith.addi %add3A_790, %squeeze3A_792 : i32
      %slice3A_794 = vector.extract_strided_slice %add3A_726 {offsets = [7], sizes = [1], strides = [1]} : vector<16xi32> to vector<1xi32>
      %squeeze3A_795 = vector.extract %slice3A_794[0] : i32 from vector<1xi32>
      %add3A_796 = arith.addi %add3A_793, %squeeze3A_795 : i32
      %slice3A_797 = vector.extract_strided_slice %add3A_726 {offsets = [8], sizes = [1], strides = [1]} : vector<16xi32> to vector<1xi32>
      %squeeze3A_798 = vector.extract %slice3A_797[0] : i32 from vector<1xi32>
      %add3A_799 = arith.addi %add3A_796, %squeeze3A_798 : i32
      %slice3A_800 = vector.extract_strided_slice %add3A_726 {offsets = [9], sizes = [1], strides = [1]} : vector<16xi32> to vector<1xi32>
      %squeeze3A_801 = vector.extract %slice3A_800[0] : i32 from vector<1xi32>
      %add3A_802 = arith.addi %add3A_799, %squeeze3A_801 : i32
      %slice3A_803 = vector.extract_strided_slice %add3A_726 {offsets = [10], sizes = [1], strides = [1]} : vector<16xi32> to vector<1xi32>
      %squeeze3A_804 = vector.extract %slice3A_803[0] : i32 from vector<1xi32>
      %add3A_805 = arith.addi %add3A_802, %squeeze3A_804 : i32
      %slice3A_806 = vector.extract_strided_slice %add3A_726 {offsets = [11], sizes = [1], strides = [1]} : vector<16xi32> to vector<1xi32>
      %squeeze3A_807 = vector.extract %slice3A_806[0] : i32 from vector<1xi32>
      %add3A_808 = arith.addi %add3A_805, %squeeze3A_807 : i32
      %slice3A_809 = vector.extract_strided_slice %add3A_726 {offsets = [12], sizes = [1], strides = [1]} : vector<16xi32> to vector<1xi32>
      %squeeze3A_810 = vector.extract %slice3A_809[0] : i32 from vector<1xi32>
      %add3A_811 = arith.addi %add3A_808, %squeeze3A_810 : i32
      %slice3A_812 = vector.extract_strided_slice %add3A_726 {offsets = [13], sizes = [1], strides = [1]} : vector<16xi32> to vector<1xi32>
      %squeeze3A_813 = vector.extract %slice3A_812[0] : i32 from vector<1xi32>
      %add3A_814 = arith.addi %add3A_811, %squeeze3A_813 : i32
      %slice3A_815 = vector.extract_strided_slice %add3A_726 {offsets = [14], sizes = [1], strides = [1]} : vector<16xi32> to vector<1xi32>
      %squeeze3A_816 = vector.extract %slice3A_815[0] : i32 from vector<1xi32>
      %add3A_817 = arith.addi %add3A_814, %squeeze3A_816 : i32
      %slice3A_818 = vector.extract_strided_slice %add3A_726 {offsets = [15], sizes = [1], strides = [1]} : vector<16xi32> to vector<1xi32>
      %squeeze3A_819 = vector.extract %slice3A_818[0] : i32 from vector<1xi32>
      %add3A_820 = arith.addi %add3A_817, %squeeze3A_819 : i32
      %ge3A_821 = arith.cmpi uge, %add3A_773, %scan3A_12 : i32
      %select_n3A_822 = arith.select %ge3A_821, %scan3A_572, %or3A : i32
      %ge3A_823 = arith.cmpi uge, %add3A_820, %scan3A_13 : i32
      %select_n3A_824 = arith.select %ge3A_823, %scan3A_573, %or3A_575 : i32
      %shift_right_logical3A_825 = arith.constant 1 : i32
      %shift_right_logical3A_826 = arith.shrui %scan3A_574, %shift_right_logical3A_825 : i32
      scf.yield %select_n3A_822, %select_n3A_824, %shift_right_logical3A_826 : i32, i32, i32
    }
    %scan3A_22 = arith.constant 32 : i32
    %scan3A_23 = arith.constant 0 : i32
    %scan3A_24 = arith.constant 128 : i32
    %scan3A_25 = arith.addi %scan3A_23, %scan3A_24 : i32
    %scan3A_26 = arith.constant 1 : i32
    %scan3A_27:4 = scf.for %scan3A_571 = %scan3A_23 to %scan3A_25 step %scan3A_26 iter_args(%scan3A_572 = %broadcast_in_dim3A_3, %scan3A_573 = %broadcast_in_dim3A_5, %scan3A_574 = %broadcast_in_dim3A_3, %scan3A_575 = %broadcast_in_dim3A_5) -> (vector<16xi32>, vector<16xi32>, vector<16xi32>, vector<16xi32>)  : i32 {
      %mul3A_576 = arith.constant 16 : i32
      %mul3A_577 = arith.muli %scan3A_571, %mul3A_576 : i32
      %add3A_578 = arith.constant 0 : i32
      %add3A_579 = arith.addi %mul3A_577, %add3A_578 : i32
      %mul3A_580 = arith.constant 16 : i32
      %mul3A_581 = arith.muli %add3A_579, %mul3A_580 : i32
      %get3A_582 = arith.index_cast %mul3A_581 : i32 to index
      %get3A_583 = tpu.vector_load %arg6[%get3A_582] {strides = array<i32>} : memref<32768xi32, #tpu.memory_space<vmem>>, vector<16xi32>,
      %get3A_584 = vector.shape_cast %get3A_583 : vector<16xi32> to vector<16xi32>
      %le3A = vector.broadcast %scan3A_21#0 : i32 to vector<16xi32>
      %le3A_585 = arith.cmpi ule, %get3A_584, %le3A : vector<16xi32>
      %select_n3A_586 = arith.select %le3A_585, %broadcast_in_dim3A_1, %broadcast_in_dim3A_3 : vector<16xi1>, vector<16xi32>
      %add3A_587 = arith.addi %scan3A_572, %select_n3A_586 : vector<16xi32>
      %gt3A = vector.broadcast %scan3A_21#0 : i32 to vector<16xi32>
      %gt3A_588 = arith.cmpi ugt, %get3A_584, %gt3A : vector<16xi32>
      %select_n3A_589 = arith.select %gt3A_588, %get3A_584, %broadcast_in_dim3A_5 : vector<16xi1>, vector<16xi32>
      %min3A_590 = arith.minui %scan3A_573, %select_n3A_589 : vector<16xi32>
      %le3A_591 = vector.broadcast %scan3A_21#1 : i32 to vector<16xi32>
      %le3A_592 = arith.cmpi ule, %get3A_584, %le3A_591 : vector<16xi32>
      %select_n3A_593 = arith.select %le3A_592, %broadcast_in_dim3A_1, %broadcast_in_dim3A_3 : vector<16xi1>, vector<16xi32>
      %add3A_594 = arith.addi %scan3A_574, %select_n3A_593 : vector<16xi32>
      %gt3A_595 = vector.broadcast %scan3A_21#1 : i32 to vector<16xi32>
      %gt3A_596 = arith.cmpi ugt, %get3A_584, %gt3A_595 : vector<16xi32>
      %select_n3A_597 = arith.select %gt3A_596, %get3A_584, %broadcast_in_dim3A_5 : vector<16xi1>, vector<16xi32>
      %min3A_598 = arith.minui %scan3A_575, %select_n3A_597 : vector<16xi32>
      %mul3A_599 = arith.constant 16 : i32
      %mul3A_600 = arith.muli %scan3A_571, %mul3A_599 : i32
      %add3A_601 = arith.constant 1 : i32
      %add3A_602 = arith.addi %mul3A_600, %add3A_601 : i32
      %mul3A_603 = arith.constant 16 : i32
      %mul3A_604 = arith.muli %add3A_602, %mul3A_603 : i32
      %get3A_605 = arith.index_cast %mul3A_604 : i32 to index
      %get3A_606 = tpu.vector_load %arg6[%get3A_605] {strides = array<i32>} : memref<32768xi32, #tpu.memory_space<vmem>>, vector<16xi32>,
      %get3A_607 = vector.shape_cast %get3A_606 : vector<16xi32> to vector<16xi32>
      %le3A_608 = vector.broadcast %scan3A_21#0 : i32 to vector<16xi32>
      %le3A_609 = arith.cmpi ule, %get3A_607, %le3A_608 : vector<16xi32>
      %select_n3A_610 = arith.select %le3A_609, %broadcast_in_dim3A_1, %broadcast_in_dim3A_3 : vector<16xi1>, vector<16xi32>
      %add3A_611 = arith.addi %add3A_587, %select_n3A_610 : vector<16xi32>
      %gt3A_612 = vector.broadcast %scan3A_21#0 : i32 to vector<16xi32>
      %gt3A_613 = arith.cmpi ugt, %get3A_607, %gt3A_612 : vector<16xi32>
      %select_n3A_614 = arith.select %gt3A_613, %get3A_607, %broadcast_in_dim3A_5 : vector<16xi1>, vector<16xi32>
      %min3A_615 = arith.minui %min3A_590, %select_n3A_614 : vector<16xi32>
      %le3A_616 = vector.broadcast %scan3A_21#1 : i32 to vector<16xi32>
      %le3A_617 = arith.cmpi ule, %get3A_607, %le3A_616 : vector<16xi32>
      %select_n3A_618 = arith.select %le3A_617, %broadcast_in_dim3A_1, %broadcast_in_dim3A_3 : vector<16xi1>, vector<16xi32>
      %add3A_619 = arith.addi %add3A_594, %select_n3A_618 : vector<16xi32>
      %gt3A_620 = vector.broadcast %scan3A_21#1 : i32 to vector<16xi32>
      %gt3A_621 = arith.cmpi ugt, %get3A_607, %gt3A_620 : vector<16xi32>
      %select_n3A_622 = arith.select %gt3A_621, %get3A_607, %broadcast_in_dim3A_5 : vector<16xi1>, vector<16xi32>
      %min3A_623 = arith.minui %min3A_598, %select_n3A_622 : vector<16xi32>
      %mul3A_624 = arith.constant 16 : i32
      %mul3A_625 = arith.muli %scan3A_571, %mul3A_624 : i32
      %add3A_626 = arith.constant 2 : i32
      %add3A_627 = arith.addi %mul3A_625, %add3A_626 : i32
      %mul3A_628 = arith.constant 16 : i32
      %mul3A_629 = arith.muli %add3A_627, %mul3A_628 : i32
      %get3A_630 = arith.index_cast %mul3A_629 : i32 to index
      %get3A_631 = tpu.vector_load %arg6[%get3A_630] {strides = array<i32>} : memref<32768xi32, #tpu.memory_space<vmem>>, vector<16xi32>,
      %get3A_632 = vector.shape_cast %get3A_631 : vector<16xi32> to vector<16xi32>
      %le3A_633 = vector.broadcast %scan3A_21#0 : i32 to vector<16xi32>
      %le3A_634 = arith.cmpi ule, %get3A_632, %le3A_633 : vector<16xi32>
      %select_n3A_635 = arith.select %le3A_634, %broadcast_in_dim3A_1, %broadcast_in_dim3A_3 : vector<16xi1>, vector<16xi32>
      %add3A_636 = arith.addi %add3A_611, %select_n3A_635 : vector<16xi32>
      %gt3A_637 = vector.broadcast %scan3A_21#0 : i32 to vector<16xi32>
      %gt3A_638 = arith.cmpi ugt, %get3A_632, %gt3A_637 : vector<16xi32>
      %select_n3A_639 = arith.select %gt3A_638, %get3A_632, %broadcast_in_dim3A_5 : vector<16xi1>, vector<16xi32>
      %min3A_640 = arith.minui %min3A_615, %select_n3A_639 : vector<16xi32>
      %le3A_641 = vector.broadcast %scan3A_21#1 : i32 to vector<16xi32>
      %le3A_642 = arith.cmpi ule, %get3A_632, %le3A_641 : vector<16xi32>
      %select_n3A_643 = arith.select %le3A_642, %broadcast_in_dim3A_1, %broadcast_in_dim3A_3 : vector<16xi1>, vector<16xi32>
      %add3A_644 = arith.addi %add3A_619, %select_n3A_643 : vector<16xi32>
      %gt3A_645 = vector.broadcast %scan3A_21#1 : i32 to vector<16xi32>
      %gt3A_646 = arith.cmpi ugt, %get3A_632, %gt3A_645 : vector<16xi32>
      %select_n3A_647 = arith.select %gt3A_646, %get3A_632, %broadcast_in_dim3A_5 : vector<16xi1>, vector<16xi32>
      %min3A_648 = arith.minui %min3A_623, %select_n3A_647 : vector<16xi32>
      %mul3A_649 = arith.constant 16 : i32
      %mul3A_650 = arith.muli %scan3A_571, %mul3A_649 : i32
      %add3A_651 = arith.constant 3 : i32
      %add3A_652 = arith.addi %mul3A_650, %add3A_651 : i32
      %mul3A_653 = arith.constant 16 : i32
      %mul3A_654 = arith.muli %add3A_652, %mul3A_653 : i32
      %get3A_655 = arith.index_cast %mul3A_654 : i32 to index
      %get3A_656 = tpu.vector_load %arg6[%get3A_655] {strides = array<i32>} : memref<32768xi32, #tpu.memory_space<vmem>>, vector<16xi32>,
      %get3A_657 = vector.shape_cast %get3A_656 : vector<16xi32> to vector<16xi32>
      %le3A_658 = vector.broadcast %scan3A_21#0 : i32 to vector<16xi32>
      %le3A_659 = arith.cmpi ule, %get3A_657, %le3A_658 : vector<16xi32>
      %select_n3A_660 = arith.select %le3A_659, %broadcast_in_dim3A_1, %broadcast_in_dim3A_3 : vector<16xi1>, vector<16xi32>
      %add3A_661 = arith.addi %add3A_636, %select_n3A_660 : vector<16xi32>
      %gt3A_662 = vector.broadcast %scan3A_21#0 : i32 to vector<16xi32>
      %gt3A_663 = arith.cmpi ugt, %get3A_657, %gt3A_662 : vector<16xi32>
      %select_n3A_664 = arith.select %gt3A_663, %get3A_657, %broadcast_in_dim3A_5 : vector<16xi1>, vector<16xi32>
      %min3A_665 = arith.minui %min3A_640, %select_n3A_664 : vector<16xi32>
      %le3A_666 = vector.broadcast %scan3A_21#1 : i32 to vector<16xi32>
      %le3A_667 = arith.cmpi ule, %get3A_657, %le3A_666 : vector<16xi32>
      %select_n3A_668 = arith.select %le3A_667, %broadcast_in_dim3A_1, %broadcast_in_dim3A_3 : vector<16xi1>, vector<16xi32>
      %add3A_669 = arith.addi %add3A_644, %select_n3A_668 : vector<16xi32>
      %gt3A_670 = vector.broadcast %scan3A_21#1 : i32 to vector<16xi32>
      %gt3A_671 = arith.cmpi ugt, %get3A_657, %gt3A_670 : vector<16xi32>
      %select_n3A_672 = arith.select %gt3A_671, %get3A_657, %broadcast_in_dim3A_5 : vector<16xi1>, vector<16xi32>
      %min3A_673 = arith.minui %min3A_648, %select_n3A_672 : vector<16xi32>
      %mul3A_674 = arith.constant 16 : i32
      %mul3A_675 = arith.muli %scan3A_571, %mul3A_674 : i32
      %add3A_676 = arith.constant 4 : i32
      %add3A_677 = arith.addi %mul3A_675, %add3A_676 : i32
      %mul3A_678 = arith.constant 16 : i32
      %mul3A_679 = arith.muli %add3A_677, %mul3A_678 : i32
      %get3A_680 = arith.index_cast %mul3A_679 : i32 to index
      %get3A_681 = tpu.vector_load %arg6[%get3A_680] {strides = array<i32>} : memref<32768xi32, #tpu.memory_space<vmem>>, vector<16xi32>,
      %get3A_682 = vector.shape_cast %get3A_681 : vector<16xi32> to vector<16xi32>
      %le3A_683 = vector.broadcast %scan3A_21#0 : i32 to vector<16xi32>
      %le3A_684 = arith.cmpi ule, %get3A_682, %le3A_683 : vector<16xi32>
      %select_n3A_685 = arith.select %le3A_684, %broadcast_in_dim3A_1, %broadcast_in_dim3A_3 : vector<16xi1>, vector<16xi32>
      %add3A_686 = arith.addi %add3A_661, %select_n3A_685 : vector<16xi32>
      %gt3A_687 = vector.broadcast %scan3A_21#0 : i32 to vector<16xi32>
      %gt3A_688 = arith.cmpi ugt, %get3A_682, %gt3A_687 : vector<16xi32>
      %select_n3A_689 = arith.select %gt3A_688, %get3A_682, %broadcast_in_dim3A_5 : vector<16xi1>, vector<16xi32>
      %min3A_690 = arith.minui %min3A_665, %select_n3A_689 : vector<16xi32>
      %le3A_691 = vector.broadcast %scan3A_21#1 : i32 to vector<16xi32>
      %le3A_692 = arith.cmpi ule, %get3A_682, %le3A_691 : vector<16xi32>
      %select_n3A_693 = arith.select %le3A_692, %broadcast_in_dim3A_1, %broadcast_in_dim3A_3 : vector<16xi1>, vector<16xi32>
      %add3A_694 = arith.addi %add3A_669, %select_n3A_693 : vector<16xi32>
      %gt3A_695 = vector.broadcast %scan3A_21#1 : i32 to vector<16xi32>
      %gt3A_696 = arith.cmpi ugt, %get3A_682, %gt3A_695 : vector<16xi32>
      %select_n3A_697 = arith.select %gt3A_696, %get3A_682, %broadcast_in_dim3A_5 : vector<16xi1>, vector<16xi32>
      %min3A_698 = arith.minui %min3A_673, %select_n3A_697 : vector<16xi32>
      %mul3A_699 = arith.constant 16 : i32
      %mul3A_700 = arith.muli %scan3A_571, %mul3A_699 : i32
      %add3A_701 = arith.constant 5 : i32
      %add3A_702 = arith.addi %mul3A_700, %add3A_701 : i32
      %mul3A_703 = arith.constant 16 : i32
      %mul3A_704 = arith.muli %add3A_702, %mul3A_703 : i32
      %get3A_705 = arith.index_cast %mul3A_704 : i32 to index
      %get3A_706 = tpu.vector_load %arg6[%get3A_705] {strides = array<i32>} : memref<32768xi32, #tpu.memory_space<vmem>>, vector<16xi32>,
      %get3A_707 = vector.shape_cast %get3A_706 : vector<16xi32> to vector<16xi32>
      %le3A_708 = vector.broadcast %scan3A_21#0 : i32 to vector<16xi32>
      %le3A_709 = arith.cmpi ule, %get3A_707, %le3A_708 : vector<16xi32>
      %select_n3A_710 = arith.select %le3A_709, %broadcast_in_dim3A_1, %broadcast_in_dim3A_3 : vector<16xi1>, vector<16xi32>
      %add3A_711 = arith.addi %add3A_686, %select_n3A_710 : vector<16xi32>
      %gt3A_712 = vector.broadcast %scan3A_21#0 : i32 to vector<16xi32>
      %gt3A_713 = arith.cmpi ugt, %get3A_707, %gt3A_712 : vector<16xi32>
      %select_n3A_714 = arith.select %gt3A_713, %get3A_707, %broadcast_in_dim3A_5 : vector<16xi1>, vector<16xi32>
      %min3A_715 = arith.minui %min3A_690, %select_n3A_714 : vector<16xi32>
      %le3A_716 = vector.broadcast %scan3A_21#1 : i32 to vector<16xi32>
      %le3A_717 = arith.cmpi ule, %get3A_707, %le3A_716 : vector<16xi32>
      %select_n3A_718 = arith.select %le3A_717, %broadcast_in_dim3A_1, %broadcast_in_dim3A_3 : vector<16xi1>, vector<16xi32>
      %add3A_719 = arith.addi %add3A_694, %select_n3A_718 : vector<16xi32>
      %gt3A_720 = vector.broadcast %scan3A_21#1 : i32 to vector<16xi32>
      %gt3A_721 = arith.cmpi ugt, %get3A_707, %gt3A_720 : vector<16xi32>
      %select_n3A_722 = arith.select %gt3A_721, %get3A_707, %broadcast_in_dim3A_5 : vector<16xi1>, vector<16xi32>
      %min3A_723 = arith.minui %min3A_698, %select_n3A_722 : vector<16xi32>
      %mul3A_724 = arith.constant 16 : i32
      %mul3A_725 = arith.muli %scan3A_571, %mul3A_724 : i32
      %add3A_726 = arith.constant 6 : i32
      %add3A_727 = arith.addi %mul3A_725, %add3A_726 : i32
      %mul3A_728 = arith.constant 16 : i32
      %mul3A_729 = arith.muli %add3A_727, %mul3A_728 : i32
      %get3A_730 = arith.index_cast %mul3A_729 : i32 to index
      %get3A_731 = tpu.vector_load %arg6[%get3A_730] {strides = array<i32>} : memref<32768xi32, #tpu.memory_space<vmem>>, vector<16xi32>,
      %get3A_732 = vector.shape_cast %get3A_731 : vector<16xi32> to vector<16xi32>
      %le3A_733 = vector.broadcast %scan3A_21#0 : i32 to vector<16xi32>
      %le3A_734 = arith.cmpi ule, %get3A_732, %le3A_733 : vector<16xi32>
      %select_n3A_735 = arith.select %le3A_734, %broadcast_in_dim3A_1, %broadcast_in_dim3A_3 : vector<16xi1>, vector<16xi32>
      %add3A_736 = arith.addi %add3A_711, %select_n3A_735 : vector<16xi32>
      %gt3A_737 = vector.broadcast %scan3A_21#0 : i32 to vector<16xi32>
      %gt3A_738 = arith.cmpi ugt, %get3A_732, %gt3A_737 : vector<16xi32>
      %select_n3A_739 = arith.select %gt3A_738, %get3A_732, %broadcast_in_dim3A_5 : vector<16xi1>, vector<16xi32>
      %min3A_740 = arith.minui %min3A_715, %select_n3A_739 : vector<16xi32>
      %le3A_741 = vector.broadcast %scan3A_21#1 : i32 to vector<16xi32>
      %le3A_742 = arith.cmpi ule, %get3A_732, %le3A_741 : vector<16xi32>
      %select_n3A_743 = arith.select %le3A_742, %broadcast_in_dim3A_1, %broadcast_in_dim3A_3 : vector<16xi1>, vector<16xi32>
      %add3A_744 = arith.addi %add3A_719, %select_n3A_743 : vector<16xi32>
      %gt3A_745 = vector.broadcast %scan3A_21#1 : i32 to vector<16xi32>
      %gt3A_746 = arith.cmpi ugt, %get3A_732, %gt3A_745 : vector<16xi32>
      %select_n3A_747 = arith.select %gt3A_746, %get3A_732, %broadcast_in_dim3A_5 : vector<16xi1>, vector<16xi32>
      %min3A_748 = arith.minui %min3A_723, %select_n3A_747 : vector<16xi32>
      %mul3A_749 = arith.constant 16 : i32
      %mul3A_750 = arith.muli %scan3A_571, %mul3A_749 : i32
      %add3A_751 = arith.constant 7 : i32
      %add3A_752 = arith.addi %mul3A_750, %add3A_751 : i32
      %mul3A_753 = arith.constant 16 : i32
      %mul3A_754 = arith.muli %add3A_752, %mul3A_753 : i32
      %get3A_755 = arith.index_cast %mul3A_754 : i32 to index
      %get3A_756 = tpu.vector_load %arg6[%get3A_755] {strides = array<i32>} : memref<32768xi32, #tpu.memory_space<vmem>>, vector<16xi32>,
      %get3A_757 = vector.shape_cast %get3A_756 : vector<16xi32> to vector<16xi32>
      %le3A_758 = vector.broadcast %scan3A_21#0 : i32 to vector<16xi32>
      %le3A_759 = arith.cmpi ule, %get3A_757, %le3A_758 : vector<16xi32>
      %select_n3A_760 = arith.select %le3A_759, %broadcast_in_dim3A_1, %broadcast_in_dim3A_3 : vector<16xi1>, vector<16xi32>
      %add3A_761 = arith.addi %add3A_736, %select_n3A_760 : vector<16xi32>
      %gt3A_762 = vector.broadcast %scan3A_21#0 : i32 to vector<16xi32>
      %gt3A_763 = arith.cmpi ugt, %get3A_757, %gt3A_762 : vector<16xi32>
      %select_n3A_764 = arith.select %gt3A_763, %get3A_757, %broadcast_in_dim3A_5 : vector<16xi1>, vector<16xi32>
      %min3A_765 = arith.minui %min3A_740, %select_n3A_764 : vector<16xi32>
      %le3A_766 = vector.broadcast %scan3A_21#1 : i32 to vector<16xi32>
      %le3A_767 = arith.cmpi ule, %get3A_757, %le3A_766 : vector<16xi32>
      %select_n3A_768 = arith.select %le3A_767, %broadcast_in_dim3A_1, %broadcast_in_dim3A_3 : vector<16xi1>, vector<16xi32>
      %add3A_769 = arith.addi %add3A_744, %select_n3A_768 : vector<16xi32>
      %gt3A_770 = vector.broadcast %scan3A_21#1 : i32 to vector<16xi32>
      %gt3A_771 = arith.cmpi ugt, %get3A_757, %gt3A_770 : vector<16xi32>
      %select_n3A_772 = arith.select %gt3A_771, %get3A_757, %broadcast_in_dim3A_5 : vector<16xi1>, vector<16xi32>
      %min3A_773 = arith.minui %min3A_748, %select_n3A_772 : vector<16xi32>
      %mul3A_774 = arith.constant 16 : i32
      %mul3A_775 = arith.muli %scan3A_571, %mul3A_774 : i32
      %add3A_776 = arith.constant 8 : i32
      %add3A_777 = arith.addi %mul3A_775, %add3A_776 : i32
      %mul3A_778 = arith.constant 16 : i32
      %mul3A_779 = arith.muli %add3A_777, %mul3A_778 : i32
      %get3A_780 = arith.index_cast %mul3A_779 : i32 to index
      %get3A_781 = tpu.vector_load %arg6[%get3A_780] {strides = array<i32>} : memref<32768xi32, #tpu.memory_space<vmem>>, vector<16xi32>,
      %get3A_782 = vector.shape_cast %get3A_781 : vector<16xi32> to vector<16xi32>
      %le3A_783 = vector.broadcast %scan3A_21#0 : i32 to vector<16xi32>
      %le3A_784 = arith.cmpi ule, %get3A_782, %le3A_783 : vector<16xi32>
      %select_n3A_785 = arith.select %le3A_784, %broadcast_in_dim3A_1, %broadcast_in_dim3A_3 : vector<16xi1>, vector<16xi32>
      %add3A_786 = arith.addi %add3A_761, %select_n3A_785 : vector<16xi32>
      %gt3A_787 = vector.broadcast %scan3A_21#0 : i32 to vector<16xi32>
      %gt3A_788 = arith.cmpi ugt, %get3A_782, %gt3A_787 : vector<16xi32>
      %select_n3A_789 = arith.select %gt3A_788, %get3A_782, %broadcast_in_dim3A_5 : vector<16xi1>, vector<16xi32>
      %min3A_790 = arith.minui %min3A_765, %select_n3A_789 : vector<16xi32>
      %le3A_791 = vector.broadcast %scan3A_21#1 : i32 to vector<16xi32>
      %le3A_792 = arith.cmpi ule, %get3A_782, %le3A_791 : vector<16xi32>
      %select_n3A_793 = arith.select %le3A_792, %broadcast_in_dim3A_1, %broadcast_in_dim3A_3 : vector<16xi1>, vector<16xi32>
      %add3A_794 = arith.addi %add3A_769, %select_n3A_793 : vector<16xi32>
      %gt3A_795 = vector.broadcast %scan3A_21#1 : i32 to vector<16xi32>
      %gt3A_796 = arith.cmpi ugt, %get3A_782, %gt3A_795 : vector<16xi32>
      %select_n3A_797 = arith.select %gt3A_796, %get3A_782, %broadcast_in_dim3A_5 : vector<16xi1>, vector<16xi32>
      %min3A_798 = arith.minui %min3A_773, %select_n3A_797 : vector<16xi32>
      %mul3A_799 = arith.constant 16 : i32
      %mul3A_800 = arith.muli %scan3A_571, %mul3A_799 : i32
      %add3A_801 = arith.constant 9 : i32
      %add3A_802 = arith.addi %mul3A_800, %add3A_801 : i32
      %mul3A_803 = arith.constant 16 : i32
      %mul3A_804 = arith.muli %add3A_802, %mul3A_803 : i32
      %get3A_805 = arith.index_cast %mul3A_804 : i32 to index
      %get3A_806 = tpu.vector_load %arg6[%get3A_805] {strides = array<i32>} : memref<32768xi32, #tpu.memory_space<vmem>>, vector<16xi32>,
      %get3A_807 = vector.shape_cast %get3A_806 : vector<16xi32> to vector<16xi32>
      %le3A_808 = vector.broadcast %scan3A_21#0 : i32 to vector<16xi32>
      %le3A_809 = arith.cmpi ule, %get3A_807, %le3A_808 : vector<16xi32>
      %select_n3A_810 = arith.select %le3A_809, %broadcast_in_dim3A_1, %broadcast_in_dim3A_3 : vector<16xi1>, vector<16xi32>
      %add3A_811 = arith.addi %add3A_786, %select_n3A_810 : vector<16xi32>
      %gt3A_812 = vector.broadcast %scan3A_21#0 : i32 to vector<16xi32>
      %gt3A_813 = arith.cmpi ugt, %get3A_807, %gt3A_812 : vector<16xi32>
      %select_n3A_814 = arith.select %gt3A_813, %get3A_807, %broadcast_in_dim3A_5 : vector<16xi1>, vector<16xi32>
      %min3A_815 = arith.minui %min3A_790, %select_n3A_814 : vector<16xi32>
      %le3A_816 = vector.broadcast %scan3A_21#1 : i32 to vector<16xi32>
      %le3A_817 = arith.cmpi ule, %get3A_807, %le3A_816 : vector<16xi32>
      %select_n3A_818 = arith.select %le3A_817, %broadcast_in_dim3A_1, %broadcast_in_dim3A_3 : vector<16xi1>, vector<16xi32>
      %add3A_819 = arith.addi %add3A_794, %select_n3A_818 : vector<16xi32>
      %gt3A_820 = vector.broadcast %scan3A_21#1 : i32 to vector<16xi32>
      %gt3A_821 = arith.cmpi ugt, %get3A_807, %gt3A_820 : vector<16xi32>
      %select_n3A_822 = arith.select %gt3A_821, %get3A_807, %broadcast_in_dim3A_5 : vector<16xi1>, vector<16xi32>
      %min3A_823 = arith.minui %min3A_798, %select_n3A_822 : vector<16xi32>
      %mul3A_824 = arith.constant 16 : i32
      %mul3A_825 = arith.muli %scan3A_571, %mul3A_824 : i32
      %add3A_826 = arith.constant 10 : i32
      %add3A_827 = arith.addi %mul3A_825, %add3A_826 : i32
      %mul3A_828 = arith.constant 16 : i32
      %mul3A_829 = arith.muli %add3A_827, %mul3A_828 : i32
      %get3A_830 = arith.index_cast %mul3A_829 : i32 to index
      %get3A_831 = tpu.vector_load %arg6[%get3A_830] {strides = array<i32>} : memref<32768xi32, #tpu.memory_space<vmem>>, vector<16xi32>,
      %get3A_832 = vector.shape_cast %get3A_831 : vector<16xi32> to vector<16xi32>
      %le3A_833 = vector.broadcast %scan3A_21#0 : i32 to vector<16xi32>
      %le3A_834 = arith.cmpi ule, %get3A_832, %le3A_833 : vector<16xi32>
      %select_n3A_835 = arith.select %le3A_834, %broadcast_in_dim3A_1, %broadcast_in_dim3A_3 : vector<16xi1>, vector<16xi32>
      %add3A_836 = arith.addi %add3A_811, %select_n3A_835 : vector<16xi32>
      %gt3A_837 = vector.broadcast %scan3A_21#0 : i32 to vector<16xi32>
      %gt3A_838 = arith.cmpi ugt, %get3A_832, %gt3A_837 : vector<16xi32>
      %select_n3A_839 = arith.select %gt3A_838, %get3A_832, %broadcast_in_dim3A_5 : vector<16xi1>, vector<16xi32>
      %min3A_840 = arith.minui %min3A_815, %select_n3A_839 : vector<16xi32>
      %le3A_841 = vector.broadcast %scan3A_21#1 : i32 to vector<16xi32>
      %le3A_842 = arith.cmpi ule, %get3A_832, %le3A_841 : vector<16xi32>
      %select_n3A_843 = arith.select %le3A_842, %broadcast_in_dim3A_1, %broadcast_in_dim3A_3 : vector<16xi1>, vector<16xi32>
      %add3A_844 = arith.addi %add3A_819, %select_n3A_843 : vector<16xi32>
      %gt3A_845 = vector.broadcast %scan3A_21#1 : i32 to vector<16xi32>
      %gt3A_846 = arith.cmpi ugt, %get3A_832, %gt3A_845 : vector<16xi32>
      %select_n3A_847 = arith.select %gt3A_846, %get3A_832, %broadcast_in_dim3A_5 : vector<16xi1>, vector<16xi32>
      %min3A_848 = arith.minui %min3A_823, %select_n3A_847 : vector<16xi32>
      %mul3A_849 = arith.constant 16 : i32
      %mul3A_850 = arith.muli %scan3A_571, %mul3A_849 : i32
      %add3A_851 = arith.constant 11 : i32
      %add3A_852 = arith.addi %mul3A_850, %add3A_851 : i32
      %mul3A_853 = arith.constant 16 : i32
      %mul3A_854 = arith.muli %add3A_852, %mul3A_853 : i32
      %get3A_855 = arith.index_cast %mul3A_854 : i32 to index
      %get3A_856 = tpu.vector_load %arg6[%get3A_855] {strides = array<i32>} : memref<32768xi32, #tpu.memory_space<vmem>>, vector<16xi32>,
      %get3A_857 = vector.shape_cast %get3A_856 : vector<16xi32> to vector<16xi32>
      %le3A_858 = vector.broadcast %scan3A_21#0 : i32 to vector<16xi32>
      %le3A_859 = arith.cmpi ule, %get3A_857, %le3A_858 : vector<16xi32>
      %select_n3A_860 = arith.select %le3A_859, %broadcast_in_dim3A_1, %broadcast_in_dim3A_3 : vector<16xi1>, vector<16xi32>
      %add3A_861 = arith.addi %add3A_836, %select_n3A_860 : vector<16xi32>
      %gt3A_862 = vector.broadcast %scan3A_21#0 : i32 to vector<16xi32>
      %gt3A_863 = arith.cmpi ugt, %get3A_857, %gt3A_862 : vector<16xi32>
      %select_n3A_864 = arith.select %gt3A_863, %get3A_857, %broadcast_in_dim3A_5 : vector<16xi1>, vector<16xi32>
      %min3A_865 = arith.minui %min3A_840, %select_n3A_864 : vector<16xi32>
      %le3A_866 = vector.broadcast %scan3A_21#1 : i32 to vector<16xi32>
      %le3A_867 = arith.cmpi ule, %get3A_857, %le3A_866 : vector<16xi32>
      %select_n3A_868 = arith.select %le3A_867, %broadcast_in_dim3A_1, %broadcast_in_dim3A_3 : vector<16xi1>, vector<16xi32>
      %add3A_869 = arith.addi %add3A_844, %select_n3A_868 : vector<16xi32>
      %gt3A_870 = vector.broadcast %scan3A_21#1 : i32 to vector<16xi32>
      %gt3A_871 = arith.cmpi ugt, %get3A_857, %gt3A_870 : vector<16xi32>
      %select_n3A_872 = arith.select %gt3A_871, %get3A_857, %broadcast_in_dim3A_5 : vector<16xi1>, vector<16xi32>
      %min3A_873 = arith.minui %min3A_848, %select_n3A_872 : vector<16xi32>
      %mul3A_874 = arith.constant 16 : i32
      %mul3A_875 = arith.muli %scan3A_571, %mul3A_874 : i32
      %add3A_876 = arith.constant 12 : i32
      %add3A_877 = arith.addi %mul3A_875, %add3A_876 : i32
      %mul3A_878 = arith.constant 16 : i32
      %mul3A_879 = arith.muli %add3A_877, %mul3A_878 : i32
      %get3A_880 = arith.index_cast %mul3A_879 : i32 to index
      %get3A_881 = tpu.vector_load %arg6[%get3A_880] {strides = array<i32>} : memref<32768xi32, #tpu.memory_space<vmem>>, vector<16xi32>,
      %get3A_882 = vector.shape_cast %get3A_881 : vector<16xi32> to vector<16xi32>
      %le3A_883 = vector.broadcast %scan3A_21#0 : i32 to vector<16xi32>
      %le3A_884 = arith.cmpi ule, %get3A_882, %le3A_883 : vector<16xi32>
      %select_n3A_885 = arith.select %le3A_884, %broadcast_in_dim3A_1, %broadcast_in_dim3A_3 : vector<16xi1>, vector<16xi32>
      %add3A_886 = arith.addi %add3A_861, %select_n3A_885 : vector<16xi32>
      %gt3A_887 = vector.broadcast %scan3A_21#0 : i32 to vector<16xi32>
      %gt3A_888 = arith.cmpi ugt, %get3A_882, %gt3A_887 : vector<16xi32>
      %select_n3A_889 = arith.select %gt3A_888, %get3A_882, %broadcast_in_dim3A_5 : vector<16xi1>, vector<16xi32>
      %min3A_890 = arith.minui %min3A_865, %select_n3A_889 : vector<16xi32>
      %le3A_891 = vector.broadcast %scan3A_21#1 : i32 to vector<16xi32>
      %le3A_892 = arith.cmpi ule, %get3A_882, %le3A_891 : vector<16xi32>
      %select_n3A_893 = arith.select %le3A_892, %broadcast_in_dim3A_1, %broadcast_in_dim3A_3 : vector<16xi1>, vector<16xi32>
      %add3A_894 = arith.addi %add3A_869, %select_n3A_893 : vector<16xi32>
      %gt3A_895 = vector.broadcast %scan3A_21#1 : i32 to vector<16xi32>
      %gt3A_896 = arith.cmpi ugt, %get3A_882, %gt3A_895 : vector<16xi32>
      %select_n3A_897 = arith.select %gt3A_896, %get3A_882, %broadcast_in_dim3A_5 : vector<16xi1>, vector<16xi32>
      %min3A_898 = arith.minui %min3A_873, %select_n3A_897 : vector<16xi32>
      %mul3A_899 = arith.constant 16 : i32
      %mul3A_900 = arith.muli %scan3A_571, %mul3A_899 : i32
      %add3A_901 = arith.constant 13 : i32
      %add3A_902 = arith.addi %mul3A_900, %add3A_901 : i32
      %mul3A_903 = arith.constant 16 : i32
      %mul3A_904 = arith.muli %add3A_902, %mul3A_903 : i32
      %get3A_905 = arith.index_cast %mul3A_904 : i32 to index
      %get3A_906 = tpu.vector_load %arg6[%get3A_905] {strides = array<i32>} : memref<32768xi32, #tpu.memory_space<vmem>>, vector<16xi32>,
      %get3A_907 = vector.shape_cast %get3A_906 : vector<16xi32> to vector<16xi32>
      %le3A_908 = vector.broadcast %scan3A_21#0 : i32 to vector<16xi32>
      %le3A_909 = arith.cmpi ule, %get3A_907, %le3A_908 : vector<16xi32>
      %select_n3A_910 = arith.select %le3A_909, %broadcast_in_dim3A_1, %broadcast_in_dim3A_3 : vector<16xi1>, vector<16xi32>
      %add3A_911 = arith.addi %add3A_886, %select_n3A_910 : vector<16xi32>
      %gt3A_912 = vector.broadcast %scan3A_21#0 : i32 to vector<16xi32>
      %gt3A_913 = arith.cmpi ugt, %get3A_907, %gt3A_912 : vector<16xi32>
      %select_n3A_914 = arith.select %gt3A_913, %get3A_907, %broadcast_in_dim3A_5 : vector<16xi1>, vector<16xi32>
      %min3A_915 = arith.minui %min3A_890, %select_n3A_914 : vector<16xi32>
      %le3A_916 = vector.broadcast %scan3A_21#1 : i32 to vector<16xi32>
      %le3A_917 = arith.cmpi ule, %get3A_907, %le3A_916 : vector<16xi32>
      %select_n3A_918 = arith.select %le3A_917, %broadcast_in_dim3A_1, %broadcast_in_dim3A_3 : vector<16xi1>, vector<16xi32>
      %add3A_919 = arith.addi %add3A_894, %select_n3A_918 : vector<16xi32>
      %gt3A_920 = vector.broadcast %scan3A_21#1 : i32 to vector<16xi32>
      %gt3A_921 = arith.cmpi ugt, %get3A_907, %gt3A_920 : vector<16xi32>
      %select_n3A_922 = arith.select %gt3A_921, %get3A_907, %broadcast_in_dim3A_5 : vector<16xi1>, vector<16xi32>
      %min3A_923 = arith.minui %min3A_898, %select_n3A_922 : vector<16xi32>
      %mul3A_924 = arith.constant 16 : i32
      %mul3A_925 = arith.muli %scan3A_571, %mul3A_924 : i32
      %add3A_926 = arith.constant 14 : i32
      %add3A_927 = arith.addi %mul3A_925, %add3A_926 : i32
      %mul3A_928 = arith.constant 16 : i32
      %mul3A_929 = arith.muli %add3A_927, %mul3A_928 : i32
      %get3A_930 = arith.index_cast %mul3A_929 : i32 to index
      %get3A_931 = tpu.vector_load %arg6[%get3A_930] {strides = array<i32>} : memref<32768xi32, #tpu.memory_space<vmem>>, vector<16xi32>,
      %get3A_932 = vector.shape_cast %get3A_931 : vector<16xi32> to vector<16xi32>
      %le3A_933 = vector.broadcast %scan3A_21#0 : i32 to vector<16xi32>
      %le3A_934 = arith.cmpi ule, %get3A_932, %le3A_933 : vector<16xi32>
      %select_n3A_935 = arith.select %le3A_934, %broadcast_in_dim3A_1, %broadcast_in_dim3A_3 : vector<16xi1>, vector<16xi32>
      %add3A_936 = arith.addi %add3A_911, %select_n3A_935 : vector<16xi32>
      %gt3A_937 = vector.broadcast %scan3A_21#0 : i32 to vector<16xi32>
      %gt3A_938 = arith.cmpi ugt, %get3A_932, %gt3A_937 : vector<16xi32>
      %select_n3A_939 = arith.select %gt3A_938, %get3A_932, %broadcast_in_dim3A_5 : vector<16xi1>, vector<16xi32>
      %min3A_940 = arith.minui %min3A_915, %select_n3A_939 : vector<16xi32>
      %le3A_941 = vector.broadcast %scan3A_21#1 : i32 to vector<16xi32>
      %le3A_942 = arith.cmpi ule, %get3A_932, %le3A_941 : vector<16xi32>
      %select_n3A_943 = arith.select %le3A_942, %broadcast_in_dim3A_1, %broadcast_in_dim3A_3 : vector<16xi1>, vector<16xi32>
      %add3A_944 = arith.addi %add3A_919, %select_n3A_943 : vector<16xi32>
      %gt3A_945 = vector.broadcast %scan3A_21#1 : i32 to vector<16xi32>
      %gt3A_946 = arith.cmpi ugt, %get3A_932, %gt3A_945 : vector<16xi32>
      %select_n3A_947 = arith.select %gt3A_946, %get3A_932, %broadcast_in_dim3A_5 : vector<16xi1>, vector<16xi32>
      %min3A_948 = arith.minui %min3A_923, %select_n3A_947 : vector<16xi32>
      %mul3A_949 = arith.constant 16 : i32
      %mul3A_950 = arith.muli %scan3A_571, %mul3A_949 : i32
      %add3A_951 = arith.constant 15 : i32
      %add3A_952 = arith.addi %mul3A_950, %add3A_951 : i32
      %mul3A_953 = arith.constant 16 : i32
      %mul3A_954 = arith.muli %add3A_952, %mul3A_953 : i32
      %get3A_955 = arith.index_cast %mul3A_954 : i32 to index
      %get3A_956 = tpu.vector_load %arg6[%get3A_955] {strides = array<i32>} : memref<32768xi32, #tpu.memory_space<vmem>>, vector<16xi32>,
      %get3A_957 = vector.shape_cast %get3A_956 : vector<16xi32> to vector<16xi32>
      %le3A_958 = vector.broadcast %scan3A_21#0 : i32 to vector<16xi32>
      %le3A_959 = arith.cmpi ule, %get3A_957, %le3A_958 : vector<16xi32>
      %select_n3A_960 = arith.select %le3A_959, %broadcast_in_dim3A_1, %broadcast_in_dim3A_3 : vector<16xi1>, vector<16xi32>
      %add3A_961 = arith.addi %add3A_936, %select_n3A_960 : vector<16xi32>
      %gt3A_962 = vector.broadcast %scan3A_21#0 : i32 to vector<16xi32>
      %gt3A_963 = arith.cmpi ugt, %get3A_957, %gt3A_962 : vector<16xi32>
      %select_n3A_964 = arith.select %gt3A_963, %get3A_957, %broadcast_in_dim3A_5 : vector<16xi1>, vector<16xi32>
      %min3A_965 = arith.minui %min3A_940, %select_n3A_964 : vector<16xi32>
      %le3A_966 = vector.broadcast %scan3A_21#1 : i32 to vector<16xi32>
      %le3A_967 = arith.cmpi ule, %get3A_957, %le3A_966 : vector<16xi32>
      %select_n3A_968 = arith.select %le3A_967, %broadcast_in_dim3A_1, %broadcast_in_dim3A_3 : vector<16xi1>, vector<16xi32>
      %add3A_969 = arith.addi %add3A_944, %select_n3A_968 : vector<16xi32>
      %gt3A_970 = vector.broadcast %scan3A_21#1 : i32 to vector<16xi32>
      %gt3A_971 = arith.cmpi ugt, %get3A_957, %gt3A_970 : vector<16xi32>
      %select_n3A_972 = arith.select %gt3A_971, %get3A_957, %broadcast_in_dim3A_5 : vector<16xi1>, vector<16xi32>
      %min3A_973 = arith.minui %min3A_948, %select_n3A_972 : vector<16xi32>
      scf.yield %add3A_961, %min3A_965, %add3A_969, %min3A_973 : vector<16xi32>, vector<16xi32>, vector<16xi32>, vector<16xi32>
    }
    %scan3A_28 = arith.constant 128 : i32
    %swap3A = arith.constant 0 : index
    %swap3A_29 = tpu.vector_load %arg9[%swap3A] {strides = array<i32>} : memref<64xi32, #tpu.memory_space<vmem>>, vector<16xi32>,
    %swap3A_30 = vector.shape_cast %swap3A_29 : vector<16xi32> to vector<16xi32>
    %swap3A_31 = vector.shape_cast %scan3A_27#0 : vector<16xi32> to vector<16xi32>
    tpu.vector_store %arg9[%swap3A], %swap3A_31 {strides = array<i32>} : memref<64xi32, #tpu.memory_space<vmem>>, vector<16xi32>,
    %swap3A_32 = arith.constant 16 : index
    %swap3A_33 = tpu.vector_load %arg9[%swap3A_32] {strides = array<i32>} : memref<64xi32, #tpu.memory_space<vmem>>, vector<16xi32>,
    %swap3A_34 = vector.shape_cast %swap3A_33 : vector<16xi32> to vector<16xi32>
    %swap3A_35 = vector.shape_cast %scan3A_27#1 : vector<16xi32> to vector<16xi32>
    tpu.vector_store %arg9[%swap3A_32], %swap3A_35 {strides = array<i32>} : memref<64xi32, #tpu.memory_space<vmem>>, vector<16xi32>,
    %swap3A_36 = arith.constant 32 : index
    %swap3A_37 = tpu.vector_load %arg9[%swap3A_36] {strides = array<i32>} : memref<64xi32, #tpu.memory_space<vmem>>, vector<16xi32>,
    %swap3A_38 = vector.shape_cast %swap3A_37 : vector<16xi32> to vector<16xi32>
    %swap3A_39 = vector.shape_cast %scan3A_27#2 : vector<16xi32> to vector<16xi32>
    tpu.vector_store %arg9[%swap3A_36], %swap3A_39 {strides = array<i32>} : memref<64xi32, #tpu.memory_space<vmem>>, vector<16xi32>,
    %swap3A_40 = arith.constant 48 : index
    %swap3A_41 = tpu.vector_load %arg9[%swap3A_40] {strides = array<i32>} : memref<64xi32, #tpu.memory_space<vmem>>, vector<16xi32>,
    %swap3A_42 = vector.shape_cast %swap3A_41 : vector<16xi32> to vector<16xi32>
    %swap3A_43 = vector.shape_cast %scan3A_27#3 : vector<16xi32> to vector<16xi32>
    tpu.vector_store %arg9[%swap3A_40], %swap3A_43 {strides = array<i32>} : memref<64xi32, #tpu.memory_space<vmem>>, vector<16xi32>,
    %mul3A_44 = arith.constant 64 : i32
    %mul3A_45 = arith.muli %arg1, %mul3A_44 : i32
    "tpu.region"() ({
      %run_scoped3A = tpu.sem_alloc : memref<!tpu.dma_semaphore, #tpu.memory_space<semaphore_mem>>
      %dma_start3A = tpu.memref_slice %arg14[%mul3A_45] : memref<1024xi32, #tpu.memory_space<vmem_shared>> -> memref<64xi32, #tpu.memory_space<vmem_shared>>
      %dma_start3A_571 = tpu.memref_slice %arg14[%mul3A_45] : memref<1024xi32, #tpu.memory_space<vmem_shared>> -> memref<64xi32, #tpu.memory_space<vmem_shared>>
      tpu.enqueue_dma source(%arg9 : memref<64xi32, #tpu.memory_space<vmem>>) target(%dma_start3A_571 : memref<64xi32, #tpu.memory_space<vmem_shared>>) target_semaphore(%run_scoped3A : memref<!tpu.dma_semaphore, #tpu.memory_space<semaphore_mem>>)
      %dma_wait3A = tpu.memref_slice %arg14[%mul3A_45] : memref<1024xi32, #tpu.memory_space<vmem_shared>> -> memref<64xi32, #tpu.memory_space<vmem_shared>>
      %dma_wait3A_572 = tpu.memref_slice %arg14[%mul3A_45] : memref<1024xi32, #tpu.memory_space<vmem_shared>> -> memref<64xi32, #tpu.memory_space<vmem_shared>>
      tpu.wait_dma2 semaphore(%run_scoped3A : memref<!tpu.dma_semaphore, #tpu.memory_space<semaphore_mem>>) src(%arg9 : memref<64xi32, #tpu.memory_space<vmem>>) dst(%dma_wait3A_572 : memref<64xi32, #tpu.memory_space<vmem_shared>>)
      tpu.yield
    }) : () -> ()
    %barrier3A = arith.constant 0 : index
    tpu.barrier barrier_id(%barrier3A)
    "tpu.region"() ({
      %run_scoped3A = tpu.sem_alloc : memref<!tpu.dma_semaphore, #tpu.memory_space<semaphore_mem>>
      tpu.enqueue_dma source(%arg14 : memref<1024xi32, #tpu.memory_space<vmem_shared>>) target(%arg10 : memref<1024xi32, #tpu.memory_space<vmem>>) target_semaphore(%run_scoped3A : memref<!tpu.dma_semaphore, #tpu.memory_space<semaphore_mem>>)
      tpu.wait_dma2 semaphore(%run_scoped3A : memref<!tpu.dma_semaphore, #tpu.memory_space<semaphore_mem>>) src(%arg14 : memref<1024xi32, #tpu.memory_space<vmem_shared>>) dst(%arg10 : memref<1024xi32, #tpu.memory_space<vmem>>)
      tpu.yield
    }) : () -> ()
    %get3A = arith.constant 0 : index
    %get3A_46 = tpu.vector_load %arg10[%get3A] {strides = array<i32>} : memref<1024xi32, #tpu.memory_space<vmem>>, vector<16xi32>,
    %get3A_47 = vector.shape_cast %get3A_46 : vector<16xi32> to vector<16xi32>
    %add3A = arith.addi %broadcast_in_dim3A_3, %get3A_47 : vector<16xi32>
    %get3A_48 = arith.constant 16 : index
    %get3A_49 = tpu.vector_load %arg10[%get3A_48] {strides = array<i32>} : memref<1024xi32, #tpu.memory_space<vmem>>, vector<16xi32>,
    %get3A_50 = vector.shape_cast %get3A_49 : vector<16xi32> to vector<16xi32>
    %min3A = arith.minui %broadcast_in_dim3A_5, %get3A_50 : vector<16xi32>
    %get3A_51 = arith.constant 32 : index
    %get3A_52 = tpu.vector_load %arg10[%get3A_51] {strides = array<i32>} : memref<1024xi32, #tpu.memory_space<vmem>>, vector<16xi32>,
    %get3A_53 = vector.shape_cast %get3A_52 : vector<16xi32> to vector<16xi32>
    %add3A_54 = arith.addi %broadcast_in_dim3A_3, %get3A_53 : vector<16xi32>
    %get3A_55 = arith.constant 48 : index
    %get3A_56 = tpu.vector_load %arg10[%get3A_55] {strides = array<i32>} : memref<1024xi32, #tpu.memory_space<vmem>>, vector<16xi32>,
    %get3A_57 = vector.shape_cast %get3A_56 : vector<16xi32> to vector<16xi32>
    %min3A_58 = arith.minui %broadcast_in_dim3A_5, %get3A_57 : vector<16xi32>
    %get3A_59 = arith.constant 64 : index
    %get3A_60 = tpu.vector_load %arg10[%get3A_59] {strides = array<i32>} : memref<1024xi32, #tpu.memory_space<vmem>>, vector<16xi32>,
    %get3A_61 = vector.shape_cast %get3A_60 : vector<16xi32> to vector<16xi32>
    %add3A_62 = arith.addi %add3A, %get3A_61 : vector<16xi32>
    %get3A_63 = arith.constant 80 : index
    %get3A_64 = tpu.vector_load %arg10[%get3A_63] {strides = array<i32>} : memref<1024xi32, #tpu.memory_space<vmem>>, vector<16xi32>,
    %get3A_65 = vector.shape_cast %get3A_64 : vector<16xi32> to vector<16xi32>
    %min3A_66 = arith.minui %min3A, %get3A_65 : vector<16xi32>
    %get3A_67 = arith.constant 96 : index
    %get3A_68 = tpu.vector_load %arg10[%get3A_67] {strides = array<i32>} : memref<1024xi32, #tpu.memory_space<vmem>>, vector<16xi32>,
    %get3A_69 = vector.shape_cast %get3A_68 : vector<16xi32> to vector<16xi32>
    %add3A_70 = arith.addi %add3A_54, %get3A_69 : vector<16xi32>
    %get3A_71 = arith.constant 112 : index
    %get3A_72 = tpu.vector_load %arg10[%get3A_71] {strides = array<i32>} : memref<1024xi32, #tpu.memory_space<vmem>>, vector<16xi32>,
    %get3A_73 = vector.shape_cast %get3A_72 : vector<16xi32> to vector<16xi32>
    %min3A_74 = arith.minui %min3A_58, %get3A_73 : vector<16xi32>
    %get3A_75 = arith.constant 128 : index
    %get3A_76 = tpu.vector_load %arg10[%get3A_75] {strides = array<i32>} : memref<1024xi32, #tpu.memory_space<vmem>>, vector<16xi32>,
    %get3A_77 = vector.shape_cast %get3A_76 : vector<16xi32> to vector<16xi32>
    %add3A_78 = arith.addi %add3A_62, %get3A_77 : vector<16xi32>
    %get3A_79 = arith.constant 144 : index
    %get3A_80 = tpu.vector_load %arg10[%get3A_79] {strides = array<i32>} : memref<1024xi32, #tpu.memory_space<vmem>>, vector<16xi32>,
    %get3A_81 = vector.shape_cast %get3A_80 : vector<16xi32> to vector<16xi32>
    %min3A_82 = arith.minui %min3A_66, %get3A_81 : vector<16xi32>
    %get3A_83 = arith.constant 160 : index
    %get3A_84 = tpu.vector_load %arg10[%get3A_83] {strides = array<i32>} : memref<1024xi32, #tpu.memory_space<vmem>>, vector<16xi32>,
    %get3A_85 = vector.shape_cast %get3A_84 : vector<16xi32> to vector<16xi32>
    %add3A_86 = arith.addi %add3A_70, %get3A_85 : vector<16xi32>
    %get3A_87 = arith.constant 176 : index
    %get3A_88 = tpu.vector_load %arg10[%get3A_87] {strides = array<i32>} : memref<1024xi32, #tpu.memory_space<vmem>>, vector<16xi32>,
    %get3A_89 = vector.shape_cast %get3A_88 : vector<16xi32> to vector<16xi32>
    %min3A_90 = arith.minui %min3A_74, %get3A_89 : vector<16xi32>
    %get3A_91 = arith.constant 192 : index
    %get3A_92 = tpu.vector_load %arg10[%get3A_91] {strides = array<i32>} : memref<1024xi32, #tpu.memory_space<vmem>>, vector<16xi32>,
    %get3A_93 = vector.shape_cast %get3A_92 : vector<16xi32> to vector<16xi32>
    %add3A_94 = arith.addi %add3A_78, %get3A_93 : vector<16xi32>
    %get3A_95 = arith.constant 208 : index
    %get3A_96 = tpu.vector_load %arg10[%get3A_95] {strides = array<i32>} : memref<1024xi32, #tpu.memory_space<vmem>>, vector<16xi32>,
    %get3A_97 = vector.shape_cast %get3A_96 : vector<16xi32> to vector<16xi32>
    %min3A_98 = arith.minui %min3A_82, %get3A_97 : vector<16xi32>
    %get3A_99 = arith.constant 224 : index
    %get3A_100 = tpu.vector_load %arg10[%get3A_99] {strides = array<i32>} : memref<1024xi32, #tpu.memory_space<vmem>>, vector<16xi32>,
    %get3A_101 = vector.shape_cast %get3A_100 : vector<16xi32> to vector<16xi32>
    %add3A_102 = arith.addi %add3A_86, %get3A_101 : vector<16xi32>
    %get3A_103 = arith.constant 240 : index
    %get3A_104 = tpu.vector_load %arg10[%get3A_103] {strides = array<i32>} : memref<1024xi32, #tpu.memory_space<vmem>>, vector<16xi32>,
    %get3A_105 = vector.shape_cast %get3A_104 : vector<16xi32> to vector<16xi32>
    %min3A_106 = arith.minui %min3A_90, %get3A_105 : vector<16xi32>
    %get3A_107 = arith.constant 256 : index
    %get3A_108 = tpu.vector_load %arg10[%get3A_107] {strides = array<i32>} : memref<1024xi32, #tpu.memory_space<vmem>>, vector<16xi32>,
    %get3A_109 = vector.shape_cast %get3A_108 : vector<16xi32> to vector<16xi32>
    %add3A_110 = arith.addi %add3A_94, %get3A_109 : vector<16xi32>
    %get3A_111 = arith.constant 272 : index
    %get3A_112 = tpu.vector_load %arg10[%get3A_111] {strides = array<i32>} : memref<1024xi32, #tpu.memory_space<vmem>>, vector<16xi32>,
    %get3A_113 = vector.shape_cast %get3A_112 : vector<16xi32> to vector<16xi32>
    %min3A_114 = arith.minui %min3A_98, %get3A_113 : vector<16xi32>
    %get3A_115 = arith.constant 288 : index
    %get3A_116 = tpu.vector_load %arg10[%get3A_115] {strides = array<i32>} : memref<1024xi32, #tpu.memory_space<vmem>>, vector<16xi32>,
    %get3A_117 = vector.shape_cast %get3A_116 : vector<16xi32> to vector<16xi32>
    %add3A_118 = arith.addi %add3A_102, %get3A_117 : vector<16xi32>
    %get3A_119 = arith.constant 304 : index
    %get3A_120 = tpu.vector_load %arg10[%get3A_119] {strides = array<i32>} : memref<1024xi32, #tpu.memory_space<vmem>>, vector<16xi32>,
    %get3A_121 = vector.shape_cast %get3A_120 : vector<16xi32> to vector<16xi32>
    %min3A_122 = arith.minui %min3A_106, %get3A_121 : vector<16xi32>
    %get3A_123 = arith.constant 320 : index
    %get3A_124 = tpu.vector_load %arg10[%get3A_123] {strides = array<i32>} : memref<1024xi32, #tpu.memory_space<vmem>>, vector<16xi32>,
    %get3A_125 = vector.shape_cast %get3A_124 : vector<16xi32> to vector<16xi32>
    %add3A_126 = arith.addi %add3A_110, %get3A_125 : vector<16xi32>
    %get3A_127 = arith.constant 336 : index
    %get3A_128 = tpu.vector_load %arg10[%get3A_127] {strides = array<i32>} : memref<1024xi32, #tpu.memory_space<vmem>>, vector<16xi32>,
    %get3A_129 = vector.shape_cast %get3A_128 : vector<16xi32> to vector<16xi32>
    %min3A_130 = arith.minui %min3A_114, %get3A_129 : vector<16xi32>
    %get3A_131 = arith.constant 352 : index
    %get3A_132 = tpu.vector_load %arg10[%get3A_131] {strides = array<i32>} : memref<1024xi32, #tpu.memory_space<vmem>>, vector<16xi32>,
    %get3A_133 = vector.shape_cast %get3A_132 : vector<16xi32> to vector<16xi32>
    %add3A_134 = arith.addi %add3A_118, %get3A_133 : vector<16xi32>
    %get3A_135 = arith.constant 368 : index
    %get3A_136 = tpu.vector_load %arg10[%get3A_135] {strides = array<i32>} : memref<1024xi32, #tpu.memory_space<vmem>>, vector<16xi32>,
    %get3A_137 = vector.shape_cast %get3A_136 : vector<16xi32> to vector<16xi32>
    %min3A_138 = arith.minui %min3A_122, %get3A_137 : vector<16xi32>
    %get3A_139 = arith.constant 384 : index
    %get3A_140 = tpu.vector_load %arg10[%get3A_139] {strides = array<i32>} : memref<1024xi32, #tpu.memory_space<vmem>>, vector<16xi32>,
    %get3A_141 = vector.shape_cast %get3A_140 : vector<16xi32> to vector<16xi32>
    %add3A_142 = arith.addi %add3A_126, %get3A_141 : vector<16xi32>
    %get3A_143 = arith.constant 400 : index
    %get3A_144 = tpu.vector_load %arg10[%get3A_143] {strides = array<i32>} : memref<1024xi32, #tpu.memory_space<vmem>>, vector<16xi32>,
    %get3A_145 = vector.shape_cast %get3A_144 : vector<16xi32> to vector<16xi32>
    %min3A_146 = arith.minui %min3A_130, %get3A_145 : vector<16xi32>
    %get3A_147 = arith.constant 416 : index
    %get3A_148 = tpu.vector_load %arg10[%get3A_147] {strides = array<i32>} : memref<1024xi32, #tpu.memory_space<vmem>>, vector<16xi32>,
    %get3A_149 = vector.shape_cast %get3A_148 : vector<16xi32> to vector<16xi32>
    %add3A_150 = arith.addi %add3A_134, %get3A_149 : vector<16xi32>
    %get3A_151 = arith.constant 432 : index
    %get3A_152 = tpu.vector_load %arg10[%get3A_151] {strides = array<i32>} : memref<1024xi32, #tpu.memory_space<vmem>>, vector<16xi32>,
    %get3A_153 = vector.shape_cast %get3A_152 : vector<16xi32> to vector<16xi32>
    %min3A_154 = arith.minui %min3A_138, %get3A_153 : vector<16xi32>
    %get3A_155 = arith.constant 448 : index
    %get3A_156 = tpu.vector_load %arg10[%get3A_155] {strides = array<i32>} : memref<1024xi32, #tpu.memory_space<vmem>>, vector<16xi32>,
    %get3A_157 = vector.shape_cast %get3A_156 : vector<16xi32> to vector<16xi32>
    %add3A_158 = arith.addi %add3A_142, %get3A_157 : vector<16xi32>
    %get3A_159 = arith.constant 464 : index
    %get3A_160 = tpu.vector_load %arg10[%get3A_159] {strides = array<i32>} : memref<1024xi32, #tpu.memory_space<vmem>>, vector<16xi32>,
    %get3A_161 = vector.shape_cast %get3A_160 : vector<16xi32> to vector<16xi32>
    %min3A_162 = arith.minui %min3A_146, %get3A_161 : vector<16xi32>
    %get3A_163 = arith.constant 480 : index
    %get3A_164 = tpu.vector_load %arg10[%get3A_163] {strides = array<i32>} : memref<1024xi32, #tpu.memory_space<vmem>>, vector<16xi32>,
    %get3A_165 = vector.shape_cast %get3A_164 : vector<16xi32> to vector<16xi32>
    %add3A_166 = arith.addi %add3A_150, %get3A_165 : vector<16xi32>
    %get3A_167 = arith.constant 496 : index
    %get3A_168 = tpu.vector_load %arg10[%get3A_167] {strides = array<i32>} : memref<1024xi32, #tpu.memory_space<vmem>>, vector<16xi32>,
    %get3A_169 = vector.shape_cast %get3A_168 : vector<16xi32> to vector<16xi32>
    %min3A_170 = arith.minui %min3A_154, %get3A_169 : vector<16xi32>
    %get3A_171 = arith.constant 512 : index
    %get3A_172 = tpu.vector_load %arg10[%get3A_171] {strides = array<i32>} : memref<1024xi32, #tpu.memory_space<vmem>>, vector<16xi32>,
    %get3A_173 = vector.shape_cast %get3A_172 : vector<16xi32> to vector<16xi32>
    %add3A_174 = arith.addi %add3A_158, %get3A_173 : vector<16xi32>
    %get3A_175 = arith.constant 528 : index
    %get3A_176 = tpu.vector_load %arg10[%get3A_175] {strides = array<i32>} : memref<1024xi32, #tpu.memory_space<vmem>>, vector<16xi32>,
    %get3A_177 = vector.shape_cast %get3A_176 : vector<16xi32> to vector<16xi32>
    %min3A_178 = arith.minui %min3A_162, %get3A_177 : vector<16xi32>
    %get3A_179 = arith.constant 544 : index
    %get3A_180 = tpu.vector_load %arg10[%get3A_179] {strides = array<i32>} : memref<1024xi32, #tpu.memory_space<vmem>>, vector<16xi32>,
    %get3A_181 = vector.shape_cast %get3A_180 : vector<16xi32> to vector<16xi32>
    %add3A_182 = arith.addi %add3A_166, %get3A_181 : vector<16xi32>
    %get3A_183 = arith.constant 560 : index
    %get3A_184 = tpu.vector_load %arg10[%get3A_183] {strides = array<i32>} : memref<1024xi32, #tpu.memory_space<vmem>>, vector<16xi32>,
    %get3A_185 = vector.shape_cast %get3A_184 : vector<16xi32> to vector<16xi32>
    %min3A_186 = arith.minui %min3A_170, %get3A_185 : vector<16xi32>
    %get3A_187 = arith.constant 576 : index
    %get3A_188 = tpu.vector_load %arg10[%get3A_187] {strides = array<i32>} : memref<1024xi32, #tpu.memory_space<vmem>>, vector<16xi32>,
    %get3A_189 = vector.shape_cast %get3A_188 : vector<16xi32> to vector<16xi32>
    %add3A_190 = arith.addi %add3A_174, %get3A_189 : vector<16xi32>
    %get3A_191 = arith.constant 592 : index
    %get3A_192 = tpu.vector_load %arg10[%get3A_191] {strides = array<i32>} : memref<1024xi32, #tpu.memory_space<vmem>>, vector<16xi32>,
    %get3A_193 = vector.shape_cast %get3A_192 : vector<16xi32> to vector<16xi32>
    %min3A_194 = arith.minui %min3A_178, %get3A_193 : vector<16xi32>
    %get3A_195 = arith.constant 608 : index
    %get3A_196 = tpu.vector_load %arg10[%get3A_195] {strides = array<i32>} : memref<1024xi32, #tpu.memory_space<vmem>>, vector<16xi32>,
    %get3A_197 = vector.shape_cast %get3A_196 : vector<16xi32> to vector<16xi32>
    %add3A_198 = arith.addi %add3A_182, %get3A_197 : vector<16xi32>
    %get3A_199 = arith.constant 624 : index
    %get3A_200 = tpu.vector_load %arg10[%get3A_199] {strides = array<i32>} : memref<1024xi32, #tpu.memory_space<vmem>>, vector<16xi32>,
    %get3A_201 = vector.shape_cast %get3A_200 : vector<16xi32> to vector<16xi32>
    %min3A_202 = arith.minui %min3A_186, %get3A_201 : vector<16xi32>
    %get3A_203 = arith.constant 640 : index
    %get3A_204 = tpu.vector_load %arg10[%get3A_203] {strides = array<i32>} : memref<1024xi32, #tpu.memory_space<vmem>>, vector<16xi32>,
    %get3A_205 = vector.shape_cast %get3A_204 : vector<16xi32> to vector<16xi32>
    %add3A_206 = arith.addi %add3A_190, %get3A_205 : vector<16xi32>
    %get3A_207 = arith.constant 656 : index
    %get3A_208 = tpu.vector_load %arg10[%get3A_207] {strides = array<i32>} : memref<1024xi32, #tpu.memory_space<vmem>>, vector<16xi32>,
    %get3A_209 = vector.shape_cast %get3A_208 : vector<16xi32> to vector<16xi32>
    %min3A_210 = arith.minui %min3A_194, %get3A_209 : vector<16xi32>
    %get3A_211 = arith.constant 672 : index
    %get3A_212 = tpu.vector_load %arg10[%get3A_211] {strides = array<i32>} : memref<1024xi32, #tpu.memory_space<vmem>>, vector<16xi32>,
    %get3A_213 = vector.shape_cast %get3A_212 : vector<16xi32> to vector<16xi32>
    %add3A_214 = arith.addi %add3A_198, %get3A_213 : vector<16xi32>
    %get3A_215 = arith.constant 688 : index
    %get3A_216 = tpu.vector_load %arg10[%get3A_215] {strides = array<i32>} : memref<1024xi32, #tpu.memory_space<vmem>>, vector<16xi32>,
    %get3A_217 = vector.shape_cast %get3A_216 : vector<16xi32> to vector<16xi32>
    %min3A_218 = arith.minui %min3A_202, %get3A_217 : vector<16xi32>
    %get3A_219 = arith.constant 704 : index
    %get3A_220 = tpu.vector_load %arg10[%get3A_219] {strides = array<i32>} : memref<1024xi32, #tpu.memory_space<vmem>>, vector<16xi32>,
    %get3A_221 = vector.shape_cast %get3A_220 : vector<16xi32> to vector<16xi32>
    %add3A_222 = arith.addi %add3A_206, %get3A_221 : vector<16xi32>
    %get3A_223 = arith.constant 720 : index
    %get3A_224 = tpu.vector_load %arg10[%get3A_223] {strides = array<i32>} : memref<1024xi32, #tpu.memory_space<vmem>>, vector<16xi32>,
    %get3A_225 = vector.shape_cast %get3A_224 : vector<16xi32> to vector<16xi32>
    %min3A_226 = arith.minui %min3A_210, %get3A_225 : vector<16xi32>
    %get3A_227 = arith.constant 736 : index
    %get3A_228 = tpu.vector_load %arg10[%get3A_227] {strides = array<i32>} : memref<1024xi32, #tpu.memory_space<vmem>>, vector<16xi32>,
    %get3A_229 = vector.shape_cast %get3A_228 : vector<16xi32> to vector<16xi32>
    %add3A_230 = arith.addi %add3A_214, %get3A_229 : vector<16xi32>
    %get3A_231 = arith.constant 752 : index
    %get3A_232 = tpu.vector_load %arg10[%get3A_231] {strides = array<i32>} : memref<1024xi32, #tpu.memory_space<vmem>>, vector<16xi32>,
    %get3A_233 = vector.shape_cast %get3A_232 : vector<16xi32> to vector<16xi32>
    %min3A_234 = arith.minui %min3A_218, %get3A_233 : vector<16xi32>
    %get3A_235 = arith.constant 768 : index
    %get3A_236 = tpu.vector_load %arg10[%get3A_235] {strides = array<i32>} : memref<1024xi32, #tpu.memory_space<vmem>>, vector<16xi32>,
    %get3A_237 = vector.shape_cast %get3A_236 : vector<16xi32> to vector<16xi32>
    %add3A_238 = arith.addi %add3A_222, %get3A_237 : vector<16xi32>
    %get3A_239 = arith.constant 784 : index
    %get3A_240 = tpu.vector_load %arg10[%get3A_239] {strides = array<i32>} : memref<1024xi32, #tpu.memory_space<vmem>>, vector<16xi32>,
    %get3A_241 = vector.shape_cast %get3A_240 : vector<16xi32> to vector<16xi32>
    %min3A_242 = arith.minui %min3A_226, %get3A_241 : vector<16xi32>
    %get3A_243 = arith.constant 800 : index
    %get3A_244 = tpu.vector_load %arg10[%get3A_243] {strides = array<i32>} : memref<1024xi32, #tpu.memory_space<vmem>>, vector<16xi32>,
    %get3A_245 = vector.shape_cast %get3A_244 : vector<16xi32> to vector<16xi32>
    %add3A_246 = arith.addi %add3A_230, %get3A_245 : vector<16xi32>
    %get3A_247 = arith.constant 816 : index
    %get3A_248 = tpu.vector_load %arg10[%get3A_247] {strides = array<i32>} : memref<1024xi32, #tpu.memory_space<vmem>>, vector<16xi32>,
    %get3A_249 = vector.shape_cast %get3A_248 : vector<16xi32> to vector<16xi32>
    %min3A_250 = arith.minui %min3A_234, %get3A_249 : vector<16xi32>
    %get3A_251 = arith.constant 832 : index
    %get3A_252 = tpu.vector_load %arg10[%get3A_251] {strides = array<i32>} : memref<1024xi32, #tpu.memory_space<vmem>>, vector<16xi32>,
    %get3A_253 = vector.shape_cast %get3A_252 : vector<16xi32> to vector<16xi32>
    %add3A_254 = arith.addi %add3A_238, %get3A_253 : vector<16xi32>
    %get3A_255 = arith.constant 848 : index
    %get3A_256 = tpu.vector_load %arg10[%get3A_255] {strides = array<i32>} : memref<1024xi32, #tpu.memory_space<vmem>>, vector<16xi32>,
    %get3A_257 = vector.shape_cast %get3A_256 : vector<16xi32> to vector<16xi32>
    %min3A_258 = arith.minui %min3A_242, %get3A_257 : vector<16xi32>
    %get3A_259 = arith.constant 864 : index
    %get3A_260 = tpu.vector_load %arg10[%get3A_259] {strides = array<i32>} : memref<1024xi32, #tpu.memory_space<vmem>>, vector<16xi32>,
    %get3A_261 = vector.shape_cast %get3A_260 : vector<16xi32> to vector<16xi32>
    %add3A_262 = arith.addi %add3A_246, %get3A_261 : vector<16xi32>
    %get3A_263 = arith.constant 880 : index
    %get3A_264 = tpu.vector_load %arg10[%get3A_263] {strides = array<i32>} : memref<1024xi32, #tpu.memory_space<vmem>>, vector<16xi32>,
    %get3A_265 = vector.shape_cast %get3A_264 : vector<16xi32> to vector<16xi32>
    %min3A_266 = arith.minui %min3A_250, %get3A_265 : vector<16xi32>
    %get3A_267 = arith.constant 896 : index
    %get3A_268 = tpu.vector_load %arg10[%get3A_267] {strides = array<i32>} : memref<1024xi32, #tpu.memory_space<vmem>>, vector<16xi32>,
    %get3A_269 = vector.shape_cast %get3A_268 : vector<16xi32> to vector<16xi32>
    %add3A_270 = arith.addi %add3A_254, %get3A_269 : vector<16xi32>
    %get3A_271 = arith.constant 912 : index
    %get3A_272 = tpu.vector_load %arg10[%get3A_271] {strides = array<i32>} : memref<1024xi32, #tpu.memory_space<vmem>>, vector<16xi32>,
    %get3A_273 = vector.shape_cast %get3A_272 : vector<16xi32> to vector<16xi32>
    %min3A_274 = arith.minui %min3A_258, %get3A_273 : vector<16xi32>
    %get3A_275 = arith.constant 928 : index
    %get3A_276 = tpu.vector_load %arg10[%get3A_275] {strides = array<i32>} : memref<1024xi32, #tpu.memory_space<vmem>>, vector<16xi32>,
    %get3A_277 = vector.shape_cast %get3A_276 : vector<16xi32> to vector<16xi32>
    %add3A_278 = arith.addi %add3A_262, %get3A_277 : vector<16xi32>
    %get3A_279 = arith.constant 944 : index
    %get3A_280 = tpu.vector_load %arg10[%get3A_279] {strides = array<i32>} : memref<1024xi32, #tpu.memory_space<vmem>>, vector<16xi32>,
    %get3A_281 = vector.shape_cast %get3A_280 : vector<16xi32> to vector<16xi32>
    %min3A_282 = arith.minui %min3A_266, %get3A_281 : vector<16xi32>
    %get3A_283 = arith.constant 960 : index
    %get3A_284 = tpu.vector_load %arg10[%get3A_283] {strides = array<i32>} : memref<1024xi32, #tpu.memory_space<vmem>>, vector<16xi32>,
    %get3A_285 = vector.shape_cast %get3A_284 : vector<16xi32> to vector<16xi32>
    %add3A_286 = arith.addi %add3A_270, %get3A_285 : vector<16xi32>
    %get3A_287 = arith.constant 976 : index
    %get3A_288 = tpu.vector_load %arg10[%get3A_287] {strides = array<i32>} : memref<1024xi32, #tpu.memory_space<vmem>>, vector<16xi32>,
    %get3A_289 = vector.shape_cast %get3A_288 : vector<16xi32> to vector<16xi32>
    %min3A_290 = arith.minui %min3A_274, %get3A_289 : vector<16xi32>
    %get3A_291 = arith.constant 992 : index
    %get3A_292 = tpu.vector_load %arg10[%get3A_291] {strides = array<i32>} : memref<1024xi32, #tpu.memory_space<vmem>>, vector<16xi32>,
    %get3A_293 = vector.shape_cast %get3A_292 : vector<16xi32> to vector<16xi32>
    %add3A_294 = arith.addi %add3A_278, %get3A_293 : vector<16xi32>
    %get3A_295 = arith.constant 1008 : index
    %get3A_296 = tpu.vector_load %arg10[%get3A_295] {strides = array<i32>} : memref<1024xi32, #tpu.memory_space<vmem>>, vector<16xi32>,
    %get3A_297 = vector.shape_cast %get3A_296 : vector<16xi32> to vector<16xi32>
    %min3A_298 = arith.minui %min3A_282, %get3A_297 : vector<16xi32>
    %slice3A = vector.extract_strided_slice %add3A_286 {offsets = [0], sizes = [1], strides = [1]} : vector<16xi32> to vector<1xi32>
    %squeeze3A = vector.extract %slice3A[0] : i32 from vector<1xi32>
    %slice3A_299 = vector.extract_strided_slice %add3A_286 {offsets = [1], sizes = [1], strides = [1]} : vector<16xi32> to vector<1xi32>
    %squeeze3A_300 = vector.extract %slice3A_299[0] : i32 from vector<1xi32>
    %add3A_301 = arith.addi %squeeze3A, %squeeze3A_300 : i32
    %slice3A_302 = vector.extract_strided_slice %add3A_286 {offsets = [2], sizes = [1], strides = [1]} : vector<16xi32> to vector<1xi32>
    %squeeze3A_303 = vector.extract %slice3A_302[0] : i32 from vector<1xi32>
    %add3A_304 = arith.addi %add3A_301, %squeeze3A_303 : i32
    %slice3A_305 = vector.extract_strided_slice %add3A_286 {offsets = [3], sizes = [1], strides = [1]} : vector<16xi32> to vector<1xi32>
    %squeeze3A_306 = vector.extract %slice3A_305[0] : i32 from vector<1xi32>
    %add3A_307 = arith.addi %add3A_304, %squeeze3A_306 : i32
    %slice3A_308 = vector.extract_strided_slice %add3A_286 {offsets = [4], sizes = [1], strides = [1]} : vector<16xi32> to vector<1xi32>
    %squeeze3A_309 = vector.extract %slice3A_308[0] : i32 from vector<1xi32>
    %add3A_310 = arith.addi %add3A_307, %squeeze3A_309 : i32
    %slice3A_311 = vector.extract_strided_slice %add3A_286 {offsets = [5], sizes = [1], strides = [1]} : vector<16xi32> to vector<1xi32>
    %squeeze3A_312 = vector.extract %slice3A_311[0] : i32 from vector<1xi32>
    %add3A_313 = arith.addi %add3A_310, %squeeze3A_312 : i32
    %slice3A_314 = vector.extract_strided_slice %add3A_286 {offsets = [6], sizes = [1], strides = [1]} : vector<16xi32> to vector<1xi32>
    %squeeze3A_315 = vector.extract %slice3A_314[0] : i32 from vector<1xi32>
    %add3A_316 = arith.addi %add3A_313, %squeeze3A_315 : i32
    %slice3A_317 = vector.extract_strided_slice %add3A_286 {offsets = [7], sizes = [1], strides = [1]} : vector<16xi32> to vector<1xi32>
    %squeeze3A_318 = vector.extract %slice3A_317[0] : i32 from vector<1xi32>
    %add3A_319 = arith.addi %add3A_316, %squeeze3A_318 : i32
    %slice3A_320 = vector.extract_strided_slice %add3A_286 {offsets = [8], sizes = [1], strides = [1]} : vector<16xi32> to vector<1xi32>
    %squeeze3A_321 = vector.extract %slice3A_320[0] : i32 from vector<1xi32>
    %add3A_322 = arith.addi %add3A_319, %squeeze3A_321 : i32
    %slice3A_323 = vector.extract_strided_slice %add3A_286 {offsets = [9], sizes = [1], strides = [1]} : vector<16xi32> to vector<1xi32>
    %squeeze3A_324 = vector.extract %slice3A_323[0] : i32 from vector<1xi32>
    %add3A_325 = arith.addi %add3A_322, %squeeze3A_324 : i32
    %slice3A_326 = vector.extract_strided_slice %add3A_286 {offsets = [10], sizes = [1], strides = [1]} : vector<16xi32> to vector<1xi32>
    %squeeze3A_327 = vector.extract %slice3A_326[0] : i32 from vector<1xi32>
    %add3A_328 = arith.addi %add3A_325, %squeeze3A_327 : i32
    %slice3A_329 = vector.extract_strided_slice %add3A_286 {offsets = [11], sizes = [1], strides = [1]} : vector<16xi32> to vector<1xi32>
    %squeeze3A_330 = vector.extract %slice3A_329[0] : i32 from vector<1xi32>
    %add3A_331 = arith.addi %add3A_328, %squeeze3A_330 : i32
    %slice3A_332 = vector.extract_strided_slice %add3A_286 {offsets = [12], sizes = [1], strides = [1]} : vector<16xi32> to vector<1xi32>
    %squeeze3A_333 = vector.extract %slice3A_332[0] : i32 from vector<1xi32>
    %add3A_334 = arith.addi %add3A_331, %squeeze3A_333 : i32
    %slice3A_335 = vector.extract_strided_slice %add3A_286 {offsets = [13], sizes = [1], strides = [1]} : vector<16xi32> to vector<1xi32>
    %squeeze3A_336 = vector.extract %slice3A_335[0] : i32 from vector<1xi32>
    %add3A_337 = arith.addi %add3A_334, %squeeze3A_336 : i32
    %slice3A_338 = vector.extract_strided_slice %add3A_286 {offsets = [14], sizes = [1], strides = [1]} : vector<16xi32> to vector<1xi32>
    %squeeze3A_339 = vector.extract %slice3A_338[0] : i32 from vector<1xi32>
    %add3A_340 = arith.addi %add3A_337, %squeeze3A_339 : i32
    %slice3A_341 = vector.extract_strided_slice %add3A_286 {offsets = [15], sizes = [1], strides = [1]} : vector<16xi32> to vector<1xi32>
    %squeeze3A_342 = vector.extract %slice3A_341[0] : i32 from vector<1xi32>
    %add3A_343 = arith.addi %add3A_340, %squeeze3A_342 : i32
    %slice3A_344 = vector.extract_strided_slice %add3A_294 {offsets = [0], sizes = [1], strides = [1]} : vector<16xi32> to vector<1xi32>
    %squeeze3A_345 = vector.extract %slice3A_344[0] : i32 from vector<1xi32>
    %slice3A_346 = vector.extract_strided_slice %add3A_294 {offsets = [1], sizes = [1], strides = [1]} : vector<16xi32> to vector<1xi32>
    %squeeze3A_347 = vector.extract %slice3A_346[0] : i32 from vector<1xi32>
    %add3A_348 = arith.addi %squeeze3A_345, %squeeze3A_347 : i32
    %slice3A_349 = vector.extract_strided_slice %add3A_294 {offsets = [2], sizes = [1], strides = [1]} : vector<16xi32> to vector<1xi32>
    %squeeze3A_350 = vector.extract %slice3A_349[0] : i32 from vector<1xi32>
    %add3A_351 = arith.addi %add3A_348, %squeeze3A_350 : i32
    %slice3A_352 = vector.extract_strided_slice %add3A_294 {offsets = [3], sizes = [1], strides = [1]} : vector<16xi32> to vector<1xi32>
    %squeeze3A_353 = vector.extract %slice3A_352[0] : i32 from vector<1xi32>
    %add3A_354 = arith.addi %add3A_351, %squeeze3A_353 : i32
    %slice3A_355 = vector.extract_strided_slice %add3A_294 {offsets = [4], sizes = [1], strides = [1]} : vector<16xi32> to vector<1xi32>
    %squeeze3A_356 = vector.extract %slice3A_355[0] : i32 from vector<1xi32>
    %add3A_357 = arith.addi %add3A_354, %squeeze3A_356 : i32
    %slice3A_358 = vector.extract_strided_slice %add3A_294 {offsets = [5], sizes = [1], strides = [1]} : vector<16xi32> to vector<1xi32>
    %squeeze3A_359 = vector.extract %slice3A_358[0] : i32 from vector<1xi32>
    %add3A_360 = arith.addi %add3A_357, %squeeze3A_359 : i32
    %slice3A_361 = vector.extract_strided_slice %add3A_294 {offsets = [6], sizes = [1], strides = [1]} : vector<16xi32> to vector<1xi32>
    %squeeze3A_362 = vector.extract %slice3A_361[0] : i32 from vector<1xi32>
    %add3A_363 = arith.addi %add3A_360, %squeeze3A_362 : i32
    %slice3A_364 = vector.extract_strided_slice %add3A_294 {offsets = [7], sizes = [1], strides = [1]} : vector<16xi32> to vector<1xi32>
    %squeeze3A_365 = vector.extract %slice3A_364[0] : i32 from vector<1xi32>
    %add3A_366 = arith.addi %add3A_363, %squeeze3A_365 : i32
    %slice3A_367 = vector.extract_strided_slice %add3A_294 {offsets = [8], sizes = [1], strides = [1]} : vector<16xi32> to vector<1xi32>
    %squeeze3A_368 = vector.extract %slice3A_367[0] : i32 from vector<1xi32>
    %add3A_369 = arith.addi %add3A_366, %squeeze3A_368 : i32
    %slice3A_370 = vector.extract_strided_slice %add3A_294 {offsets = [9], sizes = [1], strides = [1]} : vector<16xi32> to vector<1xi32>
    %squeeze3A_371 = vector.extract %slice3A_370[0] : i32 from vector<1xi32>
    %add3A_372 = arith.addi %add3A_369, %squeeze3A_371 : i32
    %slice3A_373 = vector.extract_strided_slice %add3A_294 {offsets = [10], sizes = [1], strides = [1]} : vector<16xi32> to vector<1xi32>
    %squeeze3A_374 = vector.extract %slice3A_373[0] : i32 from vector<1xi32>
    %add3A_375 = arith.addi %add3A_372, %squeeze3A_374 : i32
    %slice3A_376 = vector.extract_strided_slice %add3A_294 {offsets = [11], sizes = [1], strides = [1]} : vector<16xi32> to vector<1xi32>
    %squeeze3A_377 = vector.extract %slice3A_376[0] : i32 from vector<1xi32>
    %add3A_378 = arith.addi %add3A_375, %squeeze3A_377 : i32
    %slice3A_379 = vector.extract_strided_slice %add3A_294 {offsets = [12], sizes = [1], strides = [1]} : vector<16xi32> to vector<1xi32>
    %squeeze3A_380 = vector.extract %slice3A_379[0] : i32 from vector<1xi32>
    %add3A_381 = arith.addi %add3A_378, %squeeze3A_380 : i32
    %slice3A_382 = vector.extract_strided_slice %add3A_294 {offsets = [13], sizes = [1], strides = [1]} : vector<16xi32> to vector<1xi32>
    %squeeze3A_383 = vector.extract %slice3A_382[0] : i32 from vector<1xi32>
    %add3A_384 = arith.addi %add3A_381, %squeeze3A_383 : i32
    %slice3A_385 = vector.extract_strided_slice %add3A_294 {offsets = [14], sizes = [1], strides = [1]} : vector<16xi32> to vector<1xi32>
    %squeeze3A_386 = vector.extract %slice3A_385[0] : i32 from vector<1xi32>
    %add3A_387 = arith.addi %add3A_384, %squeeze3A_386 : i32
    %slice3A_388 = vector.extract_strided_slice %add3A_294 {offsets = [15], sizes = [1], strides = [1]} : vector<16xi32> to vector<1xi32>
    %squeeze3A_389 = vector.extract %slice3A_388[0] : i32 from vector<1xi32>
    %add3A_390 = arith.addi %add3A_387, %squeeze3A_389 : i32
    %slice3A_391 = vector.extract_strided_slice %min3A_290 {offsets = [0], sizes = [1], strides = [1]} : vector<16xi32> to vector<1xi32>
    %squeeze3A_392 = vector.extract %slice3A_391[0] : i32 from vector<1xi32>
    %slice3A_393 = vector.extract_strided_slice %min3A_290 {offsets = [1], sizes = [1], strides = [1]} : vector<16xi32> to vector<1xi32>
    %squeeze3A_394 = vector.extract %slice3A_393[0] : i32 from vector<1xi32>
    %min3A_395 = arith.minui %squeeze3A_392, %squeeze3A_394 : i32
    %slice3A_396 = vector.extract_strided_slice %min3A_290 {offsets = [2], sizes = [1], strides = [1]} : vector<16xi32> to vector<1xi32>
    %squeeze3A_397 = vector.extract %slice3A_396[0] : i32 from vector<1xi32>
    %min3A_398 = arith.minui %min3A_395, %squeeze3A_397 : i32
    %slice3A_399 = vector.extract_strided_slice %min3A_290 {offsets = [3], sizes = [1], strides = [1]} : vector<16xi32> to vector<1xi32>
    %squeeze3A_400 = vector.extract %slice3A_399[0] : i32 from vector<1xi32>
    %min3A_401 = arith.minui %min3A_398, %squeeze3A_400 : i32
    %slice3A_402 = vector.extract_strided_slice %min3A_290 {offsets = [4], sizes = [1], strides = [1]} : vector<16xi32> to vector<1xi32>
    %squeeze3A_403 = vector.extract %slice3A_402[0] : i32 from vector<1xi32>
    %min3A_404 = arith.minui %min3A_401, %squeeze3A_403 : i32
    %slice3A_405 = vector.extract_strided_slice %min3A_290 {offsets = [5], sizes = [1], strides = [1]} : vector<16xi32> to vector<1xi32>
    %squeeze3A_406 = vector.extract %slice3A_405[0] : i32 from vector<1xi32>
    %min3A_407 = arith.minui %min3A_404, %squeeze3A_406 : i32
    %slice3A_408 = vector.extract_strided_slice %min3A_290 {offsets = [6], sizes = [1], strides = [1]} : vector<16xi32> to vector<1xi32>
    %squeeze3A_409 = vector.extract %slice3A_408[0] : i32 from vector<1xi32>
    %min3A_410 = arith.minui %min3A_407, %squeeze3A_409 : i32
    %slice3A_411 = vector.extract_strided_slice %min3A_290 {offsets = [7], sizes = [1], strides = [1]} : vector<16xi32> to vector<1xi32>
    %squeeze3A_412 = vector.extract %slice3A_411[0] : i32 from vector<1xi32>
    %min3A_413 = arith.minui %min3A_410, %squeeze3A_412 : i32
    %slice3A_414 = vector.extract_strided_slice %min3A_290 {offsets = [8], sizes = [1], strides = [1]} : vector<16xi32> to vector<1xi32>
    %squeeze3A_415 = vector.extract %slice3A_414[0] : i32 from vector<1xi32>
    %min3A_416 = arith.minui %min3A_413, %squeeze3A_415 : i32
    %slice3A_417 = vector.extract_strided_slice %min3A_290 {offsets = [9], sizes = [1], strides = [1]} : vector<16xi32> to vector<1xi32>
    %squeeze3A_418 = vector.extract %slice3A_417[0] : i32 from vector<1xi32>
    %min3A_419 = arith.minui %min3A_416, %squeeze3A_418 : i32
    %slice3A_420 = vector.extract_strided_slice %min3A_290 {offsets = [10], sizes = [1], strides = [1]} : vector<16xi32> to vector<1xi32>
    %squeeze3A_421 = vector.extract %slice3A_420[0] : i32 from vector<1xi32>
    %min3A_422 = arith.minui %min3A_419, %squeeze3A_421 : i32
    %slice3A_423 = vector.extract_strided_slice %min3A_290 {offsets = [11], sizes = [1], strides = [1]} : vector<16xi32> to vector<1xi32>
    %squeeze3A_424 = vector.extract %slice3A_423[0] : i32 from vector<1xi32>
    %min3A_425 = arith.minui %min3A_422, %squeeze3A_424 : i32
    %slice3A_426 = vector.extract_strided_slice %min3A_290 {offsets = [12], sizes = [1], strides = [1]} : vector<16xi32> to vector<1xi32>
    %squeeze3A_427 = vector.extract %slice3A_426[0] : i32 from vector<1xi32>
    %min3A_428 = arith.minui %min3A_425, %squeeze3A_427 : i32
    %slice3A_429 = vector.extract_strided_slice %min3A_290 {offsets = [13], sizes = [1], strides = [1]} : vector<16xi32> to vector<1xi32>
    %squeeze3A_430 = vector.extract %slice3A_429[0] : i32 from vector<1xi32>
    %min3A_431 = arith.minui %min3A_428, %squeeze3A_430 : i32
    %slice3A_432 = vector.extract_strided_slice %min3A_290 {offsets = [14], sizes = [1], strides = [1]} : vector<16xi32> to vector<1xi32>
    %squeeze3A_433 = vector.extract %slice3A_432[0] : i32 from vector<1xi32>
    %min3A_434 = arith.minui %min3A_431, %squeeze3A_433 : i32
    %slice3A_435 = vector.extract_strided_slice %min3A_290 {offsets = [15], sizes = [1], strides = [1]} : vector<16xi32> to vector<1xi32>
    %squeeze3A_436 = vector.extract %slice3A_435[0] : i32 from vector<1xi32>
    %min3A_437 = arith.minui %min3A_434, %squeeze3A_436 : i32
    %slice3A_438 = vector.extract_strided_slice %min3A_298 {offsets = [0], sizes = [1], strides = [1]} : vector<16xi32> to vector<1xi32>
    %squeeze3A_439 = vector.extract %slice3A_438[0] : i32 from vector<1xi32>
    %slice3A_440 = vector.extract_strided_slice %min3A_298 {offsets = [1], sizes = [1], strides = [1]} : vector<16xi32> to vector<1xi32>
    %squeeze3A_441 = vector.extract %slice3A_440[0] : i32 from vector<1xi32>
    %min3A_442 = arith.minui %squeeze3A_439, %squeeze3A_441 : i32
    %slice3A_443 = vector.extract_strided_slice %min3A_298 {offsets = [2], sizes = [1], strides = [1]} : vector<16xi32> to vector<1xi32>
    %squeeze3A_444 = vector.extract %slice3A_443[0] : i32 from vector<1xi32>
    %min3A_445 = arith.minui %min3A_442, %squeeze3A_444 : i32
    %slice3A_446 = vector.extract_strided_slice %min3A_298 {offsets = [3], sizes = [1], strides = [1]} : vector<16xi32> to vector<1xi32>
    %squeeze3A_447 = vector.extract %slice3A_446[0] : i32 from vector<1xi32>
    %min3A_448 = arith.minui %min3A_445, %squeeze3A_447 : i32
    %slice3A_449 = vector.extract_strided_slice %min3A_298 {offsets = [4], sizes = [1], strides = [1]} : vector<16xi32> to vector<1xi32>
    %squeeze3A_450 = vector.extract %slice3A_449[0] : i32 from vector<1xi32>
    %min3A_451 = arith.minui %min3A_448, %squeeze3A_450 : i32
    %slice3A_452 = vector.extract_strided_slice %min3A_298 {offsets = [5], sizes = [1], strides = [1]} : vector<16xi32> to vector<1xi32>
    %squeeze3A_453 = vector.extract %slice3A_452[0] : i32 from vector<1xi32>
    %min3A_454 = arith.minui %min3A_451, %squeeze3A_453 : i32
    %slice3A_455 = vector.extract_strided_slice %min3A_298 {offsets = [6], sizes = [1], strides = [1]} : vector<16xi32> to vector<1xi32>
    %squeeze3A_456 = vector.extract %slice3A_455[0] : i32 from vector<1xi32>
    %min3A_457 = arith.minui %min3A_454, %squeeze3A_456 : i32
    %slice3A_458 = vector.extract_strided_slice %min3A_298 {offsets = [7], sizes = [1], strides = [1]} : vector<16xi32> to vector<1xi32>
    %squeeze3A_459 = vector.extract %slice3A_458[0] : i32 from vector<1xi32>
    %min3A_460 = arith.minui %min3A_457, %squeeze3A_459 : i32
    %slice3A_461 = vector.extract_strided_slice %min3A_298 {offsets = [8], sizes = [1], strides = [1]} : vector<16xi32> to vector<1xi32>
    %squeeze3A_462 = vector.extract %slice3A_461[0] : i32 from vector<1xi32>
    %min3A_463 = arith.minui %min3A_460, %squeeze3A_462 : i32
    %slice3A_464 = vector.extract_strided_slice %min3A_298 {offsets = [9], sizes = [1], strides = [1]} : vector<16xi32> to vector<1xi32>
    %squeeze3A_465 = vector.extract %slice3A_464[0] : i32 from vector<1xi32>
    %min3A_466 = arith.minui %min3A_463, %squeeze3A_465 : i32
    %slice3A_467 = vector.extract_strided_slice %min3A_298 {offsets = [10], sizes = [1], strides = [1]} : vector<16xi32> to vector<1xi32>
    %squeeze3A_468 = vector.extract %slice3A_467[0] : i32 from vector<1xi32>
    %min3A_469 = arith.minui %min3A_466, %squeeze3A_468 : i32
    %slice3A_470 = vector.extract_strided_slice %min3A_298 {offsets = [11], sizes = [1], strides = [1]} : vector<16xi32> to vector<1xi32>
    %squeeze3A_471 = vector.extract %slice3A_470[0] : i32 from vector<1xi32>
    %min3A_472 = arith.minui %min3A_469, %squeeze3A_471 : i32
    %slice3A_473 = vector.extract_strided_slice %min3A_298 {offsets = [12], sizes = [1], strides = [1]} : vector<16xi32> to vector<1xi32>
    %squeeze3A_474 = vector.extract %slice3A_473[0] : i32 from vector<1xi32>
    %min3A_475 = arith.minui %min3A_472, %squeeze3A_474 : i32
    %slice3A_476 = vector.extract_strided_slice %min3A_298 {offsets = [13], sizes = [1], strides = [1]} : vector<16xi32> to vector<1xi32>
    %squeeze3A_477 = vector.extract %slice3A_476[0] : i32 from vector<1xi32>
    %min3A_478 = arith.minui %min3A_475, %squeeze3A_477 : i32
    %slice3A_479 = vector.extract_strided_slice %min3A_298 {offsets = [14], sizes = [1], strides = [1]} : vector<16xi32> to vector<1xi32>
    %squeeze3A_480 = vector.extract %slice3A_479[0] : i32 from vector<1xi32>
    %min3A_481 = arith.minui %min3A_478, %squeeze3A_480 : i32
    %slice3A_482 = vector.extract_strided_slice %min3A_298 {offsets = [15], sizes = [1], strides = [1]} : vector<16xi32> to vector<1xi32>
    %squeeze3A_483 = vector.extract %slice3A_482[0] : i32 from vector<1xi32>
    %min3A_484 = arith.minui %min3A_481, %squeeze3A_483 : i32
    %ge3A = arith.constant 26216 : i32
    %ge3A_485 = arith.cmpi uge, %add3A_343, %ge3A : i32
    %select_n3A = arith.select %ge3A_485, %scan3A_21#0, %min3A_437 : i32
    %ge3A_486 = arith.constant 498074 : i32
    %ge3A_487 = arith.cmpi uge, %add3A_390, %ge3A_486 : i32
    %select_n3A_488 = arith.select %ge3A_487, %scan3A_21#1, %min3A_484 : i32
    %shift_right_logical3A = arith.constant 31 : i32
    %shift_right_logical3A_489 = arith.shrui %scan3A_21#0, %shift_right_logical3A : i32
    %eq3A = arith.constant 1 : i32
    %eq3A_490 = arith.cmpi eq, %shift_right_logical3A_489, %eq3A : i32
    %xor3A = arith.constant -2147483648 : i32
    %xor3A_491 = arith.xori %scan3A_21#0, %xor3A : i32
    %not3A = arith.constant -1 : i32
    %not3A_492 = arith.xori %scan3A_21#0, %not3A : i32
    %select_n3A_493 = arith.select %eq3A_490, %xor3A_491, %not3A_492 : i32
    %bitcast_convert_type3A = arith.bitcast %select_n3A_493 : i32 to f32
    %shift_right_logical3A_494 = arith.constant 31 : i32
    %shift_right_logical3A_495 = arith.shrui %select_n3A, %shift_right_logical3A_494 : i32
    %eq3A_496 = arith.constant 1 : i32
    %eq3A_497 = arith.cmpi eq, %shift_right_logical3A_495, %eq3A_496 : i32
    %xor3A_498 = arith.constant -2147483648 : i32
    %xor3A_499 = arith.xori %select_n3A, %xor3A_498 : i32
    %not3A_500 = arith.constant -1 : i32
    %not3A_501 = arith.xori %select_n3A, %not3A_500 : i32
    %select_n3A_502 = arith.select %eq3A_497, %xor3A_499, %not3A_501 : i32
    %bitcast_convert_type3A_503 = arith.bitcast %select_n3A_502 : i32 to f32
    %shift_right_logical3A_504 = arith.constant 31 : i32
    %shift_right_logical3A_505 = arith.shrui %scan3A_21#1, %shift_right_logical3A_504 : i32
    %eq3A_506 = arith.constant 1 : i32
    %eq3A_507 = arith.cmpi eq, %shift_right_logical3A_505, %eq3A_506 : i32
    %xor3A_508 = arith.constant -2147483648 : i32
    %xor3A_509 = arith.xori %scan3A_21#1, %xor3A_508 : i32
    %not3A_510 = arith.constant -1 : i32
    %not3A_511 = arith.xori %scan3A_21#1, %not3A_510 : i32
    %select_n3A_512 = arith.select %eq3A_507, %xor3A_509, %not3A_511 : i32
    %bitcast_convert_type3A_513 = arith.bitcast %select_n3A_512 : i32 to f32
    %shift_right_logical3A_514 = arith.constant 31 : i32
    %shift_right_logical3A_515 = arith.shrui %select_n3A_488, %shift_right_logical3A_514 : i32
    %eq3A_516 = arith.constant 1 : i32
    %eq3A_517 = arith.cmpi eq, %shift_right_logical3A_515, %eq3A_516 : i32
    %xor3A_518 = arith.constant -2147483648 : i32
    %xor3A_519 = arith.xori %select_n3A_488, %xor3A_518 : i32
    %not3A_520 = arith.constant -1 : i32
    %not3A_521 = arith.xori %select_n3A_488, %not3A_520 : i32
    %select_n3A_522 = arith.select %eq3A_517, %xor3A_519, %not3A_521 : i32
    %bitcast_convert_type3A_523 = arith.bitcast %select_n3A_522 : i32 to f32
    %mul3A_524 = arith.constant 6.500000e-01 : f32
    %mul3A_525 = arith.mulf %bitcast_convert_type3A, %mul3A_524 : f32
    %mul3A_526 = arith.constant 3.500000e-01 : f32
    %mul3A_527 = arith.mulf %bitcast_convert_type3A_503, %mul3A_526 : f32
    %add3A_528 = arith.addf %mul3A_525, %mul3A_527 : f32
    %mul3A_529 = arith.constant 3.500000e-01 : f32
    %mul3A_530 = arith.mulf %bitcast_convert_type3A_513, %mul3A_529 : f32
    %mul3A_531 = arith.constant 6.500000e-01 : f32
    %mul3A_532 = arith.mulf %bitcast_convert_type3A_523, %mul3A_531 : f32
    %add3A_533 = arith.addf %mul3A_530, %mul3A_532 : f32
    %get3A_534 = arith.constant 0 : index
    %get3A_535 = tpu.vector_load %arg11[%get3A_534] {strides = array<i32>} : memref<16xf32, #tpu.memory_space<vmem>>, vector<16xf32>,
    %get3A_536 = vector.shape_cast %get3A_535 : vector<16xf32> to vector<16xf32>
    %slice3A_537 = vector.extract_strided_slice %get3A_536 {offsets = [0], sizes = [1], strides = [1]} : vector<16xf32> to vector<1xf32>
    %squeeze3A_538 = vector.extract %slice3A_537[0] : f32 from vector<1xf32>
    %slice3A_539 = vector.extract_strided_slice %get3A_536 {offsets = [1], sizes = [1], strides = [1]} : vector<16xf32> to vector<1xf32>
    %squeeze3A_540 = vector.extract %slice3A_539[0] : f32 from vector<1xf32>
    %mul3A_541 = arith.constant 9.900000e-01 : f32
    %mul3A_542 = arith.mulf %mul3A_541, %squeeze3A_538 : f32
    %mul3A_543 = arith.constant 0.00999999977 : f32
    %mul3A_544 = arith.mulf %mul3A_543, %add3A_528 : f32
    %add3A_545 = arith.addf %mul3A_542, %mul3A_544 : f32
    %mul3A_546 = arith.constant 9.900000e-01 : f32
    %mul3A_547 = arith.mulf %mul3A_546, %squeeze3A_540 : f32
    %mul3A_548 = arith.constant 0.00999999977 : f32
    %mul3A_549 = arith.mulf %mul3A_548, %add3A_533 : f32
    %add3A_550 = arith.addf %mul3A_547, %mul3A_549 : f32
    %sub3A = arith.subf %add3A_550, %add3A_545 : f32
    %max3A = arith.constant 1.000000e+00 : f32
    %max3A_551 = arith.maximumf %max3A, %sub3A : f32
    %iota3A = tpu.iota {dimensions = array<i32: 0>} : vector<16xi32>
    %broadcast_in_dim3A_552 = arith.constant 0.000000e+00 : f32
    %broadcast_in_dim3A_553 = vector.broadcast %broadcast_in_dim3A_552 : f32 to vector<16xf32>
    %eq3A_554 = arith.constant 0 : i32
    %eq3A_555 = vector.broadcast %eq3A_554 : i32 to vector<16xi32>
    %eq3A_556 = arith.cmpi eq, %iota3A, %eq3A_555 : vector<16xi32>
    %eq3A_557 = arith.constant 1 : i32
    %eq3A_558 = vector.broadcast %eq3A_557 : i32 to vector<16xi32>
    %eq3A_559 = arith.cmpi eq, %iota3A, %eq3A_558 : vector<16xi32>
    %broadcast_in_dim3A_560 = vector.broadcast %max3A_551 : f32 to vector<16xf32>
    %select_n3A_561 = arith.select %eq3A_559, %broadcast_in_dim3A_560, %broadcast_in_dim3A_553 : vector<16xi1>, vector<16xf32>
    %broadcast_in_dim3A_562 = vector.broadcast %add3A_545 : f32 to vector<16xf32>
    %select_n3A_563 = arith.select %eq3A_556, %broadcast_in_dim3A_562, %select_n3A_561 : vector<16xi1>, vector<16xf32>
    %swap3A_564 = arith.constant 0 : index
    %swap3A_565 = tpu.vector_load %arg12[%swap3A_564] {strides = array<i32>} : memref<16xf32, #tpu.memory_space<vmem>>, vector<16xf32>,
    %swap3A_566 = vector.shape_cast %swap3A_565 : vector<16xf32> to vector<16xf32>
    %swap3A_567 = vector.shape_cast %select_n3A_563 : vector<16xf32> to vector<16xf32>
    tpu.vector_store %arg12[%swap3A_564], %swap3A_567 {strides = array<i32>} : memref<16xf32, #tpu.memory_space<vmem>>, vector<16xf32>,
    %eq3A_568 = arith.constant 0 : i32
    %eq3A_569 = arith.cmpi eq, %arg1, %eq3A_568 : i32
    %convert_element_type3A = arith.extui %eq3A_569 : i1 to i32
    %cond3A = arith.constant 0 : i32
    %cond3A_570 = arith.cmpi ne, %convert_element_type3A, %cond3A : i32
    scf.if %cond3A_570 {
      "tpu.region"() ({
        %run_scoped3A = tpu.sem_alloc : memref<!tpu.dma_semaphore, #tpu.memory_space<semaphore_mem>>
        tpu.enqueue_dma source(%arg12 : memref<16xf32, #tpu.memory_space<vmem>>) target(%arg4 : memref<16xf32, #tpu.memory_space<hbm>>) target_semaphore(%run_scoped3A : memref<!tpu.dma_semaphore, #tpu.memory_space<semaphore_mem>>)
        tpu.wait_dma2 semaphore(%run_scoped3A : memref<!tpu.dma_semaphore, #tpu.memory_space<semaphore_mem>>) src(%arg12 : memref<16xf32, #tpu.memory_space<vmem>>) dst(%arg4 : memref<16xf32, #tpu.memory_space<hbm>>)
        tpu.yield
      }) : () -> ()
    } else {
    }
    return
  }
}

</mosaic_0001>

<sc_bundles>
// kernel: kernel.3.cloned.1.call-start
scs
__scs_entry_jumppad:
0x0: {  	(pc) =	sbr.rel $0x88, $3  }
0x1: {  	(tag) =	ssettag $0x0;
	lr =	simm.s32 $0x1  }
0x2: {  	[smem:$0x3F9E] =	sst lr;
	_ =	strace $0xD0000000  }
0x3: {  	_ = 	snop  }
0x4: {  	_ = 	snop  }
0x5: {  	_ = 	snop  }
0x6: {  	_ = 	snop  }
0x7: {  	_ = 	snop  }
__scs_overlays_trampoline_lowered:
0x8: {  	[smem:$0x3FAD] =	sst s0  }
0x9: {  	[smem:$0x3FAE] =	sst s1  }
0xa: {  	[smem:$0x3FAF] =	sst s2  }
0xb: {  	[smem:$0x3FB0] =	sst s3  }
0xc: {  	[smem:$0x3FB1] =	sst s4  }
0xd: {  	[smem:$0x3FB2] =	sst s5  }
0xe: {  	[smem:$0x3FB3] =	sst s6  }
0xf: {  	[smem:$0x3FB4] =	sst s7  }
0x10: {  	[smem:$0x3FB5] =	sst s8  }
0x11: {  	[smem:$0x3FB6] =	sst s9;
	s0 =	simm.s32 @!p0 $0x0  }
0x12: {  	s1 =	sld [smem:$0x3F9C];
	s0 =	simm.s32 @p0 $0x1  }
0x13: {  	[smem:$0x3FB7] =	sst s0;
	s0 =	simm.s32 @!p1 $0x0  }
0x14: {  	s2 =	sld [smem:$0x3F9B];
	s0 =	simm.s32 @p1 $0x1  }
0x15: {  	[smem:$0x3FB8] =	sst s0;
	s0 =	simm.s32 @!p2 $0x0  }
0x16: {  	s3 =	sld [smem:$0x3FDB];
	s0 =	simm.s32 @p2 $0x1  }
0x17: {  	s4 =	simm.s32 $0x1BF5;
	[smem:$0x3FBA] =	sst s0  }
0x18: {  	s0 =	sld [smem:$0x3F9D];
	_ =	swait.ge [sflag:s4], $0x0  }
0x19: {  	s7 =	sld [smem:$0x3F9E]  }
0x1a: {  	s8 =	sadd.s32 $0xFFFFE003, lr  }
0x1b: {  	s9 =	sadd.s32 $0xFFFFFEF7, lr;
	s5 =	simm.s32 $0xFFFFFFFF;
	p2 =	slt.u32 s8, $0xFFFFF086  }
0x1c: {  	p1 =	slt.u32 s9, $0xF7A;
	s5 =	simm.s32 @!p2 $0x0  }
0x1d: {  	s5 =	simm.s32 @p1 $0x1;
	p0 =	seq.s32 s7, s2  }
0x1e: {  	s7 =	smul.u32 @!p0 $0xF7A, s2;
	p2 =	seq.s32 @!p0 s5, $0x0  }
0x1f: {  	s9 =	smul.u32 $0xF7A, s1;
	s8 =	simm.s32 @!p0 $0x1BF5;
	p2 =	por !p2, p0  }
0x20: {  	[sflag:s8] =	ssyncset.s32 @!p0 $0xFFFFF086;
	s6 =	sadd.s32 @!p0 s3, s7;
	s7 =	simm.s32 @!p0 $0x108  }
0x21: {  	s3 =	sadd.s32 s3, s9;
	s6 =	sadd.s32 @!p0 $0x88, s6;
	s7 =	simm.s32 @p2 $0x1082  }
0x22: {  	[simem:s7], [sflag:s8] =	dma.local @!p0 [hbm:s6], $0xF7A  }
0x23: {  	s9 =	sor.u32 $0xD0000000, s2;
	s6 =	simm.s32 $0x108;
	_ =	swait.ge @!p0 [sflag:s8], $0x0  }
0x24: {  	s3 =	sadd.s32 $0x88, s3;
	s6 =	simm.s32 @!p1 $0x1082;
	[sflag:s4] =	ssyncset.s32 $0xFFFFF086  }
0x25: {  	[simem:s6], [sflag:s4] =	dma.local [hbm:s3], $0xF7A  }
0x26: {  	[smem:$0x3F9E] =	sst s1;
	(tag) =	ssettag s2;
	_ =	strace s9  }
0x27: {  	s1 =	sld [smem:$0x3FAE]  }
0x28: {  	s2 =	sld [smem:$0x3FAF]  }
0x29: {  	s4 =	sld [smem:$0x3FB1]  }
0x2a: {  	p0 =	seq.s32 s5, $0x0;
	s5 =	sld [smem:$0x3FB2]  }
0x2b: {  	s6 =	sld [smem:$0x3FB3]  }
0x2c: {  	s7 =	sld [smem:$0x3FB4]  }
0x2d: {  	s3 =	simm.s32 $0x108;
	s8 =	sld [smem:$0x3FB5]  }
0x2e: {  	s3 =	simm.s32 @!p0 $0x1082;
	s9 =	sld [smem:$0x3FB6]  }
0x2f: {  	lr =	sadd.s32 s0, s3;
	s0 =	sld [smem:$0x3FAD]  }
0x30: {  	s3 =	sld [smem:$0x3FB0]  }
0x31: {  	[smem:$0x3FB9] =	sst s10  }
0x32: {  	s10 =	sld [smem:$0x3FB7];
	_ =	sdelay $0x3  }
0x33: {  	p0 =	seq.s32 s10, $0x1;
	s10 =	sld [smem:$0x3FB9];
	_ =	sdelay $0x3  }
0x34: {  	[smem:$0x3FB9] =	sst s10  }
0x35: {  	s10 =	sld [smem:$0x3FB8];
	_ =	sdelay $0x3  }
0x36: {  	p1 =	seq.s32 s10, $0x1;
	s10 =	sld [smem:$0x3FB9];
	_ =	sdelay $0x3  }
0x37: {  	[smem:$0x3FB9] =	sst s10  }
0x38: {  	s10 =	sld [smem:$0x3FBA]  }
0x39: {  	_ = 	snop;
	(pc) =	sbr.ind lr, $3  }
0x3a: {  	_ = 	snop  }
0x3b: {  	_ = 	snop  }
0x3c: {  	p2 =	seq.s32 s10, $0x1;
	s10 =	sld [smem:$0x3FB9]  }
0x3d: {  	_ =	shalt  }
0x3e: {  	_ =	shalt  }
0x3f: {  	_ =	shalt  }
0x40: {  	_ =	shalt  }
0x41: {  	_ =	shalt  }
0x42: {  	_ =	shalt  }
0x43: {  	_ =	shalt  }
0x44: {  	_ =	shalt  }
0x45: {  	_ =	shalt  }
0x46: {  	_ =	shalt  }
0x47: {  	_ =	shalt  }
0x48: {  	_ =	shalt  }
0x49: {  	_ =	shalt  }
0x4a: {  	_ =	shalt  }
0x4b: {  	_ =	shalt  }
0x4c: {  	_ =	shalt  }
0x4d: {  	_ =	shalt  }
0x4e: {  	_ =	shalt  }
0x4f: {  	_ =	shalt  }
0x50: {  	_ =	shalt  }
0x51: {  	_ =	shalt  }
0x52: {  	_ =	shalt  }
0x53: {  	_ =	shalt  }
0x54: {  	_ =	shalt  }
0x55: {  	_ =	shalt  }
0x56: {  	_ =	shalt  }
0x57: {  	_ =	shalt  }
0x58: {  	_ =	shalt  }
0x59: {  	_ =	shalt  }
0x5a: {  	_ =	shalt  }
0x5b: {  	_ =	shalt  }
0x5c: {  	_ =	shalt  }
0x5d: {  	_ =	shalt  }
0x5e: {  	_ =	shalt  }
0x5f: {  	_ =	shalt  }
0x60: {  	_ =	shalt  }
0x61: {  	_ =	shalt  }
0x62: {  	_ =	shalt  }
0x63: {  	_ =	shalt  }
0x64: {  	_ =	shalt  }
0x65: {  	_ =	shalt  }
0x66: {  	_ =	shalt  }
0x67: {  	_ =	shalt  }
0x68: {  	_ =	shalt  }
0x69: {  	_ =	shalt  }
0x6a: {  	_ =	shalt  }
0x6b: {  	_ =	shalt  }
0x6c: {  	_ =	shalt  }
0x6d: {  	_ =	shalt  }
0x6e: {  	_ =	shalt  }
0x6f: {  	_ =	shalt  }
0x70: {  	_ =	shalt  }
0x71: {  	_ =	shalt  }
0x72: {  	_ =	shalt  }
0x73: {  	_ =	shalt  }
0x74: {  	_ =	shalt  }
0x75: {  	_ =	shalt  }
0x76: {  	_ =	shalt  }
0x77: {  	_ =	shalt  }
0x78: {  	_ =	shalt  }
0x79: {  	_ =	shalt  }
0x7a: {  	_ =	shalt  }
0x7b: {  	_ =	shalt  }
0x7c: {  	_ =	shalt  }
0x7d: {  	_ =	shalt  }
0x7e: {  	_ =	shalt  }
0x7f: {  	_ =	shalt  }
0x80: {  	_ =	shalt  }
0x81: {  	_ =	shalt  }
0x82: {  	_ =	shalt  }
0x83: {  	_ =	shalt  }
0x84: {  	_ =	shalt  }
0x85: {  	_ =	shalt  }
0x86: {  	_ =	shalt  }
0x87: {  	_ =	shalt  }
.Lfunc_end0:
.L_simem_size_0:
called_computation_lowered:
.L_overlay_start_0:
0x88: {  	s0 =	sld [smem:$0x3FD9]  }
0x89: {  	s1 =	sld [smem:$0x3FFE];
	_ =	sdelay $0x3  }
0x8a: {  	s0 =	sadd.s32 s1, s0  }
0x8b: {  	[smem:$0x3FC5] =	sst s0  }
0x8c: {  	_ = 	snop  }
0x8d: {  	s0 =	sld [smem:$0x3FD0];
	_ =	sdelay $0x2  }
0x8e: {  	s13 =	simm.s32 $0xA;
	s2 =	simm.s32 $0x10  }
0x8f: {  	[smem:s2], [sflag:s13] =	dma.local [hbm:s0], $0x1  }
0x90: {  	_ =	swait.eq [sflag:s13], $0x1  }
0x91: {  	[sflag:s13] =	ssyncset.done $0x0  }
0x92: {  	[sflag:s13] =	ssyncadd.s32 $0xFFFFFFFF  }
0x93: {  	s14 =	sld [smem:$0x10];
	(tm) =	ssettm $0x1  }
0x94: {  	s15 =	sld [smem:$0x3FFB];
	_ =	sdelay $0x3  }
0x95: {  	_ =	strace s15  }
0x96: {  	s1 =	sld [smem:$0x3FFC];
	_ =	sdelay $0x3  }
0x97: {  	_ =	strace s1  }
0x98: {  	s1 =	sld [smem:$0x3FFD];
	_ =	sdelay $0x3  }
0x99: {  	_ =	strace s1  }
0x9a: {  	_ =	strace $0x8FFFFFFF  }
0x9b: {  	s16 =	sld [smem:$0x3FDB];
	_ =	sdelay $0x1  }
0x9c: {  	s17 =	simm.s32 $_scs_section_size  }
0x9d: {  	s3 =	simm.s32 $_size__tile_overlayer_lowered;
	s4 =	simm.s32 $_tile_overlayer_lowered  }
0x9e: {  	s20 =	simm.s32 $0x1BFF;
	s19 =	sshll.u32 s4, $0x1;
	s1 =	sadd.s32 s17, s16  }
0x9f: {  	s5 =	simm.s32 $0x0;
	s18 =	sshll.u32 s3, $0x1;
	s3 =	sadd.s32 s19, s1  }
0xa0: {  	[timem:s5], [sflag:s20] =	dma.local [hbm:s3], s18  }
0xa1: {  	_ =	swait.ge [sflag:s20], s18  }
0xa2: {  	s2 =	ssub.s32 $0x0, s18;
	[sflag:s20] =	ssyncset.done $0x0  }
0xa3: {  	[sflag:s20] =	ssyncadd.s32 s2;
	_ =	sdelay $0x1  }
0xa4: {  	s21 =	simm.s32 $0x1B8B  }
0xa5: {  	_ =	swait.ge [sflag:s21], $0x1  }
0xa6: {  	[sflag:s21] =	ssyncset.done $0x0  }
0xa7: {  	s23 =	simm.s32 $0x1B8E;
	s22 =	sld [smem:$0x3FFE];
	[sflag:s21] =	ssyncadd.s32 $0xFFFFFFFF  }
0xa8: {  	s24 =	simm.s32 $execute0_lowered;
	[smem:$0x3FD2] =	sst s23  }
0xa9: {  	s3 =	sshll.u32 s24, $0x1;
	_ =	strace $0x80000046;
	[dreg:$0x1] =	wrdreg $0xFFFFFFFF  }
0xaa: {  	s25 =	simm.s32 $_size_execute0_lowered;
	s1 =	sadd.s32 s1, s3;
	[dreg:$0x0] =	wrdreg $0x0  }
0xab: {  	s3 =	sshll.u32 s25, $0x1;
	[dreg:$0x2] =	wrdreg s1  }
0xac: {  	[dreg:$0x3] =	wrdreg s3  }
0xad: {  	[dreg:$0x4] =	wrdreg $0xC0  }
0xae: {  	_ =	task [dreg:s5], $0x5FFFF  }
0xaf: {  	[dreg:$0x1] =	wrdreg $0xFFFFFFFF  }
0xb0: {  	[dreg:$0x0] =	wrdreg $0x60  }
0xb1: {  	[dreg:$0x2] =	wrdreg s22  }
0xb2: {  	[dreg:$0x3] =	wrdreg s14  }
0xb3: {  	[dreg:$0x4] =	wrdreg $0x108000  }
0xb4: {  	[dreg:$0x5] =	wrdreg $0x108400  }
0xb5: {  	[dreg:$0x6] =	wrdreg $0x9  }
0xb6: {  	_ =	task.clear_ibuf [dreg:s5], $0x7FFFF;
	_ =	strace $0x90000046  }
0xb7: {  	s26 =	simm.s32 $0x9;
	_ =	strace $0x80000048  }
0xb8: {  	_ =	swait.ge [sflag:s26], $0x1  }
0xb9: {  	[sflag:s26] =	ssyncadd.s32 $0xFFFFFFFF  }
0xba: {  	_ =	strace $0x90000048  }
0xbb: {  	_ =	sfence  }
0xbc: {  	s28 =	sld [smem:$0x0];
	_ =	sdelay $0x1  }
0xbd: {  	s29 =	srdreg.scid  }
0xbe: {  	s30 =	sshll.u32 s29, $0xD;
	s31 =	sshrl.u32 s29, $0x2  }
0xbf: {  	s2 =	sand.u32 $0x4000, s30;
	s1 =	sand.u32 $0x1, s29;
	s0 =	sadd.s32 s31, s28  }
0xc0: {  	s1 =	sor.u32 s2, s1;
	s0 =	sshll.u32 s0, $0x11  }
0xc1: {  	s0 =	sor.u32 s0, s1  }
0xc2: {  	s0 =	sadd.s32 $0x8F2B, s0  }
0xc3: {  	[sflag:s0] =	ssyncadd.remote.s32 $0x1  }
0xc4: {  	_ =	sfence.sel $0xFFFF  }
0xc5: {  	[dreg:$0x0] =	wrdreg $0xFFFFFFFF;
	(pc) =	sbr.abs _section_cstart, $3  }
0xc6: {  	[dreg:$0x1] =	wrdreg $0xFFFFFFFF  }
0xc7: {  	_ =	task.clear_ibuf [dreg:s5], $0x2FFFF;
	_ =	strace $0x9FFFFFFF  }
0xc8: {  	(tm) =	ssettm $0x7FFFFFFF  }
0xc9: {  	_ =	shalt  }
tec
execute0_lowered:
.L_overlay_start_1:
0x0: {  	(tag) =	ssettag $0x1  }
0x1: {  	s2 =	rddreg [dreg:$0x0]  }
0x2: {  	s0 =	rddreg [dreg:$0x1]  }
0x3: {  	s6 =	rddreg [dreg:$0x2];
	s31 =	stileid.u32  }
0x4: {  	s5 =	rddreg [dreg:$0x3];
	s1 =	simm.s32 $0x0;
	s3 =	sshll.u32 s31, $0xC  }
0x5: {  	[smem:$0x7FF] =	sst s1;
	s3 =	sadd.s32 s3, s2  }
0x6: {  	s29 =	simm.s32 $0x1;
	_ =	strace $0x80000047;
	s3 =	sadd.s32 $0x800, s3  }
0x7: {  	[tilespmem:s1], [sflag:$0x1] =	stream.linear.gather [hbm4b:s3+s1], $0x8000, $0x38;
	[tilespmem:$0x10880] =	vst v63  }
0x8: {  	_ =	swait.ge [sflag:s29], $0x8000  }
0x9: {  	[sflag:s29] =	ssyncset.done $0x0  }
0xa: {  	s4 =	simm.s32 $0x10700;
	[sflag:s29] =	ssyncadd.s32 $0xFFFF8000  }
0xb: {  	[tilespmem:s4], [sflag:$0x1] =	stream.linear.gather [hbm4b:s0+s1], $0x80, $0x38;
	[tilespmem:$0x10880] =	vst v63  }
0xc: {  	_ =	swait.ge [sflag:s29], $0x80  }
0xd: {  	[sflag:s29] =	ssyncset.done $0x0  }
0xe: {  	s3 =	simm.s32 $0x0;
	[sflag:s29] =	ssyncadd.s32 $0xFFFFFF80  }
0xf: {  	v0 =	vld [tilespmem:s3+$0xF0]  }
0x10: {  	v1 =	vld [tilespmem:s3+$0x0]  }
0x11: {  	v2 =	vld [tilespmem:s3+$0x10];
	_ =	sdelay $0x1  }
0x12: {  	v3 =	vld [tilespmem:s3+$0x20]  }
0x13: {  	v4 =	vld [tilespmem:s3+$0x30];
	v6 =	vshra.s32 v0, $0x1F  }
0x14: {  	v6 =	vor.u32 $0x80000000, v6  }
0x15: {  	v5 =	vld [tilespmem:s3+$0x40];
	v8 =	vshra.s32 v1, $0x1F;
	v10 =	vshra.s32 v2, $0x1F;
	v0 =	vxor.u32 v0, v6  }
0x16: {  	v7 =	vld [tilespmem:s3+$0x50];
	v8 =	vor.u32 $0x80000000, v8;
	[tilespmem:s3+$0x80F0] =	vst v0;
	v0 =	vor.u32 $0x80000000, v10  }
0x17: {  	v9 =	vld [tilespmem:s3+$0x60];
	v1 =	vxor.u32 v1, v8;
	v8 =	vshra.s32 v3, $0x1F;
	v0 =	vxor.u32 v2, v0  }
0x18: {  	v6 =	vld [tilespmem:s3+$0x70];
	v2 =	vor.u32 $0x80000000, v8;
	[tilespmem:s3+$0x8010] =	vst v0;
	v0 =	vshra.s32 v4, $0x1F  }
0x19: {  	[tilespmem:s3+$0x8000] =	vst v1;
	v1 =	vld [tilespmem:s3+$0x80];
	v2 =	vxor.u32 v3, v2;
	v0 =	vor.u32 $0x80000000, v0  }
0x1a: {  	v8 =	vshra.s32 v5, $0x1F;
	v3 =	vld [tilespmem:s3+$0x90];
	[tilespmem:s3+$0x8020] =	vst v2;
	v0 =	vxor.u32 v4, v0  }
0x1b: {  	v2 =	vld [tilespmem:s3+$0xA0];
	v4 =	vor.u32 $0x80000000, v8;
	[tilespmem:s3+$0x8030] =	vst v0;
	v0 =	vshra.s32 v7, $0x1F  }
0x1c: {  	v8 =	vshra.s32 v9, $0x1F;
	v5 =	vxor.u32 v5, v4;
	v4 =	vld [tilespmem:s3+$0xB0];
	v0 =	vor.u32 $0x80000000, v0  }
0x1d: {  	[tilespmem:s3+$0x8040] =	vst v5;
	v5 =	vld [tilespmem:s3+$0xC0];
	v0 =	vxor.u32 v7, v0;
	v7 =	vor.u32 $0x80000000, v8;
	v8 =	vshra.s32 v6, $0x1F  }
0x1e: {  	s30 =	sadd.s32 $0x10800, s2;
	[tilespmem:s3+$0x8050] =	vst v0;
	v7 =	vxor.u32 v9, v7;
	v0 =	vld [tilespmem:s3+$0xD0];
	v8 =	vor.u32 $0x80000000, v8;
	v9 =	vshra.s32 v1, $0x1F  }
0x1f: {  	s7 =	simm.s32 $0x800;
	s4 =	simm.s32 $0x100;
	[dreg:$0x5] =	wrdreg s30;
	[tilespmem:s3+$0x8060] =	vst v7;
	v8 =	vxor.u32 v6, v8;
	v9 =	vor.u32 $0x80000000, v9;
	v7 =	vshra.s32 v3, $0x1F;
	v6 =	vld [tilespmem:s3+$0xE0]  }
.LBB2_1:
0x20: {  	p0 =	sne.s32 s7, $0x1FC00;
	v10 =	vld [tilespmem:s4+$0xF0];
	[tilespmem:s3+$0x8070] =	vst v8;
	v1 =	vxor.u32 v1, v9;
	v7 =	vor.u32 $0x80000000, v7;
	v8 =	vshra.s32 v2, $0x1F  }
0x21: {  	v9 =	vld [tilespmem:s4+$0x0];
	[tilespmem:s3+$0x8080] =	vst v1;
	v1 =	vxor.u32 v3, v7;
	v3 =	vor.u32 $0x80000000, v8;
	v7 =	vshra.s32 v4, $0x1F  }
0x22: {  	v8 =	vld [tilespmem:s4+$0x10];
	[tilespmem:s3+$0x8090] =	vst v1;
	v1 =	vxor.u32 v2, v3;
	v2 =	vor.u32 $0x80000000, v7;
	v3 =	vshra.s32 v5, $0x1F  }
0x23: {  	v7 =	vld [tilespmem:s4+$0x20];
	[tilespmem:s3+$0x80A0] =	vst v1;
	v1 =	vxor.u32 v4, v2;
	v2 =	vor.u32 $0x80000000, v3;
	v3 =	vshra.s32 v0, $0x1F  }
0x24: {  	v4 =	vld [tilespmem:s4+$0x30];
	[tilespmem:s3+$0x80B0] =	vst v1;
	v1 =	vxor.u32 v5, v2;
	v2 =	vor.u32 $0x80000000, v3;
	v3 =	vshra.s32 v6, $0x1F  }
0x25: {  	v5 =	vld [tilespmem:s4+$0x40];
	v11 =	vshra.s32 v10, $0x1F;
	[tilespmem:s3+$0x80C0] =	vst v1;
	v0 =	vxor.u32 v0, v2;
	v1 =	vor.u32 $0x80000000, v3  }
0x26: {  	v2 =	vshra.s32 v9, $0x1F;
	v12 =	vld [tilespmem:s4+$0x50];
	v3 =	vor.u32 $0x80000000, v11;
	[tilespmem:s3+$0x80D0] =	vst v0;
	v0 =	vxor.u32 v6, v1  }
0x27: {  	v1 =	vor.u32 $0x80000000, v2;
	v2 =	vshra.s32 v8, $0x1F;
	v6 =	vld [tilespmem:s4+$0x60];
	v3 =	vxor.u32 v10, v3;
	[tilespmem:s3+$0x80E0] =	vst v0;
	s3 =	smov.u32 s4  }
0x28: {  	v0 =	vxor.u32 v9, v1;
	v1 =	vor.u32 $0x80000000, v2;
	v2 =	vshra.s32 v7, $0x1F;
	v9 =	vld [tilespmem:s3+$0x70];
	[tilespmem:s3+$0x80F0] =	vst v3  }
0x29: {  	[tilespmem:s3+$0x8000] =	vst v0;
	v0 =	vxor.u32 v8, v1;
	v2 =	vor.u32 $0x80000000, v2;
	v3 =	vshra.s32 v4, $0x1F;
	v1 =	vld [tilespmem:s3+$0x80]  }
0x2a: {  	[tilespmem:s3+$0x8010] =	vst v0;
	v0 =	vxor.u32 v7, v2;
	v2 =	vor.u32 $0x80000000, v3;
	v7 =	vshra.s32 v5, $0x1F;
	v3 =	vld [tilespmem:s3+$0x90]  }
.Ltmp0:
0x2b: {  	[tilespmem:s3+$0x8020] =	vst v0;
	v0 =	vxor.u32 v4, v2;
	v4 =	vor.u32 $0x80000000, v7;
	v7 =	vshra.s32 v12, $0x1F;
	v2 =	vld [tilespmem:s3+$0xA0];
	(pc) =	sbr.rel @p0 .LBB2_1-.Ltmp0, $4  }
0x2c: {  	[tilespmem:s3+$0x8030] =	vst v0;
	v0 =	vxor.u32 v5, v4;
	v5 =	vor.u32 $0x80000000, v7;
	v7 =	vshra.s32 v6, $0x1F;
	v4 =	vld [tilespmem:s3+$0xB0]  }
0x2d: {  	[tilespmem:s3+$0x8040] =	vst v0;
	v0 =	vxor.u32 v12, v5;
	v7 =	vor.u32 $0x80000000, v7;
	v8 =	vshra.s32 v9, $0x1F;
	v5 =	vld [tilespmem:s3+$0xC0]  }
0x2e: {  	[tilespmem:s3+$0x8050] =	vst v0;
	v6 =	vxor.u32 v6, v7;
	v7 =	vor.u32 $0x80000000, v8;
	v10 =	vshra.s32 v1, $0x1F;
	v0 =	vld [tilespmem:s3+$0xD0]  }
0x2f: {  	s4 =	sshra.s32 s7, $0x2;
	s7 =	sadd.s32 $0x400, s7;
	[tilespmem:s3+$0x8060] =	vst v6;
	v8 =	vxor.u32 v9, v7;
	v9 =	vor.u32 $0x80000000, v10;
	v7 =	vshra.s32 v3, $0x1F;
	v6 =	vld [tilespmem:s3+$0xE0]  }
0x30: {  	v10 =	vld [tilespmem:s4+$0xF0];
	[tilespmem:s3+$0x8070] =	vst v8;
	v1 =	vxor.u32 v1, v9;
	v7 =	vor.u32 $0x80000000, v7  }
0x31: {  	v8 =	vld [tilespmem:s4+$0x0];
	[tilespmem:s3+$0x8080] =	vst v1;
	v1 =	vshra.s32 v2, $0x1F;
	v3 =	vxor.u32 v3, v7  }
0x32: {  	v49 =	vld [tilespmem:s4+$0x10];
	v1 =	vor.u32 $0x80000000, v1;
	[tilespmem:s3+$0x8090] =	vst v3;
	v3 =	vshra.s32 v4, $0x1F  }
0x33: {  	v1 =	vxor.u32 v2, v1;
	v3 =	vor.u32 $0x80000000, v3  }
0x34: {  	v2 =	vld [tilespmem:s4+$0x20];
	[tilespmem:s3+$0x80A0] =	vst v1;
	v1 =	vshra.s32 v5, $0x1F;
	v3 =	vxor.u32 v4, v3  }
0x35: {  	v50 =	vld [tilespmem:s4+$0x30];
	v1 =	vor.u32 $0x80000000, v1;
	[tilespmem:s3+$0x80B0] =	vst v3;
	v3 =	vshra.s32 v0, $0x1F  }
0x36: {  	v1 =	vxor.u32 v5, v1;
	v3 =	vor.u32 $0x80000000, v3  }
0x37: {  	v51 =	vld [tilespmem:s4+$0x40];
	[tilespmem:s3+$0x80C0] =	vst v1;
	v1 =	vshra.s32 v6, $0x1F;
	v0 =	vxor.u32 v0, v3  }
0x38: {  	v3 =	vld [tilespmem:s4+$0x50];
	v1 =	vor.u32 $0x80000000, v1;
	[tilespmem:s3+$0x80D0] =	vst v0;
	v0 =	vshra.s32 v10, $0x1F  }
0x39: {  	v53 =	vshra.s32 v8, $0x1F;
	v1 =	vxor.u32 v6, v1;
	v0 =	vor.u32 $0x80000000, v0  }
0x3a: {  	v55 =	vshra.s32 v49, $0x1F;
	v52 =	vld [tilespmem:s4+$0x60];
	[tilespmem:s3+$0x80E0] =	vst v1;
	v1 =	vor.u32 $0x80000000, v53;
	v0 =	vxor.u32 v10, v0  }
0x3b: {  	v1 =	vxor.u32 v8, v1;
	[tilespmem:s4+$0x80F0] =	vst v0;
	v0 =	vor.u32 $0x80000000, v55  }
0x3c: {  	[tilespmem:s4+$0x8000] =	vst v1;
	v1 =	vshra.s32 v2, $0x1F;
	v0 =	vxor.u32 v49, v0  }
0x3d: {  	v1 =	vor.u32 $0x80000000, v1;
	[tilespmem:s4+$0x8010] =	vst v0;
	v0 =	vshra.s32 v50, $0x1F  }
0x3e: {  	v54 =	vld [tilespmem:s4+$0x70];
	v1 =	vxor.u32 v2, v1;
	v0 =	vor.u32 $0x80000000, v0  }
0x3f: {  	v56 =	vld [tilespmem:s4+$0x80];
	[tilespmem:s4+$0x8020] =	vst v1;
	v1 =	vshra.s32 v51, $0x1F;
	v0 =	vxor.u32 v50, v0  }
0x40: {  	v2 =	vld [tilespmem:s4+$0x90];
	v1 =	vor.u32 $0x80000000, v1;
	[tilespmem:s4+$0x8030] =	vst v0;
	v0 =	vshra.s32 v3, $0x1F  }
0x41: {  	v57 =	vld [tilespmem:s4+$0xA0];
	v1 =	vxor.u32 v51, v1;
	v0 =	vor.u32 $0x80000000, v0  }
0x42: {  	v58 =	vld [tilespmem:s4+$0xB0];
	[tilespmem:s4+$0x8040] =	vst v1;
	v1 =	vshra.s32 v52, $0x1F;
	v0 =	vxor.u32 v3, v0  }
0x43: {  	v3 =	vld [tilespmem:s4+$0xC0];
	v1 =	vor.u32 $0x80000000, v1;
	[tilespmem:s4+$0x8050] =	vst v0;
	v0 =	vshra.s32 v54, $0x1F  }
0x44: {  	v59 =	vld [tilespmem:s4+$0xD0];
	v60 =	vshra.s32 v56, $0x1F;
	v1 =	vxor.u32 v52, v1;
	v0 =	vor.u32 $0x80000000, v0  }
0x45: {  	v62 =	vld [tilespmem:s4+$0xE0];
	v61 =	vshra.s32 v2, $0x1F;
	[tilespmem:s4+$0x8060] =	vst v1;
	v0 =	vxor.u32 v54, v0;
	v1 =	vor.u32 $0x80000000, v60  }
0x46: {  	v63 =	vshra.s32 v57, $0x1F;
	[tilespmem:s4+$0x8070] =	vst v0;
	v0 =	vxor.u32 v56, v1;
	v1 =	vor.u32 $0x80000000, v61  }
0x47: {  	[tilespmem:s4+$0x8080] =	vst v0;
	v0 =	vxor.u32 v2, v1;
	v1 =	vor.u32 $0x80000000, v63;
	v2 =	vshra.s32 v58, $0x1F  }
0x48: {  	[tilespmem:s4+$0x8090] =	vst v0;
	v0 =	vxor.u32 v57, v1;
	v1 =	vor.u32 $0x80000000, v2;
	v2 =	vshra.s32 v3, $0x1F  }
0x49: {  	[tilespmem:s4+$0x80A0] =	vst v0;
	v0 =	vxor.u32 v58, v1;
	v1 =	vor.u32 $0x80000000, v2;
	v2 =	vshra.s32 v59, $0x1F  }
0x4a: {  	[tilespmem:s4+$0x80B0] =	vst v0;
	v0 =	vxor.u32 v3, v1;
	v1 =	vor.u32 $0x80000000, v2;
	v2 =	vshra.s32 v62, $0x1F  }
0x4b: {  	s0 =	sshll.u32 s31, $0x7;
	s8 =	simm.s32 $0x0;
	s7 =	simm.s32 $0x80000000;
	[tilespmem:s4+$0x80C0] =	vst v0;
	v0 =	vxor.u32 v59, v1;
	v1 =	vor.u32 $0x80000000, v2  }
0x4c: {  	s10 =	simm.s32 $0x10000;
	s11 =	simm.s32 $0x1;
	s12 =	simm.s32 $0x10080;
	[tilespmem:s4+$0x80D0] =	vst v0;
	v0 =	vxor.u32 v62, v1  }
0x4d: {  	s14 =	simm.s32 $0x0;
	s13 =	simm.s32 $0x0;
	s9 =	sshrl.u32 s0, $0x2;
	[tilespmem:s4+$0x80E0] =	vst v0;
	v0 =	vimm.s32 $0x0  }
.LBB2_3:
0x4e: {  	s0 =	simm.s32 $0x0  }
0x4f: {  	v3 =	vld [tilespmem:s0+$0x80F0]  }
0x50: {  	v4 =	vld [tilespmem:s0+$0x80E0];
	_ =	sdelay $0x2  }
0x51: {  	s4 =	sor.u32 s14, s7  }
0x52: {  	s3 =	sor.u32 s8, s7;
	v13 =	vimm.s32 $0x0;
	v5 =	vld [tilespmem:s0+$0x80D0];
	v2 =	vmov s4  }
0x53: {  	v1 =	vmov s3;
	vm0 =	vlt.u32 v3, v2;
	vm12 =	vlt.u32 v4, v2  }
0x54: {  	v13 =	vsel vm0, $0xFFFFFFFF, v13;
	vm0 =	vlt.u32 v4, v1;
	v4 =	vimm.s32 $0x0  }
0x55: {  	v4 =	vsel vm0, $0xFFFFFFFF, v4;
	vm0 =	vlt.u32 v3, v1;
	v3 =	vimm.s32 $0x0  }
0x56: {  	v7 =	vld [tilespmem:s0+$0x80B0];
	v3 =	vsel vm0, $0xFFFFFFFF, v3  }
0x57: {  	vm0 =	vlt.u32 v5, v2;
	[tilespmem:$0x1FF50] =	vst v3;
	v3 =	vimm.s32 $0x0  }
0x58: {  	v8 =	vld [tilespmem:s0+$0x80A0];
	v3 =	vsel vm0, $0xFFFFFFFF, v3  }
0x59: {  	v6 =	vld [tilespmem:s0+$0x80C0];
	vm0 =	vlt.u32 v5, v1;
	[tilespmem:$0x1FF60] =	vst v3;
	v3 =	vimm.s32 $0x0  }
0x5a: {  	v10 =	vld [tilespmem:s0+$0x8080];
	v3 =	vsel vm0, $0xFFFFFFFF, v3  }
0x5b: {  	v9 =	vld [tilespmem:s0+$0x8090];
	vm0 =	vlt.u32 v7, v1;
	[tilespmem:$0x1FF70] =	vst v3;
	v3 =	vimm.s32 $0x0  }
0x5c: {  	v3 =	vsel vm0, $0xFFFFFFFF, v3  }
0x5d: {  	v11 =	vld [tilespmem:s0+$0x8070];
	vm0 =	vlt.u32 v8, v1;
	[tilespmem:$0x1FF80] =	vst v3;
	v3 =	vimm.s32 $0x0  }
0x5e: {  	v12 =	vld [tilespmem:s0+$0x8060];
	vm14 =	vlt.u32 v6, v2;
	v3 =	vsel vm0, $0xFFFFFFFF, v3  }
0x5f: {  	v63 =	vld [tilespmem:s0+$0x8050];
	vm1 =	vlt.u32 v7, v2;
	vm0 =	vlt.u32 v10, v1;
	[tilespmem:$0x1FF90] =	vst v3;
	v3 =	vimm.s32 $0x0  }
0x60: {  	v14 =	vld [tilespmem:s0+$0x8040];
	vm15 =	vlt.u32 v6, v1;
	vm2 =	vlt.u32 v9, v2;
	v3 =	vsel vm0, $0xFFFFFFFF, v3  }
0x61: {  	vm3 =	vlt.u32 v8, v2;
	vm0 =	vlt.u32 v9, v1;
	[tilespmem:$0x1FFA0] =	vst v3;
	v3 =	vimm.s32 $0x0  }
0x62: {  	v15 =	vld [tilespmem:s0+$0x8020];
	v5 =	vimm.s32 $0x0;
	v3 =	vsel vm0, $0xFFFFFFFF, v3;
	vm0 =	vlt.u32 v11, v1  }
0x63: {  	vm5 =	vlt.u32 v10, v2;
	vm6 =	vlt.u32 v12, v2;
	[tilespmem:$0x1FF30] =	vst v13;
	v5 =	vsel vm0, $0xFFFFFFFF, v5  }
0x64: {  	vm7 =	vlt.u32 v11, v2;
	v7 =	vld [tilespmem:s0+$0x8030];
	vm0 =	vlt.u32 v63, v1;
	[tilespmem:$0x1FFC0] =	vst v5;
	v5 =	vimm.s32 $0x0  }
0x65: {  	vm10 =	vlt.u32 v63, v2;
	vm8 =	vlt.u32 v14, v2;
	[tilespmem:$0x1FF40] =	vst v4;
	v5 =	vsel vm0, $0xFFFFFFFF, v5  }
0x66: {  	v6 =	vimm.s32 $0x0;
	vm0 =	vlt.u32 v12, v1;
	[tilespmem:$0x1FFD0] =	vst v5;
	v5 =	vimm.s32 $0x0  }
0x67: {  	vm11 =	vlt.u32 v15, v2;
	[tilespmem:$0x1FFB0] =	vst v3;
	v5 =	vsel vm0, $0xFFFFFFFF, v5;
	vm0 =	vlt.u32 v14, v1  }
0x68: {  	vm4 =	vlt.u32 v15, v1;
	v4 =	vimm.s32 $0x0;
	[tilespmem:$0x1FFE0] =	vst v5;
	v5 =	vld [tilespmem:s0+$0x8010];
	v6 =	vsel vm0, $0xFFFFFFFF, v6  }
0x69: {  	s15 =	simm.s32 $0x400;
	vm9 =	vlt.u32 v7, v2;
	vm13 =	vlt.u32 v7, v1;
	v3 =	vimm.s32 $0x0;
	[tilespmem:$0x1FFF0] =	vst v6;
	v6 =	vld [tilespmem:s0+$0x8000]  }
.LBB2_4:
0x6a: {  	v7 =	vimm.s32 $0x0  }
0x6b: {  	v7 =	vsel vm15, $0xFFFFFFFF, v7  }
0x6c: {  	[tilespmem:$0x1FF20] =	vst v7;
	v7 =	vld [tilespmem:$0x1FF40];
	_ =	sdelay $0x4  }
0x6d: {  	vm0 =	vnez.u8 v7;
	v7 =	vimm.s32 $0x0  }
0x6e: {  	v7 =	vsel vm0, $0xFFFFFFFF, v7  }
0x6f: {  	[tilespmem:$0x1FF40] =	vst v7;
	v7 =	vld [tilespmem:$0x1FF50];
	_ =	sdelay $0x3  }
0x70: {  	vm0 =	vmmov vm14  }
0x71: {  	vm14 =	vmmov vm12;
	vm12 =	vnez.u8 v7;
	v7 =	vimm.s32 $0x0  }
0x72: {  	v7 =	vsel vm12, $0xFFFFFFFF, v7  }
0x73: {  	vm15 =	vlt.u32 v5, v2;
	[tilespmem:$0x1FF50] =	vst v7;
	v7 =	vimm.s32 $0x0  }
0x74: {  	v7 =	vsel vm15, $0xFFFFFFFF, v7  }
0x75: {  	v9 =	vld [tilespmem:$0x1FF60];
	[tilespmem:$0x1FF00] =	vst v7  }
0x76: {  	v21 =	vld [tilespmem:$0x1FF00]  }
0x77: {  	v10 =	vsel vm5, $0x1, v0;
	v11 =	vsel vm2, $0x1, v0;
	v12 =	vsel vm3, $0x1, v0  }
0x78: {  	v13 =	vsel vm10, $0x1, v0;
	vm15 =	vlt.u32 v5, v1;
	v5 =	vimm.s32 $0x0  }
0x79: {  	v14 =	vsel vm6, $0x1, v0;
	v15 =	vsel vm7, $0x1, v0;
	v5 =	vsel vm15, $0xFFFFFFFF, v5  }
0x7a: {  	v8 =	vsel vm0, $0x1, v0;
	vm0 =	vnez.u8 v9;
	vm12 =	vlt.u32 v6, v2;
	[tilespmem:$0x1FF10] =	vst v5  }
0x7b: {  	v9 =	vsel vm0, $0x1, v0;
	v19 =	vsel vm12, $0x1, v0;
	v38 =	vld [tilespmem:$0x1FF10];
	vm0 =	vnez.u8 v21  }
0x7c: {  	v16 =	vsel vm11, $0x1, v0;
	v4 =	vadd.s32 v19, v4;
	v21 =	vsel vm0, $0x1, v0  }
0x7d: {  	v17 =	vsel vm9, $0x1, v0;
	v18 =	vsel vm8, $0x1, v0;
	v41 =	vld [tilespmem:$0x1FFF0];
	v4 =	vadd.s32 v21, v4  }
0x7e: {  	v39 =	vsel vm4, $0x1, v0;
	v40 =	vsel vm13, $0x1, v0;
	v4 =	vadd.s32 v16, v4  }
0x7f: {  	v42 =	vld [tilespmem:$0x1FFD0];
	vm15 =	vlt.u32 v6, v1;
	v7 =	vsel vm1, $0x1, v0;
	v4 =	vadd.s32 v17, v4  }
0x80: {  	v20 =	vsel vm15, $0x1, v0;
	vm0 =	vnez.u8 v38;
	v4 =	vadd.s32 v18, v4  }
0x81: {  	v44 =	vld [tilespmem:$0x1FFE0];
	v3 =	vadd.s32 v20, v3;
	v19 =	vsel vm0, $0x1, v0;
	v4 =	vadd.s32 v13, v4  }
0x82: {  	v46 =	vld [tilespmem:$0x1FFC0];
	vm0 =	vnez.u8 v41;
	v3 =	vadd.s32 v19, v3;
	v4 =	vadd.s32 v14, v4  }
0x83: {  	v48 =	vld [tilespmem:$0x1FFA0];
	v16 =	vsel vm0, $0x1, v0;
	v3 =	vadd.s32 v39, v3;
	v4 =	vadd.s32 v15, v4  }
0x84: {  	v50 =	vld [tilespmem:$0x1FFB0];
	vm0 =	vnez.u8 v42;
	v3 =	vadd.s32 v40, v3;
	v4 =	vadd.s32 v10, v4  }
0x85: {  	v52 =	vld [tilespmem:$0x1FF90];
	v3 =	vadd.s32 v16, v3;
	v16 =	vsel vm0, $0x1, v0;
	v4 =	vadd.s32 v11, v4  }
0x86: {  	v54 =	vld [tilespmem:$0x1FF80];
	vm0 =	vnez.u8 v44;
	v3 =	vadd.s32 v16, v3;
	v4 =	vadd.s32 v12, v4  }
0x87: {  	v13 =	vsel vm0, $0x1, v0;
	vm0 =	vnez.u8 v46;
	v4 =	vadd.s32 v7, v4;
	v7 =	vld [tilespmem:$0x1FF20]  }
0x88: {  	v3 =	vadd.s32 v13, v3;
	v13 =	vsel vm0, $0x1, v0;
	vm0 =	vnez.u8 v48  }
0x89: {  	v3 =	vadd.s32 v13, v3;
	v13 =	vsel vm0, $0x1, v0;
	vm0 =	vnez.u8 v50  }
0x8a: {  	v3 =	vadd.s32 v13, v3;
	v10 =	vsel vm0, $0x1, v0;
	vm0 =	vnez.u8 v52  }
0x8b: {  	v3 =	vadd.s32 v10, v3;
	v10 =	vsel vm0, $0x1, v0;
	vm0 =	vnez.u8 v54  }
0x8c: {  	v3 =	vadd.s32 v10, v3;
	v10 =	vsel vm0, $0x1, v0;
	vm0 =	vnez.u8 v7  }
0x8d: {  	v3 =	vadd.s32 v10, v3;
	v7 =	vsel vm0, $0x1, v0  }
0x8e: {  	v3 =	vadd.s32 v7, v3;
	v7 =	vld [tilespmem:$0x1FF70];
	_ =	sdelay $0x4  }
0x8f: {  	vm0 =	vnez.u8 v7  }
0x90: {  	v4 =	vadd.s32 v8, v4;
	v7 =	vsel vm0, $0x1, v0  }
0x91: {  	v5 =	vsel vm14, $0x1, v0;
	v4 =	vadd.s32 v9, v4;
	v3 =	vadd.s32 v7, v3;
	v7 =	vld [tilespmem:$0x1FF40]  }
0x92: {  	s16 =	sshra.s32 s15, $0x2;
	v4 =	vadd.s32 v5, v4;
	v5 =	vld [tilespmem:$0x1FF50]  }
0x93: {  	v43 =	vld [tilespmem:s16+$0x80F0];
	_ =	sdelay $0x1  }
0x94: {  	v45 =	vld [tilespmem:s16+$0x80E0]  }
0x95: {  	vm0 =	vnez.u8 v7  }
0x96: {  	v7 =	vsel vm0, $0x1, v0;
	vm0 =	vnez.u8 v5  }
0x97: {  	v58 =	vimm.s32 $0x0;
	v5 =	vsel vm0, $0x1, v0;
	vm0 =	vlt.u32 v43, v2  }
0x98: {  	v47 =	vld [tilespmem:s16+$0x80D0];
	v3 =	vadd.s32 v7, v3;
	v18 =	vsel vm0, $0xFFFFFFFF, v58  }
0x99: {  	v55 =	vld [tilespmem:s16+$0x8090];
	v3 =	vadd.s32 v5, v3;
	vm0 =	vlt.u32 v45, v1;
	v5 =	vimm.s32 $0x0  }
0x9a: {  	v6 =	vld [tilespmem:$0x1FF30];
	v5 =	vsel vm0, $0xFFFFFFFF, v5  }
0x9b: {  	v53 =	vld [tilespmem:s16+$0x80A0];
	vm0 =	vlt.u32 v43, v1;
	[tilespmem:$0x1FF40] =	vst v5;
	v5 =	vimm.s32 $0x0  }
0x9c: {  	v51 =	vld [tilespmem:s16+$0x80B0];
	v5 =	vsel vm0, $0xFFFFFFFF, v5  }
0x9d: {  	v62 =	vimm.s32 $0x0;
	v56 =	vld [tilespmem:s16+$0x8080];
	vm0 =	vlt.u32 v47, v2;
	[tilespmem:$0x1FF50] =	vst v5;
	v5 =	vimm.s32 $0x0  }
0x9e: {  	v63 =	vimm.s32 $0x0;
	vm2 =	vlt.u32 v55, v2;
	v8 =	vld [tilespmem:s16+$0x8070];
	v5 =	vsel vm0, $0xFFFFFFFF, v5  }
0x9f: {  	vm14 =	vnez.u8 v6;
	v7 =	vld [tilespmem:s16+$0x8050];
	vm0 =	vlt.u32 v47, v1;
	[tilespmem:$0x1FF60] =	vst v5;
	v5 =	vimm.s32 $0x0  }
0xa0: {  	vm3 =	vlt.u32 v53, v2;
	v6 =	vsel vm14, $0x1, v0;
	v5 =	vsel vm0, $0xFFFFFFFF, v5  }
0xa1: {  	v57 =	vld [tilespmem:s16+$0x8060];
	v4 =	vadd.s32 v6, v4;
	vm0 =	vlt.u32 v51, v1;
	[tilespmem:$0x1FF70] =	vst v5;
	v5 =	vimm.s32 $0x0  }
0xa2: {  	v59 =	vld [tilespmem:s16+$0x8040];
	v6 =	vimm.s32 $0x0;
	v5 =	vsel vm0, $0xFFFFFFFF, v5;
	vm0 =	vlt.u32 v53, v1  }
0xa3: {  	v60 =	vld [tilespmem:s16+$0x8030];
	vm7 =	vlt.u32 v8, v2;
	v6 =	vsel vm0, $0xFFFFFFFF, v6;
	vm0 =	vlt.u32 v56, v1  }
0xa4: {  	v61 =	vld [tilespmem:s16+$0x8020];
	[tilespmem:$0x1FF30] =	vst v18;
	vm10 =	vlt.u32 v7, v2;
	v10 =	vsel vm0, $0xFFFFFFFF, v62;
	vm0 =	vlt.u32 v55, v1  }
0xa5: {  	[tilespmem:$0x1FFA0] =	vst v10;
	v10 =	vsel vm0, $0xFFFFFFFF, v63;
	vm0 =	vlt.u32 v8, v1;
	v8 =	vimm.s32 $0x0  }
0xa6: {  	[tilespmem:$0x1FF80] =	vst v5;
	v8 =	vsel vm0, $0xFFFFFFFF, v8;
	vm0 =	vlt.u32 v7, v1;
	v7 =	vimm.s32 $0x0  }
0xa7: {  	p0 =	sne.s32 s15, $0x1C00;
	v49 =	vld [tilespmem:s16+$0x80C0];
	vm5 =	vlt.u32 v56, v2;
	vm6 =	vlt.u32 v57, v2;
	[tilespmem:$0x1FF90] =	vst v6;
	v7 =	vsel vm0, $0xFFFFFFFF, v7  }
.Ltmp1:
0xa8: {  	vm9 =	vlt.u32 v60, v2;
	vm0 =	vlt.u32 v57, v1;
	[tilespmem:$0x1FFD0] =	vst v7;
	v7 =	vimm.s32 $0x0;
	(pc) =	sbr.rel @p0 .LBB2_4-.Ltmp1, $4  }
0xa9: {  	vm8 =	vlt.u32 v59, v2;
	vm11 =	vlt.u32 v61, v2;
	[tilespmem:$0x1FFB0] =	vst v10;
	v7 =	vsel vm0, $0xFFFFFFFF, v7  }
0xaa: {  	vm4 =	vlt.u32 v61, v1;
	vm0 =	vlt.u32 v59, v1;
	[tilespmem:$0x1FFE0] =	vst v7;
	v7 =	vimm.s32 $0x0  }
0xab: {  	vm13 =	vlt.u32 v60, v1;
	vm12 =	vlt.u32 v45, v2;
	v5 =	vld [tilespmem:s16+$0x8010];
	[tilespmem:$0x1FFC0] =	vst v8;
	v7 =	vsel vm0, $0xFFFFFFFF, v7  }
0xac: {  	s15 =	sadd.s32 $0x400, s15;
	vm1 =	vlt.u32 v51, v2;
	vm15 =	vlt.u32 v49, v1;
	vm14 =	vlt.u32 v49, v2;
	v6 =	vld [tilespmem:s16+$0x8000];
	[tilespmem:$0x1FFF0] =	vst v7  }
0xad: {  	_ =	sdelay $0x1  }
0xae: {  	v7 =	vsel vm12, $0x1, v0;
	v10 =	vsel vm14, $0x1, v0  }
0xaf: {  	v15 =	vsel vm10, $0x1, v0;
	v18 =	vsel vm11, $0x1, v0;
	vm12 =	vlt.u32 v5, v2  }
0xb0: {  	vm14 =	vlt.u32 v5, v1;
	vm10 =	vlt.u32 v6, v2;
	vm11 =	vlt.u32 v6, v1  }
0xb1: {  	v2 =	vsel vm12, $0x1, v0;
	v34 =	vsel vm10, $0x1, v0;
	v21 =	vsel vm11, $0x1, v0  }
0xb2: {  	v35 =	vsel vm14, $0x1, v0;
	v1 =	vadd.s32 v34, v4;
	v3 =	vadd.s32 v21, v3  }
0xb3: {  	v1 =	vadd.s32 v2, v1;
	v2 =	vsel vm4, $0x1, v0;
	v3 =	vadd.s32 v35, v3  }
0xb4: {  	v2 =	vadd.s32 v2, v3;
	v3 =	vld [tilespmem:$0x1FFF0];
	_ =	sdelay $0x4  }
0xb5: {  	v12 =	vsel vm5, $0x1, v0;
	v36 =	vsel vm13, $0x1, v0;
	vm5 =	vnez.u8 v3  }
0xb6: {  	v37 =	vld [tilespmem:$0x1FFD0];
	v2 =	vadd.s32 v36, v2;
	v3 =	vsel vm5, $0x1, v0  }
0xb7: {  	v2 =	vadd.s32 v3, v2;
	v3 =	vld [tilespmem:$0x1FFE0];
	_ =	sdelay $0x3  }
0xb8: {  	v16 =	vsel vm6, $0x1, v0;
	vm6 =	vnez.u8 v37  }
0xb9: {  	v17 =	vsel vm7, $0x1, v0;
	v4 =	vsel vm6, $0x1, v0;
	vm7 =	vnez.u8 v3  }
0xba: {  	v38 =	vld [tilespmem:$0x1FFC0];
	v2 =	vadd.s32 v4, v2;
	v3 =	vsel vm7, $0x1, v0  }
0xbb: {  	v2 =	vadd.s32 v3, v2;
	v3 =	vld [tilespmem:$0x1FFA0];
	_ =	sdelay $0x3  }
0xbc: {  	v20 =	vsel vm8, $0x1, v0;
	vm8 =	vnez.u8 v38  }
0xbd: {  	v19 =	vsel vm9, $0x1, v0;
	v39 =	vld [tilespmem:$0x1FFB0];
	v4 =	vsel vm8, $0x1, v0;
	vm9 =	vnez.u8 v3  }
0xbe: {  	v40 =	vld [tilespmem:$0x1FF80];
	v2 =	vadd.s32 v4, v2;
	v3 =	vsel vm9, $0x1, v0  }
0xbf: {  	v2 =	vadd.s32 v3, v2;
	v3 =	vld [tilespmem:$0x1FF90];
	_ =	sdelay $0x1  }
0xc0: {  	v1 =	vadd.s32 v18, v1  }
0xc1: {  	v13 =	vsel vm2, $0x1, v0;
	v1 =	vadd.s32 v19, v1  }
0xc2: {  	vm10 =	vnez.u8 v39;
	vm12 =	vnez.u8 v40;
	v1 =	vadd.s32 v20, v1  }
0xc3: {  	v8 =	vld [tilespmem:$0x1FF30];
	v1 =	vadd.s32 v15, v1;
	v4 =	vsel vm10, $0x1, v0;
	vm11 =	vnez.u8 v3  }
0xc4: {  	v11 =	vld [tilespmem:$0x1FF60];
	v1 =	vadd.s32 v16, v1;
	v2 =	vadd.s32 v4, v2;
	v3 =	vsel vm11, $0x1, v0  }
0xc5: {  	v1 =	vadd.s32 v17, v1;
	v4 =	vsel vm12, $0x1, v0;
	v2 =	vadd.s32 v3, v2  }
0xc6: {  	v41 =	vld [tilespmem:$0x1FF70];
	v1 =	vadd.s32 v12, v1;
	v3 =	vsel vm15, $0x1, v0;
	v2 =	vadd.s32 v4, v2  }
0xc7: {  	v14 =	vsel vm3, $0x1, v0;
	v1 =	vadd.s32 v13, v1;
	v2 =	vadd.s32 v3, v2;
	v3 =	vld [tilespmem:$0x1FF40]  }
0xc8: {  	v9 =	vsel vm1, $0x1, v0;
	v42 =	vld [tilespmem:$0x1FF50];
	vm0 =	vnez.u8 v8;
	v1 =	vadd.s32 v14, v1  }
0xc9: {  	v8 =	vsel vm0, $0x1, v0;
	vm0 =	vnez.u8 v11;
	v1 =	vadd.s32 v9, v1  }
0xca: {  	v11 =	vsel vm0, $0x1, v0;
	v1 =	vadd.s32 v10, v1  }
0xcb: {  	vm13 =	vnez.u8 v41;
	v1 =	vadd.s32 v11, v1  }
0xcc: {  	v1 =	vadd.s32 v7, v1;
	v4 =	vsel vm13, $0x1, v0;
	vm14 =	vnez.u8 v3  }
0xcd: {  	s0 =	sshll.u32 s13, $0x9;
	vm15 =	vnez.u8 v42;
	v2 =	vadd.s32 v4, v2;
	v3 =	vsel vm14, $0x1, v0  }
0xce: {  	s0 =	sand.u32 $0x200, s0;
	v1 =	vadd.s32 v8, v1;
	v4 =	vsel vm15, $0x1, v0;
	v2 =	vadd.s32 v3, v2  }
0xcf: {  	s0 =	sadd.s32 s0, s6;
	[tilespmem:$0x10000] =	vst v1;
	v2 =	vadd.s32 v4, v2  }
0xd0: {  	s1 =	sadd.s32 s9, s0;
	[tilespmem:$0x10010] =	vst v2  }
0xd1: {  	[spmem:s1] =	stream.linear.scatter [tilespmem:s10], [sflag:$0x1], $0x20, $0x38;
	[tilespmem:$0x10880] =	vst v63  }
0xd2: {  	_ =	swait.ge [sflag:s11], $0x20  }
0xd3: {  	[sflag:s11] =	ssyncset.done $0x0  }
0xd4: {  	[sflag:s11] =	ssyncadd.s32 $0xFFFFFFE0  }
0xd5: {  	[bflag:$0x0] =	sbarrier.arrive $0xFFFF  }
0xd6: {  	[tilespmem:s12], [sflag:$0x1] =	stream.linear.gather [spmem:s0], $0x200, $0x38;
	[tilespmem:$0x10880] =	vst v63  }
0xd7: {  	_ =	swait.ge [sflag:s11], $0x200  }
0xd8: {  	[sflag:s11] =	ssyncset.done $0x0  }
0xd9: {  	[sflag:s11] =	ssyncadd.s32 $0xFFFFFE00  }
0xda: {  	v1 =	vld [tilespmem:$0x10080]  }
0xdb: {  	v2 =	vld [tilespmem:$0x100A0]  }
0xdc: {  	v3 =	vld [tilespmem:$0x100C0]  }
0xdd: {  	v43 =	vld [tilespmem:$0x100E0]  }
0xde: {  	v44 =	vld [tilespmem:$0x10100]  }
0xdf: {  	v45 =	vld [tilespmem:$0x10120]  }
0xe0: {  	v1 =	vadd.s32 v1, v2;
	v2 =	vld [tilespmem:$0x10140]  }
0xe1: {  	v1 =	vadd.s32 v3, v1;
	v3 =	vld [tilespmem:$0x10160]  }
0xe2: {  	v46 =	vld [tilespmem:$0x10180];
	v1 =	vadd.s32 v43, v1  }
0xe3: {  	v47 =	vld [tilespmem:$0x101A0];
	v1 =	vadd.s32 v44, v1  }
0xe4: {  	v48 =	vld [tilespmem:$0x101C0];
	v1 =	vadd.s32 v45, v1  }
0xe5: {  	v1 =	vadd.s32 v2, v1;
	v2 =	vld [tilespmem:$0x101E0]  }
0xe6: {  	v1 =	vadd.s32 v3, v1;
	v3 =	vld [tilespmem:$0x10200]  }
0xe7: {  	v49 =	vld [tilespmem:$0x10220];
	v1 =	vadd.s32 v46, v1  }
0xe8: {  	v50 =	vld [tilespmem:$0x10240];
	v1 =	vadd.s32 v47, v1  }
0xe9: {  	v51 =	vld [tilespmem:$0x10260];
	v1 =	vadd.s32 v48, v1  }
0xea: {  	v52 =	vld [tilespmem:$0x10090];
	v1 =	vadd.s32 v2, v1  }
0xeb: {  	v2 =	vld [tilespmem:$0x100B0];
	v1 =	vadd.s32 v3, v1  }
0xec: {  	v3 =	vld [tilespmem:$0x100D0];
	v1 =	vadd.s32 v49, v1  }
0xed: {  	v53 =	vld [tilespmem:$0x100F0];
	v1 =	vadd.s32 v50, v1  }
0xee: {  	v54 =	vld [tilespmem:$0x10110];
	v1 =	vadd.s32 v51, v1  }
0xef: {  	v55 =	vld [tilespmem:$0x10130];
	(v2sf) =	vpush v1, $0x0  }
0xf0: {  	v56 =	vld [tilespmem:$0x10150];
	v2 =	vadd.s32 v52, v2;
	(v2sf) =	vpush v1, $0x1  }
0xf1: {  	v2 =	vadd.s32 v3, v2;
	v3 =	vld [tilespmem:$0x10170];
	(v2sf) =	vpush v1, $0x2  }
0xf2: {  	v57 =	vld [tilespmem:$0x10190];
	v2 =	vadd.s32 v53, v2;
	(v2sf) =	vpush v1, $0x3  }
0xf3: {  	v58 =	vld [tilespmem:$0x101B0];
	v2 =	vadd.s32 v54, v2;
	(v2sf) =	vpush v1, $0x4  }
0xf4: {  	v59 =	vld [tilespmem:$0x101D0];
	v2 =	vadd.s32 v55, v2;
	(v2sf) =	vpush v1, $0x5  }
0xf5: {  	v60 =	vld [tilespmem:$0x101F0];
	v2 =	vadd.s32 v56, v2;
	(v2sf) =	vpush v1, $0x6  }
0xf6: {  	v2 =	vadd.s32 v3, v2;
	v3 =	vld [tilespmem:$0x10210];
	(v2sf) =	vpush v1, $0x7  }
0xf7: {  	v61 =	vld [tilespmem:$0x10230];
	v2 =	vadd.s32 v57, v2;
	(v2sf) =	vpush v1, $0x8  }
0xf8: {  	v62 =	vld [tilespmem:$0x10250];
	v2 =	vadd.s32 v58, v2;
	(v2sf) =	vpush v1, $0x9  }
0xf9: {  	v63 =	vld [tilespmem:$0x10270];
	v2 =	vadd.s32 v59, v2;
	(v2sf) =	vpush v1, $0xA  }
0xfa: {  	v2 =	vadd.s32 v60, v2;
	(v2sf) =	vpush v1, $0xB  }
0xfb: {  	v2 =	vadd.s32 v3, v2;
	(v2sf) =	vpush v1, $0xC  }
0xfc: {  	v2 =	vadd.s32 v61, v2;
	(v2sf) =	vpush v1, $0xD  }
0xfd: {  	v2 =	vadd.s32 v62, v2;
	(v2sf) =	vpush v1, $0xE  }
0xfe: {  	v2 =	vadd.s32 v63, v2;
	s0 =	spop (v2sf);
	(v2sf) =	vpush v1, $0xF  }
0xff: {  	s1 =	spop (v2sf);
	(v2sf) =	vpush v2, $0x0  }
0x100: {  	s2 =	spop (v2sf);
	(v2sf) =	vpush v2, $0x1  }
0x101: {  	s15 =	spop (v2sf);
	(v2sf) =	vpush v2, $0x2  }
0x102: {  	s16 =	spop (v2sf);
	(v2sf) =	vpush v2, $0x3  }
0x103: {  	s17 =	spop (v2sf);
	(v2sf) =	vpush v2, $0x4  }
0x104: {  	s18 =	spop (v2sf);
	(v2sf) =	vpush v2, $0x5  }
0x105: {  	s19 =	spop (v2sf);
	(v2sf) =	vpush v2, $0x6  }
0x106: {  	s20 =	spop (v2sf);
	(v2sf) =	vpush v2, $0x7  }
0x107: {  	s21 =	spop (v2sf);
	(v2sf) =	vpush v2, $0x8  }
0x108: {  	s22 =	spop (v2sf);
	(v2sf) =	vpush v2, $0x9  }
0x109: {  	s23 =	spop (v2sf);
	(v2sf) =	vpush v2, $0xA  }
0x10a: {  	s24 =	spop (v2sf);
	(v2sf) =	vpush v2, $0xB  }
0x10b: {  	s0 =	sadd.s32 s1, s0;
	s25 =	spop (v2sf);
	(v2sf) =	vpush v2, $0xC  }
0x10c: {  	s0 =	sadd.s32 s2, s0;
	s26 =	spop (v2sf);
	(v2sf) =	vpush v2, $0xD  }
0x10d: {  	s0 =	sadd.s32 s15, s0;
	s28 =	spop (v2sf);
	(v2sf) =	vpush v2, $0xE  }
0x10e: {  	s0 =	sadd.s32 s16, s0;
	s29 =	spop (v2sf);
	(v2sf) =	vpush v2, $0xF  }
0x10f: {  	s13 =	sadd.s32 $0x1, s13;
	s0 =	sadd.s32 s17, s0;
	s30 =	spop (v2sf)  }
0x110: {  	s0 =	sadd.s32 s18, s0;
	s1 =	sadd.s32 s30, s29;
	s30 =	spop (v2sf)  }
0x111: {  	s0 =	sadd.s32 s19, s0;
	s1 =	sadd.s32 s30, s1;
	s30 =	spop (v2sf)  }
0x112: {  	s0 =	sadd.s32 s20, s0;
	s1 =	sadd.s32 s30, s1;
	s15 =	spop (v2sf)  }
0x113: {  	s0 =	sadd.s32 s21, s0;
	s1 =	sadd.s32 s15, s1;
	s16 =	spop (v2sf)  }
0x114: {  	s0 =	sadd.s32 s22, s0;
	s1 =	sadd.s32 s16, s1;
	s17 =	spop (v2sf)  }
0x115: {  	s0 =	sadd.s32 s23, s0;
	s1 =	sadd.s32 s17, s1;
	s18 =	spop (v2sf)  }
0x116: {  	s0 =	sadd.s32 s24, s0;
	s1 =	sadd.s32 s18, s1;
	s19 =	spop (v2sf)  }
0x117: {  	s0 =	sadd.s32 s25, s0;
	s1 =	sadd.s32 s19, s1;
	s20 =	spop (v2sf)  }
0x118: {  	s0 =	sadd.s32 s26, s0;
	s1 =	sadd.s32 s20, s1;
	s21 =	spop (v2sf)  }
0x119: {  	s0 =	sadd.s32 s28, s0;
	s1 =	sadd.s32 s21, s1;
	s22 =	spop (v2sf)  }
0x11a: {  	p0 =	sgt.u32 s0, $0x6666;
	s1 =	sadd.s32 s22, s1;
	s23 =	spop (v2sf)  }
0x11b: {  	s4 =	smov.u32 @p0 s14;
	s1 =	sadd.s32 s23, s1;
	s24 =	spop (v2sf)  }
0x11c: {  	p0 =	seq.s32 s13, $0x20;
	s1 =	sadd.s32 s24, s1;
	s29 =	spop (v2sf)  }
.Ltmp2:
0x11d: {  	s1 =	sadd.s32 s29, s1;
	s30 =	spop (v2sf);
	(pc) =	sbr.rel @!p0 .LBB2_3-.Ltmp2, $4  }
0x11e: {  	s1 =	sadd.s32 s30, s1  }
0x11f: {  	p1 =	sgt.u32 s1, $0x79998  }
0x120: {  	s3 =	smov.u32 @p1 s8  }
0x121: {  	s7 =	sshrl.u32 s7, $0x1;
	s14 =	smov.u32 s4;
	s8 =	smov.u32 s3  }
0x122: {  	v6 =	vmov s4;
	v7 =	vmov s3  }
0x123: {  	v3 =	vimm.s32 $0x0;
	v25 =	vimm.s32 $0xFFFFFFFF;
	v9 =	vimm.s32 $0x0  }
0x124: {  	s6 =	simm.s32 $0x0;
	v11 =	vimm.s32 $0x0;
	v13 =	vimm.s32 $0x0;
	v15 =	vimm.s32 $0x0  }
0x125: {  	v16 =	vimm.s32 $0x0;
	v34 =	vimm.s32 $0xFFFFFFFF;
	v40 =	vimm.s32 $0x0;
	v1 =	vld [tilespmem:s6+$0x80F0]  }
0x126: {  	v48 =	vimm.s32 $0x0;
	v49 =	vimm.s32 $0x0;
	v50 =	vimm.s32 $0x0  }
0x127: {  	v51 =	vimm.s32 $0x0;
	v52 =	vimm.s32 $0x0;
	v53 =	vimm.s32 $0x0;
	v0 =	vld [tilespmem:s6+$0x80E0]  }
0x128: {  	v54 =	vimm.s32 $0x0;
	v55 =	vimm.s32 $0x0;
	v56 =	vimm.s32 $0x0;
	v2 =	vld [tilespmem:s6+$0x80D0]  }
0x129: {  	v57 =	vimm.s32 $0x0;
	v58 =	vimm.s32 $0x0;
	v59 =	vimm.s32 $0x0  }
0x12a: {  	v60 =	vimm.s32 $0x0;
	v61 =	vimm.s32 $0x0;
	v4 =	vld [tilespmem:s6+$0x80C0];
	vm1 =	vgt.u32 v1, v6  }
0x12b: {  	v62 =	vimm.s32 $0x0;
	v63 =	vimm.s32 $0x0;
	v5 =	vld [tilespmem:s6+$0x80B0];
	v9 =	vsel vm1, $0xFFFFFFFF, v9  }
0x12c: {  	vm0 =	vle.u32 v1, v6;
	vm1 =	vgt.u32 v1, v7;
	[tilespmem:$0x1FD00] =	vst v9;
	v9 =	vimm.s32 $0x0  }
0x12d: {  	vm2 =	vgt.u32 v0, v6;
	vm3 =	vle.u32 v2, v6;
	v9 =	vsel vm1, $0xFFFFFFFF, v9  }
0x12e: {  	vm4 =	vle.u32 v0, v7;
	vm5 =	vgt.u32 v0, v7;
	[tilespmem:$0x1FD10] =	vst v9;
	v9 =	vimm.s32 $0x0  }
0x12f: {  	vm6 =	vle.u32 v4, v7;
	vm7 =	vle.u32 v2, v7;
	v9 =	vsel vm2, $0xFFFFFFFF, v9  }
0x130: {  	vm8 =	vle.u32 v5, v6;
	vm1 =	vle.u32 v0, v6;
	[tilespmem:$0x1FD20] =	vst v9;
	v9 =	vimm.s32 $0x0  }
0x131: {  	v17 =	vld [tilespmem:s6+$0x8070];
	vm9 =	vgt.u32 v2, v6;
	v23 =	vsel vm1, $0x1, v3;
	v9 =	vsel vm5, $0xFFFFFFFF, v9  }
0x132: {  	v20 =	vld [tilespmem:s6+$0x8060];
	vm1 =	vgt.u32 v4, v6;
	vm2 =	vle.u32 v1, v7;
	[tilespmem:$0x1FD30] =	vst v9;
	v9 =	vimm.s32 $0x0  }
0x133: {  	v36 =	vld [tilespmem:s6+$0x8020];
	v11 =	vsel vm1, $0xFFFFFFFF, v11;
	vm1 =	vgt.u32 v4, v7;
	v9 =	vsel vm9, $0xFFFFFFFF, v9  }
0x134: {  	v39 =	vld [tilespmem:s6+$0x8000];
	v13 =	vsel vm1, $0xFFFFFFFF, v13;
	vm9 =	vgt.u32 v2, v7;
	[tilespmem:$0x1FD40] =	vst v9;
	v9 =	vimm.s32 $0x0  }
0x135: {  	v38 =	vld [tilespmem:s6+$0x8010];
	[tilespmem:$0x1FD70] =	vst v13;
	v13 =	vsel vm7, $0x1, v3;
	vm7 =	vgt.u32 v5, v6;
	v9 =	vsel vm9, $0xFFFFFFFF, v9  }
0x136: {  	v15 =	vsel vm7, $0xFFFFFFFF, v15;
	[tilespmem:$0x1FD50] =	vst v9;
	v9 =	vsel vm2, $0x1, v3;
	vm2 =	vle.u32 v5, v7  }
0x137: {  	v8 =	vld [tilespmem:s6+$0x80A0];
	[tilespmem:$0x1FD80] =	vst v15;
	v15 =	vimm.s32 $0x0;
	v18 =	vsel vm2, $0x1, v3;
	vm2 =	vgt.u32 v5, v7  }
0x138: {  	v26 =	vld [tilespmem:s6+$0x8050];
	vm15 =	vle.u32 v17, v7;
	vm10 =	vgt.u32 v36, v6;
	v15 =	vsel vm2, $0xFFFFFFFF, v15  }
0x139: {  	v10 =	vld [tilespmem:s6+$0x8090];
	vm13 =	vgt.u32 v39, v6;
	vm2 =	vle.u32 v20, v6;
	[tilespmem:$0x1FD90] =	vst v15;
	v15 =	vimm.s32 $0x0  }
0x13a: {  	vm12 =	vgt.u32 v38, v6;
	vm11 =	vgt.u32 v38, v7;
	v15 =	vsel vm2, $0xFFFFFFFF, v15  }
0x13b: {  	vm14 =	vgt.u32 v39, v7;
	vm2 =	vle.u32 v20, v7;
	[tilespmem:$0x1FDA0] =	vst v15;
	v15 =	vimm.s32 $0x0  }
0x13c: {  	v33 =	vld [tilespmem:s6+$0x8030];
	v19 =	vsel vm0, $0x1, v3;
	vm0 =	vle.u32 v8, v7;
	v15 =	vsel vm2, $0xFFFFFFFF, v15  }
0x13d: {  	v30 =	vld [tilespmem:s6+$0x8040];
	v21 =	vsel vm0, $0x1, v3;
	vm0 =	vle.u32 v26, v6;
	[tilespmem:$0x1FDB0] =	vst v15;
	v15 =	vimm.s32 $0x0  }
0x13e: {  	v24 =	vsel vm3, $0x1, v3;
	vm3 =	vle.u32 v10, v6;
	v15 =	vsel vm0, $0xFFFFFFFF, v15  }
0x13f: {  	v14 =	vsel vm6, $0x1, v3;
	vm0 =	vgt.u32 v8, v6;
	[tilespmem:$0x1FDC0] =	vst v15;
	v15 =	vimm.s32 $0x0  }
0x140: {  	vm6 =	vle.u32 v17, v6;
	v29 =	vsel vm8, $0x1, v3;
	v15 =	vsel vm0, $0xFFFFFFFF, v15  }
0x141: {  	vm8 =	vgt.u32 v33, v7;
	vm0 =	vgt.u32 v8, v7;
	[tilespmem:$0x1FDD0] =	vst v15;
	v15 =	vimm.s32 $0x0  }
0x142: {  	v12 =	vld [tilespmem:s6+$0x8080];
	v32 =	vsel vm3, $0x1, v3;
	[tilespmem:$0x1FD60] =	vst v11;
	v15 =	vsel vm0, $0xFFFFFFFF, v15;
	vm0 =	vle.u32 v30, v7  }
0x143: {  	v37 =	vsel vm6, $0x1, v3;
	[tilespmem:$0x1FDE0] =	vst v15;
	v40 =	vsel vm0, $0xFFFFFFFF, v40;
	vm0 =	vgt.u32 v10, v6  }
0x144: {  	vm6 =	vle.u32 v33, v7;
	[tilespmem:$0x1FDF0] =	vst v40;
	v40 =	vsel vm0, $0xFFFFFFFF, v48;
	vm0 =	vgt.u32 v10, v7  }
0x145: {  	vm3 =	vgt.u32 v30, v6;
	[tilespmem:$0x1FE00] =	vst v40;
	v40 =	vsel vm0, $0xFFFFFFFF, v49;
	vm0 =	vle.u32 v36, v6  }
0x146: {  	v11 =	vsel vm4, $0x1, v3;
	[tilespmem:$0x1FE10] =	vst v40;
	v40 =	vsel vm0, $0xFFFFFFFF, v50;
	vm0 =	vle.u32 v36, v7  }
0x147: {  	vm1 =	vle.u32 v12, v6;
	[tilespmem:$0x1FE20] =	vst v40;
	v40 =	vsel vm0, $0xFFFFFFFF, v51;
	vm0 =	vgt.u32 v12, v6  }
0x148: {  	vm4 =	vle.u32 v12, v7;
	[tilespmem:$0x1FE30] =	vst v40;
	v40 =	vsel vm0, $0xFFFFFFFF, v52;
	vm0 =	vgt.u32 v12, v7  }
0x149: {  	vm5 =	vle.u32 v4, v6;
	[tilespmem:$0x1FE40] =	vst v40;
	v40 =	vsel vm0, $0xFFFFFFFF, v53;
	vm0 =	vle.u32 v39, v6  }
0x14a: {  	v35 =	vsel vm1, $0x1, v3;
	[tilespmem:$0x1FE50] =	vst v40;
	v40 =	vsel vm0, $0xFFFFFFFF, v54;
	vm0 =	vle.u32 v39, v7  }
0x14b: {  	v27 =	vsel vm4, $0x1, v3;
	[tilespmem:$0x1FE60] =	vst v40;
	v40 =	vsel vm0, $0xFFFFFFFF, v55;
	vm0 =	vle.u32 v38, v7  }
0x14c: {  	vm4 =	vle.u32 v26, v7;
	[tilespmem:$0x1FE70] =	vst v40;
	v40 =	vsel vm0, $0xFFFFFFFF, v56;
	vm0 =	vgt.u32 v20, v6  }
0x14d: {  	vm1 =	vle.u32 v33, v6;
	[tilespmem:$0x1FE80] =	vst v40;
	v40 =	vsel vm0, $0xFFFFFFFF, v57;
	vm0 =	vgt.u32 v17, v6  }
0x14e: {  	v28 =	vsel vm5, $0x1, v3;
	[tilespmem:$0x1FE90] =	vst v40;
	v40 =	vsel vm0, $0xFFFFFFFF, v58;
	vm0 =	vgt.u32 v17, v7  }
0x14f: {  	vm5 =	vle.u32 v10, v7;
	[tilespmem:$0x1FEA0] =	vst v40;
	v40 =	vsel vm0, $0xFFFFFFFF, v59;
	vm0 =	vgt.u32 v26, v6  }
0x150: {  	vm7 =	vgt.u32 v33, v6;
	[tilespmem:$0x1FEB0] =	vst v40;
	v40 =	vsel vm0, $0xFFFFFFFF, v60;
	vm0 =	vgt.u32 v26, v7  }
0x151: {  	v22 =	vsel vm5, $0x1, v3;
	[tilespmem:$0x1FEC0] =	vst v40;
	v40 =	vsel vm0, $0xFFFFFFFF, v61;
	vm0 =	vgt.u32 v20, v7  }
0x152: {  	vm9 =	vle.u32 v8, v6;
	[tilespmem:$0x1FED0] =	vst v40;
	v40 =	vsel vm0, $0xFFFFFFFF, v62;
	vm0 =	vgt.u32 v30, v7  }
0x153: {  	vm5 =	vle.u32 v30, v6;
	v31 =	vsel vm9, $0x1, v3;
	[tilespmem:$0x1FEE0] =	vst v40;
	v40 =	vsel vm0, $0xFFFFFFFF, v63  }
0x154: {  	s6 =	simm.s32 $0x400;
	vm9 =	vgt.u32 v36, v7;
	vm2 =	vle.u32 v38, v6;
	v15 =	vimm.s32 $0x0;
	[tilespmem:$0x1FEF0] =	vst v40  }
.LBB2_7:
0x155: {  	v40 =	vld [tilespmem:$0x1FDA0];
	_ =	sdelay $0x1  }
0x156: {  	v52 =	vld [tilespmem:$0x1FE60]  }
0x157: {  	v48 =	vld [tilespmem:$0x1FDF0]  }
0x158: {  	v50 =	vld [tilespmem:$0x1FE20]  }
0x159: {  	vm0 =	vnez.u8 v40  }
0x15a: {  	v40 =	vsel vm0, $0x1, v3;
	vm0 =	vmmov vm15  }
0x15b: {  	v44 =	vld [tilespmem:$0x1FDC0];
	v46 =	vsel vm1, $0x1, v3;
	v42 =	vsel vm0, $0x1, v3;
	vm0 =	vnez.u8 v52  }
0x15c: {  	v49 =	vsel vm2, $0x1, v3;
	vm1 =	vnez.u8 v48;
	v52 =	vsel vm0, $0x1, v3  }
0x15d: {  	v48 =	vsel vm1, $0x1, v3;
	vm1 =	vnez.u8 v50;
	v16 =	vadd.s32 v52, v16  }
0x15e: {  	v50 =	vsel vm1, $0x1, v3;
	v16 =	vadd.s32 v49, v16  }
0x15f: {  	v16 =	vadd.s32 v50, v16  }
0x160: {  	v43 =	vsel vm5, $0x1, v3;
	vm5 =	vnez.u8 v44;
	v16 =	vadd.s32 v46, v16  }
0x161: {  	v44 =	vsel vm5, $0x1, v3;
	v16 =	vadd.s32 v43, v16  }
0x162: {  	v62 =	vmin.u32 v25, v39;
	v16 =	vadd.s32 v44, v16  }
0x163: {  	v63 =	vmin.u32 v34, v39;
	v25 =	vsel vm13, v62, v25;
	v16 =	vadd.s32 v40, v16  }
0x164: {  	v34 =	vsel vm14, v63, v34;
	v55 =	vmin.u32 v25, v38;
	v16 =	vadd.s32 v37, v16  }
0x165: {  	v53 =	vld [tilespmem:$0x1FE70];
	v56 =	vmin.u32 v34, v38;
	v25 =	vsel vm12, v55, v25;
	v16 =	vadd.s32 v35, v16  }
0x166: {  	v62 =	vld [tilespmem:$0x1FEF0];
	v34 =	vsel vm11, v56, v34;
	v57 =	vmin.u32 v25, v36;
	v16 =	vadd.s32 v32, v16  }
0x167: {  	v58 =	vmin.u32 v34, v36;
	v25 =	vsel vm10, v57, v25;
	v16 =	vadd.s32 v31, v16;
	v31 =	vld [tilespmem:$0x1FEC0]  }
0x168: {  	v34 =	vsel vm9, v58, v34;
	v59 =	vmin.u32 v25, v33  }
0x169: {  	v60 =	vmin.u32 v34, v33;
	v25 =	vsel vm7, v59, v25  }
0x16a: {  	v33 =	vsel vm8, v60, v34;
	vm0 =	vnez.u8 v53;
	v61 =	vmin.u32 v25, v30  }
0x16b: {  	v30 =	vmin.u32 v33, v30;
	v53 =	vsel vm0, $0x1, v3;
	vm0 =	vnez.u8 v62  }
0x16c: {  	v30 =	vsel vm0, v30, v33;
	v16 =	vadd.s32 v29, v16;
	vm0 =	vnez.u8 v31;
	v31 =	vld [tilespmem:$0x1FED0]  }
0x16d: {  	v16 =	vadd.s32 v28, v16;
	v28 =	vld [tilespmem:$0x1FE90];
	_ =	sdelay $0x1  }
0x16e: {  	v25 =	vsel vm3, v61, v25  }
0x16f: {  	v63 =	vmin.u32 v25, v26  }
0x170: {  	v26 =	vmin.u32 v30, v26;
	v25 =	vsel vm0, v63, v25;
	vm0 =	vnez.u8 v31  }
0x171: {  	v16 =	vadd.s32 v24, v16;
	v26 =	vsel vm0, v26, v30;
	vm0 =	vnez.u8 v28;
	v28 =	vld [tilespmem:$0x1FEE0]  }
0x172: {  	v16 =	vadd.s32 v23, v16;
	v23 =	vld [tilespmem:$0x1FEA0];
	_ =	sdelay $0x2  }
0x173: {  	v29 =	vmin.u32 v25, v20  }
0x174: {  	v20 =	vmin.u32 v26, v20;
	v25 =	vsel vm0, v29, v25;
	vm0 =	vnez.u8 v28  }
0x175: {  	v24 =	vmin.u32 v25, v17;
	v20 =	vsel vm0, v20, v26;
	vm0 =	vnez.u8 v23  }
0x176: {  	v23 =	vsel vm0, v24, v25;
	v24 =	vld [tilespmem:$0x1FEB0];
	_ =	sdelay $0x4  }
0x177: {  	v17 =	vmin.u32 v20, v17;
	vm0 =	vnez.u8 v24  }
0x178: {  	v17 =	vsel vm0, v17, v20;
	v20 =	vld [tilespmem:$0x1FE40];
	_ =	sdelay $0x4  }
0x179: {  	vm0 =	vnez.u8 v20;
	v20 =	vld [tilespmem:$0x1FE50];
	_ =	sdelay $0x3  }
0x17a: {  	v16 =	vadd.s32 v19, v16;
	v19 =	vmin.u32 v23, v12  }
0x17b: {  	v19 =	vsel vm0, v19, v23;
	vm0 =	vnez.u8 v20;
	v20 =	vld [tilespmem:$0x1FE00];
	_ =	sdelay $0x3  }
0x17c: {  	v51 =	vld [tilespmem:$0x1FE30];
	v12 =	vmin.u32 v17, v12  }
0x17d: {  	v54 =	vld [tilespmem:$0x1FE80];
	v12 =	vsel vm0, v12, v17;
	v17 =	vmin.u32 v19, v10;
	vm0 =	vnez.u8 v20  }
0x17e: {  	v17 =	vsel vm0, v17, v19;
	v19 =	vld [tilespmem:$0x1FE10];
	_ =	sdelay $0x3  }
0x17f: {  	vm1 =	vnez.u8 v51  }
0x180: {  	v51 =	vsel vm1, $0x1, v3;
	vm1 =	vnez.u8 v54;
	vm0 =	vnez.u8 v19;
	v19 =	vld [tilespmem:$0x1FDD0]  }
0x181: {  	v54 =	vsel vm1, $0x1, v3;
	v15 =	vadd.s32 v53, v15  }
0x182: {  	v15 =	vadd.s32 v54, v15  }
0x183: {  	v47 =	vsel vm6, $0x1, v3;
	v15 =	vadd.s32 v51, v15;
	v10 =	vmin.u32 v12, v10  }
0x184: {  	v15 =	vadd.s32 v47, v15;
	v10 =	vsel vm0, v10, v12  }
0x185: {  	v12 =	vadd.s32 v48, v15;
	v15 =	vmin.u32 v17, v8;
	vm0 =	vnez.u8 v19  }
0x186: {  	v15 =	vsel vm0, v15, v17;
	v17 =	vld [tilespmem:$0x1FDE0];
	_ =	sdelay $0x2  }
0x187: {  	v41 =	vld [tilespmem:$0x1FDB0];
	_ =	sdelay $0x1  }
0x188: {  	vm0 =	vnez.u8 v17;
	v17 =	vld [tilespmem:$0x1FD80];
	_ =	sdelay $0x2  }
0x189: {  	v45 =	vsel vm4, $0x1, v3;
	vm15 =	vnez.u8 v41;
	v8 =	vmin.u32 v10, v8  }
0x18a: {  	v41 =	vsel vm15, $0x1, v3;
	v12 =	vadd.s32 v45, v12;
	v8 =	vsel vm0, v8, v10  }
0x18b: {  	v10 =	vadd.s32 v41, v12;
	v12 =	vmin.u32 v15, v5;
	vm0 =	vnez.u8 v17  }
0x18c: {  	v12 =	vsel vm0, v12, v15;
	v15 =	vld [tilespmem:$0x1FD90];
	_ =	sdelay $0x4  }
0x18d: {  	vm0 =	vnez.u8 v15;
	v15 =	vld [tilespmem:$0x1FD60];
	_ =	sdelay $0x2  }
0x18e: {  	v5 =	vmin.u32 v8, v5  }
0x18f: {  	v10 =	vadd.s32 v42, v10;
	v5 =	vsel vm0, v5, v8  }
0x190: {  	v8 =	vadd.s32 v27, v10;
	v10 =	vmin.u32 v12, v4;
	vm0 =	vnez.u8 v15  }
0x191: {  	v10 =	vsel vm0, v10, v12;
	v12 =	vld [tilespmem:$0x1FD70];
	_ =	sdelay $0x1  }
0x192: {  	v15 =	vld [tilespmem:$0x1FD40];
	_ =	sdelay $0x2  }
0x193: {  	v4 =	vmin.u32 v5, v4;
	v8 =	vadd.s32 v22, v8;
	vm0 =	vnez.u8 v12  }
0x194: {  	v4 =	vsel vm0, v4, v5;
	v5 =	vadd.s32 v21, v8  }
0x195: {  	v8 =	vmin.u32 v10, v2;
	vm0 =	vnez.u8 v15;
	v5 =	vadd.s32 v18, v5  }
0x196: {  	v8 =	vsel vm0, v8, v10;
	v10 =	vld [tilespmem:$0x1FD50];
	v5 =	vadd.s32 v14, v5  }
0x197: {  	v5 =	vadd.s32 v13, v5;
	v13 =	vld [tilespmem:$0x1FD20];
	_ =	sdelay $0x3  }
0x198: {  	v2 =	vmin.u32 v4, v2;
	vm0 =	vnez.u8 v10  }
0x199: {  	v10 =	vmin.u32 v8, v0;
	v4 =	vsel vm0, v2, v4;
	vm0 =	vnez.u8 v13  }
0x19a: {  	v8 =	vsel vm0, v10, v8;
	v10 =	vld [tilespmem:$0x1FD30];
	_ =	sdelay $0x4  }
0x19b: {  	v14 =	vmin.u32 v4, v0;
	vm0 =	vnez.u8 v10  }
0x19c: {  	v10 =	vsel vm0, v14, v4;
	v14 =	vld [tilespmem:$0x1FD00];
	_ =	sdelay $0x4  }
0x19d: {  	v13 =	vmin.u32 v8, v1;
	vm0 =	vnez.u8 v14  }
0x19e: {  	s7 =	sshra.s32 s6, $0x2;
	v25 =	vsel vm0, v13, v8;
	v8 =	vld [tilespmem:$0x1FD10]  }
0x19f: {  	v12 =	vld [tilespmem:s7+$0x80F0];
	_ =	sdelay $0x2  }
0x1a0: {  	v17 =	vimm.s32 $0x0  }
0x1a1: {  	v11 =	vadd.s32 v11, v5;
	v0 =	vld [tilespmem:s7+$0x80E0];
	v18 =	vmin.u32 v10, v1;
	vm0 =	vnez.u8 v8  }
0x1a2: {  	v15 =	vadd.s32 v9, v11;
	v34 =	vsel vm0, v18, v10;
	vm0 =	vle.u32 v12, v6  }
0x1a3: {  	v13 =	vimm.s32 $0x0;
	v14 =	vsel vm0, $0xFFFFFFFF, v17;
	vm0 =	vgt.u32 v12, v6  }
0x1a4: {  	v10 =	vimm.s32 $0x0;
	v11 =	vsel vm0, $0xFFFFFFFF, v13;
	vm0 =	vgt.u32 v12, v7  }
0x1a5: {  	v9 =	vsel vm0, $0xFFFFFFFF, v10  }
0x1a6: {  	vm0 =	vle.u32 v0, v6;
	[tilespmem:$0x1FD10] =	vst v9;
	v9 =	vimm.s32 $0x0  }
0x1a7: {  	v2 =	vld [tilespmem:s7+$0x80D0];
	v9 =	vsel vm0, $0xFFFFFFFF, v9  }
0x1a8: {  	vm0 =	vgt.u32 v0, v6;
	[tilespmem:$0x1FC20] =	vst v9;
	v9 =	vimm.s32 $0x0  }
0x1a9: {  	v1 =	vmov v12;
	v9 =	vsel vm0, $0xFFFFFFFF, v9  }
0x1aa: {  	vm0 =	vle.u32 v1, v7;
	[tilespmem:$0x1FD20] =	vst v9;
	v9 =	vimm.s32 $0x0  }
0x1ab: {  	v9 =	vsel vm0, $0xFFFFFFFF, v9  }
0x1ac: {  	vm0 =	vle.u32 v2, v6;
	[tilespmem:$0x1FC00] =	vst v9;
	v9 =	vimm.s32 $0x0  }
0x1ad: {  	v4 =	vld [tilespmem:s7+$0x80C0];
	v9 =	vsel vm0, $0xFFFFFFFF, v9  }
0x1ae: {  	vm0 =	vle.u32 v0, v7;
	[tilespmem:$0x1FC10] =	vst v9;
	v9 =	vimm.s32 $0x0  }
0x1af: {  	v9 =	vsel vm0, $0xFFFFFFFF, v9  }
0x1b0: {  	vm0 =	vgt.u32 v0, v7;
	[tilespmem:$0x1FC30] =	vst v9;
	v9 =	vimm.s32 $0x0  }
0x1b1: {  	v9 =	vsel vm0, $0xFFFFFFFF, v9  }
0x1b2: {  	vm0 =	vle.u32 v4, v6;
	[tilespmem:$0x1FD30] =	vst v9;
	v9 =	vimm.s32 $0x0  }
0x1b3: {  	v5 =	vld [tilespmem:s7+$0x80B0];
	v9 =	vsel vm0, $0xFFFFFFFF, v9  }
0x1b4: {  	vm0 =	vle.u32 v4, v7;
	[tilespmem:$0x1FC40] =	vst v9;
	v9 =	vimm.s32 $0x0  }
0x1b5: {  	v9 =	vsel vm0, $0xFFFFFFFF, v9  }
0x1b6: {  	vm0 =	vle.u32 v2, v7;
	[tilespmem:$0x1FC50] =	vst v9;
	v9 =	vimm.s32 $0x0  }
0x1b7: {  	v9 =	vsel vm0, $0xFFFFFFFF, v9  }
0x1b8: {  	vm0 =	vle.u32 v5, v6;
	[tilespmem:$0x1FC60] =	vst v9;
	v9 =	vimm.s32 $0x0  }
0x1b9: {  	v8 =	vld [tilespmem:s7+$0x80A0];
	v9 =	vsel vm0, $0xFFFFFFFF, v9  }
0x1ba: {  	vm0 =	vgt.u32 v2, v6;
	[tilespmem:$0x1FC80] =	vst v9;
	v9 =	vimm.s32 $0x0  }
0x1bb: {  	v9 =	vsel vm0, $0xFFFFFFFF, v9  }
0x1bc: {  	vm0 =	vgt.u32 v2, v7;
	[tilespmem:$0x1FD40] =	vst v9;
	v9 =	vimm.s32 $0x0  }
0x1bd: {  	v9 =	vsel vm0, $0xFFFFFFFF, v9  }
0x1be: {  	vm0 =	vle.u32 v8, v6;
	[tilespmem:$0x1FD50] =	vst v9;
	v9 =	vimm.s32 $0x0  }
0x1bf: {  	v10 =	vld [tilespmem:s7+$0x8090];
	v9 =	vsel vm0, $0xFFFFFFFF, v9  }
0x1c0: {  	vm0 =	vle.u32 v8, v7;
	[tilespmem:$0x1FC70] =	vst v9;
	v9 =	vimm.s32 $0x0  }
0x1c1: {  	v9 =	vsel vm0, $0xFFFFFFFF, v9  }
0x1c2: {  	vm0 =	vle.u32 v5, v7;
	[tilespmem:$0x1FCC0] =	vst v9;
	v9 =	vimm.s32 $0x0  }
0x1c3: {  	v9 =	vsel vm0, $0xFFFFFFFF, v9  }
0x1c4: {  	vm0 =	vle.u32 v10, v6;
	[tilespmem:$0x1FC90] =	vst v9;
	v9 =	vimm.s32 $0x0  }
0x1c5: {  	v12 =	vld [tilespmem:s7+$0x8080];
	v9 =	vsel vm0, $0xFFFFFFFF, v9  }
0x1c6: {  	vm0 =	vgt.u32 v4, v6;
	[tilespmem:$0x1FCA0] =	vst v9;
	v9 =	vimm.s32 $0x0  }
0x1c7: {  	v9 =	vsel vm0, $0xFFFFFFFF, v9  }
0x1c8: {  	vm0 =	vgt.u32 v4, v7;
	[tilespmem:$0x1FD60] =	vst v9;
	v9 =	vimm.s32 $0x0  }
0x1c9: {  	v9 =	vsel vm0, $0xFFFFFFFF, v9  }
0x1ca: {  	vm0 =	vle.u32 v12, v6;
	[tilespmem:$0x1FD70] =	vst v9;
	v9 =	vimm.s32 $0x0  }
0x1cb: {  	v17 =	vld [tilespmem:s7+$0x8070];
	v9 =	vsel vm0, $0xFFFFFFFF, v9  }
0x1cc: {  	vm0 =	vle.u32 v12, v7;
	[tilespmem:$0x1FCE0] =	vst v9;
	v9 =	vimm.s32 $0x0  }
0x1cd: {  	v9 =	vsel vm0, $0xFFFFFFFF, v9  }
0x1ce: {  	vm0 =	vle.u32 v10, v7;
	[tilespmem:$0x1FCF0] =	vst v9;
	v9 =	vimm.s32 $0x0  }
0x1cf: {  	v9 =	vsel vm0, $0xFFFFFFFF, v9  }
0x1d0: {  	vm0 =	vle.u32 v17, v6;
	[tilespmem:$0x1FCB0] =	vst v9;
	v9 =	vimm.s32 $0x0  }
0x1d1: {  	v20 =	vld [tilespmem:s7+$0x8060];
	v9 =	vsel vm0, $0xFFFFFFFF, v9  }
0x1d2: {  	vm0 =	vgt.u32 v5, v6;
	[tilespmem:$0x1FCD0] =	vst v9;
	v9 =	vimm.s32 $0x0  }
0x1d3: {  	v9 =	vsel vm0, $0xFFFFFFFF, v9  }
0x1d4: {  	vm0 =	vgt.u32 v5, v7;
	[tilespmem:$0x1FD80] =	vst v9;
	v9 =	vimm.s32 $0x0  }
0x1d5: {  	v26 =	vld [tilespmem:s7+$0x8050];
	v9 =	vsel vm0, $0xFFFFFFFF, v9  }
0x1d6: {  	vm0 =	vle.u32 v20, v6;
	[tilespmem:$0x1FD90] =	vst v9;
	v9 =	vimm.s32 $0x0  }
0x1d7: {  	v9 =	vsel vm0, $0xFFFFFFFF, v9  }
0x1d8: {  	vm0 =	vle.u32 v20, v7;
	[tilespmem:$0x1FDA0] =	vst v9;
	v9 =	vimm.s32 $0x0  }
0x1d9: {  	v9 =	vsel vm0, $0xFFFFFFFF, v9  }
0x1da: {  	vm0 =	vle.u32 v26, v6;
	[tilespmem:$0x1FDB0] =	vst v9;
	v9 =	vimm.s32 $0x0  }
0x1db: {  	v30 =	vld [tilespmem:s7+$0x8040];
	v9 =	vsel vm0, $0xFFFFFFFF, v9  }
0x1dc: {  	vm0 =	vgt.u32 v8, v6;
	[tilespmem:$0x1FDC0] =	vst v9;
	v9 =	vimm.s32 $0x0  }
0x1dd: {  	v9 =	vsel vm0, $0xFFFFFFFF, v9  }
0x1de: {  	vm0 =	vgt.u32 v8, v7;
	[tilespmem:$0x1FDD0] =	vst v9;
	v9 =	vimm.s32 $0x0  }
0x1df: {  	v9 =	vsel vm0, $0xFFFFFFFF, v9  }
0x1e0: {  	vm0 =	vle.u32 v30, v7;
	[tilespmem:$0x1FDE0] =	vst v9;
	v9 =	vimm.s32 $0x0  }
0x1e1: {  	v36 =	vld [tilespmem:s7+$0x8020];
	v9 =	vsel vm0, $0xFFFFFFFF, v9  }
0x1e2: {  	vm0 =	vgt.u32 v10, v6;
	[tilespmem:$0x1FDF0] =	vst v9;
	v9 =	vimm.s32 $0x0  }
0x1e3: {  	v9 =	vsel vm0, $0xFFFFFFFF, v9  }
0x1e4: {  	vm0 =	vgt.u32 v10, v7;
	[tilespmem:$0x1FE00] =	vst v9;
	v9 =	vimm.s32 $0x0  }
0x1e5: {  	v9 =	vsel vm0, $0xFFFFFFFF, v9  }
0x1e6: {  	vm0 =	vle.u32 v36, v6;
	[tilespmem:$0x1FE10] =	vst v9;
	v9 =	vimm.s32 $0x0  }
0x1e7: {  	v9 =	vsel vm0, $0xFFFFFFFF, v9  }
0x1e8: {  	vm0 =	vle.u32 v36, v7;
	[tilespmem:$0x1FE20] =	vst v9;
	v9 =	vimm.s32 $0x0  }
0x1e9: {  	v39 =	vld [tilespmem:s7+$0x8000];
	v9 =	vsel vm0, $0xFFFFFFFF, v9  }
0x1ea: {  	vm0 =	vgt.u32 v12, v6;
	[tilespmem:$0x1FE30] =	vst v9;
	v9 =	vimm.s32 $0x0  }
0x1eb: {  	v9 =	vsel vm0, $0xFFFFFFFF, v9  }
0x1ec: {  	vm0 =	vgt.u32 v12, v7;
	[tilespmem:$0x1FE40] =	vst v9;
	v9 =	vimm.s32 $0x0  }
0x1ed: {  	v38 =	vld [tilespmem:s7+$0x8010];
	v9 =	vsel vm0, $0xFFFFFFFF, v9  }
0x1ee: {  	vm0 =	vle.u32 v39, v6;
	[tilespmem:$0x1FE50] =	vst v9;
	v9 =	vimm.s32 $0x0  }
0x1ef: {  	v9 =	vsel vm0, $0xFFFFFFFF, v9  }
0x1f0: {  	vm0 =	vle.u32 v39, v7;
	[tilespmem:$0x1FE60] =	vst v9;
	v9 =	vimm.s32 $0x0  }
0x1f1: {  	v9 =	vsel vm0, $0xFFFFFFFF, v9  }
0x1f2: {  	vm0 =	vle.u32 v38, v7;
	[tilespmem:$0x1FE70] =	vst v9;
	v9 =	vimm.s32 $0x0  }
0x1f3: {  	v9 =	vsel vm0, $0xFFFFFFFF, v9  }
0x1f4: {  	vm0 =	vgt.u32 v20, v6;
	[tilespmem:$0x1FE80] =	vst v9;
	v9 =	vimm.s32 $0x0  }
0x1f5: {  	v9 =	vsel vm0, $0xFFFFFFFF, v9  }
0x1f6: {  	vm0 =	vgt.u32 v17, v6;
	[tilespmem:$0x1FE90] =	vst v9;
	v9 =	vimm.s32 $0x0  }
0x1f7: {  	v9 =	vsel vm0, $0xFFFFFFFF, v9  }
0x1f8: {  	vm0 =	vgt.u32 v17, v7;
	[tilespmem:$0x1FEA0] =	vst v9;
	v9 =	vimm.s32 $0x0  }
0x1f9: {  	v9 =	vsel vm0, $0xFFFFFFFF, v9  }
0x1fa: {  	vm0 =	vgt.u32 v26, v6;
	[tilespmem:$0x1FEB0] =	vst v9;
	v9 =	vimm.s32 $0x0  }
0x1fb: {  	v9 =	vsel vm0, $0xFFFFFFFF, v9  }
0x1fc: {  	vm0 =	vgt.u32 v26, v7;
	[tilespmem:$0x1FEC0] =	vst v9;
	v9 =	vimm.s32 $0x0  }
0x1fd: {  	v9 =	vsel vm0, $0xFFFFFFFF, v9  }
0x1fe: {  	vm0 =	vgt.u32 v20, v7;
	[tilespmem:$0x1FED0] =	vst v9;
	v9 =	vimm.s32 $0x0  }
0x1ff: {  	v9 =	vsel vm0, $0xFFFFFFFF, v9  }
0x200: {  	vm0 =	vgt.u32 v30, v7;
	[tilespmem:$0x1FEE0] =	vst v9;
	v9 =	vimm.s32 $0x0  }
0x201: {  	[tilespmem:$0x1FBF0] =	vst v14;
	v9 =	vsel vm0, $0xFFFFFFFF, v9  }
0x202: {  	[tilespmem:$0x1FEF0] =	vst v9;
	v9 =	vld [tilespmem:$0x1FBF0];
	_ =	sdelay $0x4  }
0x203: {  	vm0 =	vnez.u8 v9;
	v9 =	vld [tilespmem:$0x1FC00]  }
0x204: {  	[tilespmem:$0x1FD00] =	vst v11;
	v11 =	vld [tilespmem:$0x1FC10];
	_ =	sdelay $0x3  }
0x205: {  	v19 =	vsel vm0, $0x1, v3;
	vm0 =	vnez.u8 v9  }
0x206: {  	v9 =	vsel vm0, $0x1, v3;
	vm0 =	vnez.u8 v11;
	v11 =	vld [tilespmem:$0x1FC20];
	_ =	sdelay $0x4  }
0x207: {  	v24 =	vsel vm0, $0x1, v3;
	vm0 =	vnez.u8 v11;
	v11 =	vld [tilespmem:$0x1FC30]  }
0x208: {  	v13 =	vld [tilespmem:$0x1FC40];
	_ =	sdelay $0x3  }
0x209: {  	v23 =	vsel vm0, $0x1, v3;
	vm0 =	vnez.u8 v11  }
0x20a: {  	v11 =	vsel vm0, $0x1, v3;
	vm0 =	vnez.u8 v13;
	v13 =	vld [tilespmem:$0x1FC50];
	_ =	sdelay $0x4  }
0x20b: {  	v28 =	vsel vm0, $0x1, v3;
	vm0 =	vnez.u8 v13;
	v13 =	vld [tilespmem:$0x1FC60]  }
0x20c: {  	v18 =	vld [tilespmem:$0x1FC70];
	_ =	sdelay $0x3  }
0x20d: {  	v14 =	vsel vm0, $0x1, v3;
	vm0 =	vnez.u8 v13  }
0x20e: {  	v13 =	vsel vm0, $0x1, v3;
	vm0 =	vnez.u8 v18;
	v18 =	vld [tilespmem:$0x1FC80];
	_ =	sdelay $0x4  }
0x20f: {  	v31 =	vsel vm0, $0x1, v3;
	vm0 =	vnez.u8 v18;
	v18 =	vld [tilespmem:$0x1FC90]  }
0x210: {  	v21 =	vld [tilespmem:$0x1FCA0];
	_ =	sdelay $0x3  }
0x211: {  	v29 =	vsel vm0, $0x1, v3;
	vm0 =	vnez.u8 v18  }
0x212: {  	v18 =	vsel vm0, $0x1, v3;
	vm0 =	vnez.u8 v21;
	v21 =	vld [tilespmem:$0x1FCB0];
	_ =	sdelay $0x4  }
0x213: {  	v32 =	vsel vm0, $0x1, v3;
	vm0 =	vnez.u8 v21;
	v21 =	vld [tilespmem:$0x1FCC0]  }
0x214: {  	v27 =	vld [tilespmem:$0x1FCD0];
	_ =	sdelay $0x3  }
0x215: {  	v22 =	vsel vm0, $0x1, v3;
	vm0 =	vnez.u8 v21  }
0x216: {  	v21 =	vsel vm0, $0x1, v3;
	vm0 =	vnez.u8 v27;
	v27 =	vld [tilespmem:$0x1FCE0];
	_ =	sdelay $0x2  }
0x217: {  	v33 =	vld [tilespmem:s7+$0x8030];
	_ =	sdelay $0x1  }
0x218: {  	v37 =	vsel vm0, $0x1, v3;
	vm0 =	vnez.u8 v27;
	v27 =	vld [tilespmem:$0x1FCF0]  }
0x219: {  	p0 =	sne.s32 s6, $0x1FC00;
	vm13 =	vgt.u32 v39, v6;
	vm14 =	vgt.u32 v39, v7;
	vm2 =	vle.u32 v38, v6  }
.Ltmp3:
0x21a: {  	vm12 =	vgt.u32 v38, v6;
	vm11 =	vgt.u32 v38, v7;
	vm10 =	vgt.u32 v36, v6;
	(pc) =	sbr.rel @p0 .LBB2_7-.Ltmp3, $4  }
0x21b: {  	vm9 =	vgt.u32 v36, v7;
	vm1 =	vle.u32 v33, v6;
	vm6 =	vle.u32 v33, v7  }
0x21c: {  	vm7 =	vgt.u32 v33, v6;
	vm8 =	vgt.u32 v33, v7;
	vm5 =	vle.u32 v30, v6  }
0x21d: {  	vm3 =	vgt.u32 v30, v6;
	v35 =	vsel vm0, $0x1, v3;
	vm0 =	vnez.u8 v27  }
0x21e: {  	s6 =	sadd.s32 $0x400, s6;
	vm4 =	vle.u32 v26, v7;
	vm15 =	vle.u32 v17, v7;
	v27 =	vsel vm0, $0x1, v3  }
0x21f: {  	v41 =	vld [tilespmem:$0x1FDA0]  }
0x220: {  	v51 =	vld [tilespmem:$0x1FED0]  }
0x221: {  	v53 =	vld [tilespmem:$0x1FDF0]  }
0x222: {  	v6 =	vmin.u32 v25, v39;
	v7 =	vmin.u32 v34, v39;
	v55 =	vld [tilespmem:$0x1FEE0]  }
0x223: {  	v57 =	vld [tilespmem:$0x1FE20];
	v6 =	vsel vm13, v6, v25;
	v7 =	vsel vm14, v7, v34  }
0x224: {  	v43 =	vld [tilespmem:$0x1FDB0];
	v25 =	vmin.u32 v6, v38;
	v39 =	vmin.u32 v7, v38;
	v38 =	vsel vm15, $0x1, v3  }
0x225: {  	v59 =	vld [tilespmem:$0x1FE30];
	v6 =	vsel vm12, v25, v6;
	v7 =	vsel vm11, v39, v7;
	v25 =	vsel vm2, $0x1, v3  }
0x226: {  	v47 =	vld [tilespmem:$0x1FDC0];
	v40 =	vmin.u32 v6, v36;
	v42 =	vmin.u32 v7, v36;
	vm0 =	vnez.u8 v41  }
0x227: {  	v62 =	vld [tilespmem:$0x1FE60];
	v6 =	vsel vm10, v40, v6;
	v7 =	vsel vm9, v42, v7;
	vm11 =	vnez.u8 v51  }
0x228: {  	v40 =	vld [tilespmem:$0x1FEF0];
	vm12 =	vnez.u8 v53;
	vm14 =	vnez.u8 v55;
	vm15 =	vnez.u8 v57  }
0x229: {  	v41 =	vld [tilespmem:$0x1FEC0];
	v34 =	vsel vm0, $0x1, v3;
	vm0 =	vnez.u8 v43;
	v44 =	vmin.u32 v6, v33  }
0x22a: {  	v42 =	vld [tilespmem:$0x1FE90];
	v45 =	vmin.u32 v7, v33;
	v33 =	vsel vm5, $0x1, v3;
	vm5 =	vnez.u8 v59  }
0x22b: {  	v53 =	vld [tilespmem:$0x1FE00];
	v36 =	vsel vm0, $0x1, v3;
	v6 =	vsel vm7, v44, v6;
	v7 =	vsel vm8, v45, v7  }
0x22c: {  	v43 =	vld [tilespmem:$0x1FEA0];
	vm8 =	vnez.u8 v47;
	vm7 =	vnez.u8 v62;
	v46 =	vmin.u32 v6, v30  }
0x22d: {  	v60 =	vld [tilespmem:$0x1FEB0];
	v39 =	vsel vm8, $0x1, v3;
	v48 =	vmin.u32 v7, v30;
	v6 =	vsel vm3, v46, v6  }
0x22e: {  	v44 =	vld [tilespmem:$0x1FE40];
	v30 =	vsel vm4, $0x1, v3;
	vm9 =	vnez.u8 v40;
	v49 =	vmin.u32 v6, v26  }
0x22f: {  	v51 =	vld [tilespmem:$0x1FE80];
	v40 =	vsel vm1, $0x1, v3;
	vm10 =	vnez.u8 v41;
	v41 =	vsel vm12, $0x1, v3  }
0x230: {  	v55 =	vld [tilespmem:$0x1FE10];
	vm13 =	vnez.u8 v42;
	v42 =	vsel vm15, $0x1, v3;
	vm12 =	vnez.u8 v53  }
0x231: {  	v47 =	vld [tilespmem:$0x1FD30];
	v7 =	vsel vm9, v48, v7;
	v6 =	vsel vm10, v49, v6;
	vm4 =	vnez.u8 v43  }
0x232: {  	v43 =	vsel vm7, $0x1, v3;
	v50 =	vmin.u32 v7, v26;
	v26 =	vsel vm6, $0x1, v3  }
0x233: {  	v48 =	vld [tilespmem:$0x1FE70];
	v52 =	vmin.u32 v6, v20;
	vm6 =	vnez.u8 v60;
	vm8 =	vnez.u8 v44  }
0x234: {  	v49 =	vld [tilespmem:$0x1FE50];
	v7 =	vsel vm11, v50, v7;
	v6 =	vsel vm13, v52, v6;
	vm11 =	vnez.u8 v51  }
0x235: {  	v60 =	vld [tilespmem:$0x1FDE0];
	vm13 =	vnez.u8 v55;
	v54 =	vmin.u32 v7, v20;
	v56 =	vmin.u32 v6, v17  }
0x236: {  	v20 =	vsel vm5, $0x1, v3;
	v52 =	vsel vm11, $0x1, v3;
	vm11 =	vnez.u8 v47  }
0x237: {  	v45 =	vld [tilespmem:$0x1FD20];
	v7 =	vsel vm14, v54, v7;
	v6 =	vsel vm4, v56, v6;
	v56 =	vadd.s32 v43, v16  }
0x238: {  	v58 =	vmin.u32 v7, v17;
	v61 =	vmin.u32 v6, v12;
	vm9 =	vnez.u8 v48  }
0x239: {  	vm10 =	vnez.u8 v49;
	v7 =	vsel vm6, v58, v7;
	v6 =	vsel vm8, v61, v6  }
0x23a: {  	v17 =	vsel vm9, $0x1, v3;
	v58 =	vld [tilespmem:$0x1FDD0];
	vm15 =	vnez.u8 v60;
	v63 =	vmin.u32 v7, v12  }
0x23b: {  	v50 =	vmin.u32 v6, v10;
	v15 =	vadd.s32 v17, v15;
	v7 =	vsel vm10, v63, v7  }
0x23c: {  	v17 =	vld [tilespmem:$0x1FD90];
	v6 =	vsel vm12, v50, v6;
	v3 =	vadd.s32 v52, v15;
	vm10 =	vnez.u8 v45  }
0x23d: {  	v54 =	vmin.u32 v7, v10;
	v57 =	vmin.u32 v6, v8;
	v10 =	vadd.s32 v25, v56  }
0x23e: {  	v3 =	vadd.s32 v20, v3;
	v7 =	vsel vm13, v54, v7;
	v61 =	vadd.s32 v42, v10  }
0x23f: {  	v63 =	vld [tilespmem:$0x1FD80];
	v3 =	vadd.s32 v26, v3;
	vm14 =	vnez.u8 v58;
	v59 =	vmin.u32 v7, v8  }
0x240: {  	v48 =	vld [tilespmem:$0x1FD00];
	v8 =	vadd.s32 v40, v61;
	v3 =	vadd.s32 v41, v3;
	v6 =	vsel vm14, v57, v6  }
0x241: {  	v42 =	vld [tilespmem:$0x1FD50];
	v7 =	vsel vm15, v59, v7;
	v8 =	vadd.s32 v33, v8;
	vm5 =	vnez.u8 v17  }
0x242: {  	v40 =	vld [tilespmem:$0x1FD40];
	v3 =	vadd.s32 v30, v3;
	v16 =	vmin.u32 v7, v5;
	v25 =	vadd.s32 v39, v8  }
0x243: {  	v33 =	vld [tilespmem:$0x1FD60];
	v62 =	vmin.u32 v6, v5;
	v5 =	vsel vm5, v16, v7;
	v7 =	vadd.s32 v34, v25  }
0x244: {  	vm4 =	vnez.u8 v63;
	v3 =	vadd.s32 v36, v3;
	v7 =	vadd.s32 v37, v7  }
0x245: {  	v6 =	vsel vm4, v62, v6;
	v3 =	vadd.s32 v38, v3;
	v7 =	vadd.s32 v35, v7;
	v35 =	vld [tilespmem:$0x1FD70]  }
0x246: {  	vm12 =	vnez.u8 v48;
	v26 =	vmin.u32 v6, v4;
	v3 =	vadd.s32 v27, v3  }
0x247: {  	v34 =	vmin.u32 v5, v4;
	vm9 =	vnez.u8 v42;
	v3 =	vadd.s32 v22, v3  }
0x248: {  	vm8 =	vnez.u8 v40;
	vm6 =	vnez.u8 v33;
	v3 =	vadd.s32 v21, v3  }
0x249: {  	v37 =	vadd.s32 v32, v7;
	v6 =	vsel vm6, v26, v6;
	v3 =	vadd.s32 v18, v3  }
0x24a: {  	v39 =	vmin.u32 v6, v2;
	v3 =	vadd.s32 v14, v3;
	vm7 =	vnez.u8 v35  }
0x24b: {  	v6 =	vsel vm8, v39, v6;
	v4 =	vsel vm7, v34, v5;
	v5 =	vadd.s32 v31, v37  }
0x24c: {  	v50 =	vld [tilespmem:$0x1FD10];
	v3 =	vadd.s32 v13, v3;
	v44 =	vmin.u32 v6, v0;
	v5 =	vadd.s32 v29, v5  }
0x24d: {  	v3 =	vadd.s32 v11, v3;
	v41 =	vmin.u32 v4, v2;
	v5 =	vadd.s32 v28, v5  }
0x24e: {  	v3 =	vadd.s32 v9, v3;
	v2 =	vsel vm9, v41, v4;
	v43 =	vadd.s32 v24, v5  }
0x24f: {  	v5 =	vsel vm10, v44, v6;
	v46 =	vmin.u32 v2, v0;
	v4 =	vadd.s32 v23, v43  }
0x250: {  	[tilespmem:$0x102A0] =	vst v3;
	v6 =	vmin.u32 v5, v1;
	v0 =	vsel vm11, v46, v2;
	v4 =	vadd.s32 v19, v4  }
0x251: {  	vm13 =	vnez.u8 v50;
	v2 =	vsel vm12, v6, v5;
	v49 =	vmin.u32 v0, v1;
	[tilespmem:$0x10280] =	vst v4  }
0x252: {  	s0 =	sshll.u32 s31, $0x6;
	[tilespmem:$0x10290] =	vst v2;
	v0 =	vsel vm13, v49, v0  }
0x253: {  	s1 =	simm.s32 $0x10280;
	s30 =	simm.s32 $0x1;
	s0 =	sadd.s32 s0, s5;
	[tilespmem:$0x102B0] =	vst v0  }
0x254: {  	[spmem:s0] =	stream.linear.scatter [tilespmem:s1], [sflag:$0x1], $0x40, $0x38;
	[tilespmem:$0x10880] =	vst v63  }
0x255: {  	_ =	swait.ge [sflag:s30], $0x40  }
0x256: {  	[sflag:s30] =	ssyncset.done $0x0  }
0x257: {  	[sflag:s30] =	ssyncadd.s32 $0xFFFFFFC0  }
0x258: {  	s31 =	simm.s32 $0x10300;
	[bflag:$0x0] =	sbarrier.arrive $0xFFFF  }
0x259: {  	[tilespmem:s31], [sflag:$0x1] =	stream.linear.gather [spmem:s5], $0x400, $0x38;
	[tilespmem:$0x10880] =	vst v63  }
0x25a: {  	_ =	swait.ge [sflag:s30], $0x400  }
0x25b: {  	[sflag:s30] =	ssyncset.done $0x0  }
0x25c: {  	[sflag:s30] =	ssyncadd.s32 $0xFFFFFC00  }
0x25d: {  	v51 =	vld [tilespmem:$0x10300]  }
0x25e: {  	v52 =	vld [tilespmem:$0x10340]  }
0x25f: {  	v53 =	vld [tilespmem:$0x10380]  }
0x260: {  	v54 =	vld [tilespmem:$0x103C0]  }
0x261: {  	v55 =	vld [tilespmem:$0x10400]  }
0x262: {  	v56 =	vld [tilespmem:$0x10440]  }
0x263: {  	v57 =	vld [tilespmem:$0x10480];
	v0 =	vadd.s32 v51, v52  }
0x264: {  	v58 =	vld [tilespmem:$0x104C0];
	v0 =	vadd.s32 v53, v0  }
0x265: {  	v59 =	vld [tilespmem:$0x10500];
	v0 =	vadd.s32 v54, v0  }
0x266: {  	v60 =	vld [tilespmem:$0x10540];
	v0 =	vadd.s32 v55, v0  }
0x267: {  	v61 =	vld [tilespmem:$0x10580];
	v0 =	vadd.s32 v56, v0  }
0x268: {  	v62 =	vld [tilespmem:$0x105C0];
	v0 =	vadd.s32 v57, v0  }
0x269: {  	v63 =	vld [tilespmem:$0x10600];
	v0 =	vadd.s32 v58, v0  }
0x26a: {  	v9 =	vld [tilespmem:$0x10640];
	v0 =	vadd.s32 v59, v0  }
0x26b: {  	v10 =	vld [tilespmem:$0x10680];
	v0 =	vadd.s32 v60, v0  }
0x26c: {  	v11 =	vld [tilespmem:$0x106C0];
	v0 =	vadd.s32 v61, v0  }
0x26d: {  	v12 =	vld [tilespmem:$0x10320];
	v0 =	vadd.s32 v62, v0  }
0x26e: {  	v13 =	vld [tilespmem:$0x10360];
	v0 =	vadd.s32 v63, v0  }
0x26f: {  	v14 =	vld [tilespmem:$0x103A0];
	v0 =	vadd.s32 v9, v0  }
0x270: {  	v15 =	vld [tilespmem:$0x103E0];
	v0 =	vadd.s32 v10, v0  }
0x271: {  	v16 =	vld [tilespmem:$0x10420];
	v0 =	vadd.s32 v11, v0  }
0x272: {  	v17 =	vld [tilespmem:$0x10460];
	(v2sf) =	vpush v0, $0x0  }
0x273: {  	v18 =	vld [tilespmem:$0x104A0];
	v1 =	vadd.s32 v12, v13;
	(v2sf) =	vpush v0, $0x1  }
0x274: {  	v19 =	vld [tilespmem:$0x104E0];
	v1 =	vadd.s32 v14, v1;
	(v2sf) =	vpush v0, $0x2  }
0x275: {  	v20 =	vld [tilespmem:$0x10520];
	v1 =	vadd.s32 v15, v1;
	(v2sf) =	vpush v0, $0x3  }
0x276: {  	v21 =	vld [tilespmem:$0x10560];
	v1 =	vadd.s32 v16, v1;
	(v2sf) =	vpush v0, $0x4  }
0x277: {  	v22 =	vld [tilespmem:$0x105A0];
	v1 =	vadd.s32 v17, v1;
	(v2sf) =	vpush v0, $0x5  }
0x278: {  	v23 =	vld [tilespmem:$0x105E0];
	v1 =	vadd.s32 v18, v1;
	(v2sf) =	vpush v0, $0x6  }
0x279: {  	v24 =	vld [tilespmem:$0x10620];
	v1 =	vadd.s32 v19, v1;
	(v2sf) =	vpush v0, $0x7  }
0x27a: {  	v25 =	vld [tilespmem:$0x10660];
	v1 =	vadd.s32 v20, v1;
	(v2sf) =	vpush v0, $0x8  }
0x27b: {  	v26 =	vld [tilespmem:$0x106A0];
	v1 =	vadd.s32 v21, v1;
	(v2sf) =	vpush v0, $0x9  }
0x27c: {  	v27 =	vld [tilespmem:$0x106E0];
	v1 =	vadd.s32 v22, v1;
	(v2sf) =	vpush v0, $0xA  }
0x27d: {  	v28 =	vld [tilespmem:$0x10310];
	v1 =	vadd.s32 v23, v1;
	(v2sf) =	vpush v0, $0xB  }
0x27e: {  	v29 =	vld [tilespmem:$0x10350];
	v1 =	vadd.s32 v24, v1;
	(v2sf) =	vpush v0, $0xC  }
0x27f: {  	v30 =	vld [tilespmem:$0x10390];
	v1 =	vadd.s32 v25, v1;
	(v2sf) =	vpush v0, $0xD  }
0x280: {  	v31 =	vld [tilespmem:$0x103D0];
	v1 =	vadd.s32 v26, v1;
	(v2sf) =	vpush v0, $0xE  }
0x281: {  	v32 =	vld [tilespmem:$0x10410];
	v1 =	vadd.s32 v27, v1;
	s1 =	spop (v2sf);
	(v2sf) =	vpush v0, $0xF  }
0x282: {  	v33 =	vld [tilespmem:$0x10450];
	s12 =	spop (v2sf);
	(v2sf) =	vpush v1, $0x0  }
0x283: {  	v35 =	vld [tilespmem:$0x10490];
	v34 =	vmin.u32 v28, v29;
	s2 =	spop (v2sf);
	(v2sf) =	vpush v1, $0x1  }
0x284: {  	v36 =	vld [tilespmem:$0x104D0];
	v2 =	vmin.u32 v34, v30;
	s25 =	spop (v2sf);
	(v2sf) =	vpush v1, $0x2  }
0x285: {  	v37 =	vld [tilespmem:$0x10510];
	v2 =	vmin.u32 v2, v31;
	s26 =	spop (v2sf);
	(v2sf) =	vpush v1, $0x3  }
0x286: {  	v38 =	vld [tilespmem:$0x10550];
	v2 =	vmin.u32 v2, v32;
	s28 =	spop (v2sf);
	(v2sf) =	vpush v1, $0x4  }
0x287: {  	v39 =	vld [tilespmem:$0x10590];
	v0 =	vmin.u32 v2, v33;
	s29 =	spop (v2sf);
	(v2sf) =	vpush v1, $0x5  }
0x288: {  	v40 =	vld [tilespmem:$0x105D0];
	v0 =	vmin.u32 v0, v35;
	s30 =	spop (v2sf);
	(v2sf) =	vpush v1, $0x6  }
0x289: {  	v41 =	vld [tilespmem:$0x10610];
	v0 =	vmin.u32 v0, v36;
	s13 =	spop (v2sf);
	(v2sf) =	vpush v1, $0x7  }
0x28a: {  	v42 =	vld [tilespmem:$0x10650];
	v0 =	vmin.u32 v0, v37;
	s14 =	spop (v2sf);
	(v2sf) =	vpush v1, $0x8  }
0x28b: {  	v43 =	vld [tilespmem:$0x10690];
	v0 =	vmin.u32 v0, v38;
	s15 =	spop (v2sf);
	(v2sf) =	vpush v1, $0x9  }
0x28c: {  	v44 =	vld [tilespmem:$0x106D0];
	v0 =	vmin.u32 v0, v39;
	s16 =	spop (v2sf);
	(v2sf) =	vpush v1, $0xA  }
0x28d: {  	v45 =	vld [tilespmem:$0x10330];
	v0 =	vmin.u32 v0, v40;
	s17 =	spop (v2sf);
	(v2sf) =	vpush v1, $0xB  }
0x28e: {  	v46 =	vld [tilespmem:$0x10370];
	v0 =	vmin.u32 v0, v41;
	s18 =	spop (v2sf);
	(v2sf) =	vpush v1, $0xC  }
0x28f: {  	v47 =	vld [tilespmem:$0x103B0];
	v0 =	vmin.u32 v0, v42;
	s19 =	spop (v2sf);
	(v2sf) =	vpush v1, $0xD  }
0x290: {  	v48 =	vld [tilespmem:$0x103F0];
	v0 =	vmin.u32 v0, v43;
	s20 =	spop (v2sf);
	(v2sf) =	vpush v1, $0xE  }
0x291: {  	v49 =	vld [tilespmem:$0x10430];
	v0 =	vmin.u32 v0, v44;
	s21 =	spop (v2sf);
	(v2sf) =	vpush v1, $0xF  }
0x292: {  	v50 =	vld [tilespmem:$0x10470];
	[dreg:$0x6] =	wrdreg s25;
	s25 =	spop (v2sf);
	(v2sf) =	vpush v0, $0x0  }
0x293: {  	v51 =	vmin.u32 v45, v46;
	v52 =	vld [tilespmem:$0x104B0];
	[dreg:$0x7] =	wrdreg s26;
	s26 =	spop (v2sf);
	(v2sf) =	vpush v0, $0x1  }
0x294: {  	v53 =	vld [tilespmem:$0x104F0];
	v2 =	vmin.u32 v51, v47;
	[dreg:$0x8] =	wrdreg s28;
	s28 =	spop (v2sf);
	(v2sf) =	vpush v0, $0x2  }
0x295: {  	v54 =	vld [tilespmem:$0x10530];
	v2 =	vmin.u32 v2, v48;
	[dreg:$0x9] =	wrdreg s29;
	s29 =	spop (v2sf);
	(v2sf) =	vpush v0, $0x3  }
0x296: {  	v55 =	vld [tilespmem:$0x10570];
	v2 =	vmin.u32 v2, v49;
	(v2sf) =	vpush v0, $0x4;
	s31 =	spop (v2sf)  }
0x297: {  	v56 =	vld [tilespmem:$0x105B0];
	v1 =	vmin.u32 v2, v50;
	(v2sf) =	vpush v0, $0x5;
	s8 =	spop (v2sf)  }
0x298: {  	v57 =	vld [tilespmem:$0x105F0];
	v1 =	vmin.u32 v1, v52;
	(v2sf) =	vpush v0, $0x6;
	s10 =	spop (v2sf)  }
0x299: {  	v58 =	vld [tilespmem:$0x10630];
	v1 =	vmin.u32 v1, v53;
	(v2sf) =	vpush v0, $0x7;
	s9 =	spop (v2sf)  }
0x29a: {  	v59 =	vld [tilespmem:$0x10670];
	v1 =	vmin.u32 v1, v54;
	(v2sf) =	vpush v0, $0x8;
	s11 =	spop (v2sf)  }
0x29b: {  	v60 =	vld [tilespmem:$0x106B0];
	v1 =	vmin.u32 v1, v55;
	(v2sf) =	vpush v0, $0x9;
	s6 =	spop (v2sf)  }
0x29c: {  	v61 =	vld [tilespmem:$0x106F0];
	v1 =	vmin.u32 v1, v56;
	(v2sf) =	vpush v0, $0xA;
	s7 =	spop (v2sf)  }
0x29d: {  	[dreg:$0xa] =	wrdreg s30;
	v1 =	vmin.u32 v1, v57;
	(v2sf) =	vpush v0, $0xB;
	s30 =	spop (v2sf)  }
0x29e: {  	v1 =	vmin.u32 v1, v58;
	(v2sf) =	vpush v0, $0xC;
	s23 =	spop (v2sf)  }
0x29f: {  	s0 =	sadd.s32 s12, s1;
	v1 =	vmin.u32 v1, v59;
	(v2sf) =	vpush v0, $0xD;
	s24 =	spop (v2sf)  }
0x2a0: {  	s0 =	sadd.s32 s2, s0;
	s12 =	rddreg [dreg:$0x6];
	v1 =	vmin.u32 v1, v60;
	(v2sf) =	vpush v0, $0xE;
	s22 =	spop (v2sf)  }
0x2a1: {  	s0 =	sadd.s32 s12, s0;
	s12 =	rddreg [dreg:$0x7];
	v1 =	vmin.u32 v1, v61;
	(v2sf) =	vpush v0, $0xF;
	s5 =	spop (v2sf)  }
0x2a2: {  	s0 =	sadd.s32 s12, s0;
	s12 =	rddreg [dreg:$0x8];
	(v2sf) =	vpush v1, $0x0;
	s1 =	spop (v2sf)  }
0x2a3: {  	s0 =	sadd.s32 s12, s0;
	(v2sf) =	vpush v1, $0x1;
	s2 =	spop (v2sf)  }
0x2a4: {  	s12 =	rddreg [dreg:$0x9];
	s21 =	sadd.s32 s25, s21;
	(v2sf) =	vpush v1, $0x2;
	s25 =	spop (v2sf)  }
0x2a5: {  	s0 =	sadd.s32 s12, s0;
	s21 =	sadd.s32 s26, s21;
	(v2sf) =	vpush v1, $0x3;
	s26 =	spop (v2sf)  }
0x2a6: {  	s12 =	rddreg [dreg:$0xa];
	s21 =	sadd.s32 s28, s21;
	(v2sf) =	vpush v1, $0x4;
	s28 =	spop (v2sf)  }
0x2a7: {  	s0 =	sadd.s32 s12, s0;
	s21 =	sadd.s32 s29, s21;
	(v2sf) =	vpush v1, $0x5;
	s29 =	spop (v2sf)  }
0x2a8: {  	s0 =	sadd.s32 s13, s0;
	s31 =	sadd.s32 s31, s21;
	(v2sf) =	vpush v1, $0x6;
	s21 =	spop (v2sf)  }
0x2a9: {  	s0 =	sadd.s32 s14, s0;
	s8 =	sadd.s32 s8, s31;
	(v2sf) =	vpush v1, $0x7;
	s12 =	spop (v2sf)  }
0x2aa: {  	s0 =	sadd.s32 s15, s0;
	s8 =	sadd.s32 s10, s8;
	(v2sf) =	vpush v1, $0x8;
	s10 =	spop (v2sf)  }
0x2ab: {  	s0 =	sadd.s32 s16, s0;
	s8 =	sadd.s32 s9, s8;
	(v2sf) =	vpush v1, $0x9;
	s9 =	spop (v2sf)  }
0x2ac: {  	s0 =	sadd.s32 s17, s0;
	s8 =	sadd.s32 s11, s8;
	(v2sf) =	vpush v1, $0xA;
	s11 =	spop (v2sf)  }
0x2ad: {  	s0 =	sadd.s32 s18, s0;
	s6 =	sadd.s32 s6, s8;
	(v2sf) =	vpush v1, $0xB;
	s8 =	spop (v2sf)  }
0x2ae: {  	s0 =	sadd.s32 s19, s0;
	s6 =	sadd.s32 s7, s6;
	(v2sf) =	vpush v1, $0xC;
	s7 =	spop (v2sf)  }
0x2af: {  	s0 =	sadd.s32 s20, s0;
	s13 =	spop (v2sf);
	(v2sf) =	vpush v1, $0xD  }
0x2b0: {  	p0 =	sgt.u32 s0, $0x6667;
	s6 =	sadd.s32 s30, s6;
	s14 =	spop (v2sf);
	(v2sf) =	vpush v1, $0xE  }
0x2b1: {  	s6 =	sadd.s32 s23, s6;
	s1 =	smin.u32 s5, s1;
	s23 =	spop (v2sf);
	(v2sf) =	vpush v1, $0xF  }
0x2b2: {  	s6 =	sadd.s32 s24, s6;
	s1 =	smin.u32 s1, s2;
	s24 =	spop (v2sf)  }
0x2b3: {  	s1 =	smin.u32 s1, s25;
	s2 =	smin.u32 s23, s24;
	s25 =	spop (v2sf)  }
0x2b4: {  	v62 =	vld [tilespmem:$0x10700];
	s6 =	sadd.s32 s22, s6;
	s2 =	smin.u32 s2, s25;
	s30 =	spop (v2sf)  }
0x2b5: {  	s1 =	smin.u32 s1, s26;
	s2 =	smin.u32 s2, s30;
	s31 =	spop (v2sf)  }
0x2b6: {  	s1 =	smin.u32 s1, s28;
	s2 =	smin.u32 s2, s31;
	s15 =	spop (v2sf)  }
0x2b7: {  	s1 =	smin.u32 s1, s29;
	s2 =	smin.u32 s2, s15;
	s16 =	spop (v2sf)  }
0x2b8: {  	s1 =	smin.u32 s1, s21;
	s2 =	smin.u32 s2, s16;
	s17 =	spop (v2sf)  }
0x2b9: {  	s1 =	smin.u32 s1, s12;
	(v2sf) =	vpush v62, $0x0;
	s2 =	smin.u32 s2, s17;
	s18 =	spop (v2sf)  }
0x2ba: {  	s1 =	smin.u32 s1, s10;
	s2 =	smin.u32 s2, s18;
	s19 =	spop (v2sf)  }
0x2bb: {  	s1 =	smin.u32 s1, s9;
	(v2sf) =	vpush v62, $0x1;
	s2 =	smin.u32 s2, s19;
	s20 =	spop (v2sf)  }
0x2bc: {  	s1 =	smin.u32 s1, s11;
	s2 =	smin.u32 s2, s20;
	s21 =	spop (v2sf)  }
0x2bd: {  	s1 =	smin.u32 s1, s8;
	s2 =	smin.u32 s2, s21;
	s22 =	spop (v2sf)  }
0x2be: {  	s1 =	smin.u32 s1, s7;
	s2 =	smin.u32 s2, s22;
	s23 =	spop (v2sf)  }
0x2bf: {  	s1 =	smin.u32 s1, s13;
	s2 =	smin.u32 s2, s23;
	s24 =	spop (v2sf)  }
0x2c0: {  	s1 =	smin.u32 s1, s14;
	s2 =	smin.u32 s2, s24;
	s25 =	spop (v2sf)  }
0x2c1: {  	s1 =	smov.u32 @p0 s4;
	p0 =	sgt.u32 s6, $0x79999;
	s0 =	smin.u32 s2, s25  }
0x2c2: {  	s2 =	simm.s32 $0xFFFFFFFF;
	s0 =	smov.u32 @p0 s3;
	p0 =	sgt.s32 s4, $0xFFFFFFFF  }
0x2c3: {  	s5 =	simm.s32 $0xFFFFFFFF;
	s2 =	simm.s32 @!p0 $0x80000000;
	p0 =	sgt.s32 s1, $0xFFFFFFFF  }
0x2c4: {  	s2 =	sxor.u32 s4, s2;
	s4 =	simm.s32 $0xFFFFFFFF;
	s5 =	simm.s32 @!p0 $0x80000000  }
0x2c5: {  	p0 =	sgt.s32 s3, $0xFFFFFFFF;
	s1 =	sxor.u32 s1, s5;
	s5 =	simm.s32 $0xFFFFFFFF  }
0x2c6: {  	s2 =	smul.f32 $6.499999760e-01, s2;
	s5 =	simm.s32 @!p0 $0x80000000;
	p0 =	sgt.s32 s0, $0xFFFFFFFF  }
0x2c7: {  	s1 =	smul.f32 $3.499999940e-01, s1;
	s26 =	sxor.u32 s3, s5;
	s4 =	simm.s32 @!p0 $0x80000000  }
0x2c8: {  	s28 =	spop (v2sf);
	s0 =	sxor.u32 s0, s4;
	s3 =	smul.f32 $3.499999940e-01, s26  }
0x2c9: {  	s1 =	sadd.f32 s1, s2;
	s0 =	smul.f32 $6.499999760e-01, s0  }
0x2ca: {  	s29 =	smul.f32 $9.900000090e-01, s28;
	s30 =	spop (v2sf)  }
0x2cb: {  	s1 =	smul.f32 $9.999999770e-03, s1;
	s0 =	sadd.f32 s0, s3  }
0x2cc: {  	s3 =	smul.f32 $9.900000090e-01, s30  }
0x2cd: {  	s0 =	smul.f32 $9.999999770e-03, s0  }
0x2ce: {  	s1 =	sadd.f32 s1, s29  }
0x2cf: {  	s0 =	sadd.f32 s0, s3;
	_ =	sdelay $0x1  }
0x2d0: {  	s0 =	ssub.f32 s0, s1  }
0x2d1: {  	vm14 =	vcmask $0x300;
	v63 =	vmov s1  }
0x2d2: {  	vm15 =	vcmask $0x704;
	v0 =	vnsel vm14, $0x0, v63;
	s0 =	smax.f32 s0, $1.000000000e+00  }
0x2d3: {  	s31 =	stileid.u32;
	v0 =	vsel vm15, s0, v0  }
0x2d4: {  	p0 =	sne.s32 s31, $0x0;
	[tilespmem:$0x10780] =	vst v0  }
0x2d5: {  	_ =	sfence.sel @p0 $0x180000  }
0x2d6: {  	[bflag:$0x0] =	sbarrier.arrive @p0 $0xFFFF  }
0x2d7: {  	_ =	strace @p0 $0x90000047  }
0x2d8: {  	[bflag:$0x2] =	sbarrier.arrive @p0 $0xFFFF  }
0x2d9: {  	s1 =	simm.s32 @!p0 $0x10780;
	s0 =	simm.s32 @!p0 $0x0;
	s2 =	rddreg [dreg:$0x5]  }
0x2da: {  	[hbm4b:s2+s0] =	stream.linear.scatter @!p0 [tilespmem:s1], [sflag:$0x1], $0x80, $0x38;
	[tilespmem:$0x10880] =	vst v63  }
0x2db: {  	s0 =	simm.s32 @!p0 $0x1  }
0x2dc: {  	_ =	swait.ge @!p0 [sflag:s0], $0x80  }
0x2dd: {  	[sflag:s0] =	ssyncset.done @!p0 $0x0  }
0x2de: {  	[sflag:s0] =	ssyncadd.s32 @!p0 $0xFFFFFF80  }
0x2df: {  	_ =	sfence.sel @!p0 $0x180000  }
0x2e0: {  	[bflag:$0x0] =	sbarrier.arrive @!p0 $0xFFFF  }
0x2e1: {  	_ =	strace @!p0 $0x90000047  }
0x2e2: {  	[bflag:$0x2] =	sbarrier.arrive @!p0 $0xFFFF  }
0x2e3: {  	s0 =	rddreg [dreg:$0x4]  }
0x2e4: {  	s0 =	sadd.s32 @!p0 $0x100000, s0  }
0x2e5: {  	[sflag:s0] =	ssyncadd.tile.s32 @!p0 $0x1;
	_ =	shalt  }
.Lfunc_end2:
_tile_overlayer_lowered:
.L_overlay_start_2:
0x2e6: {  	(tag) =	ssettag $0x2  }
0x2e7: {  	s0 =	rddreg [dreg:$0x0];
	s2 =	stileid.u32  }
0x2e8: {  	s1 =	rddreg [dreg:$0x1];
	p0 =	sne.s32 s2, $0x0  }
0x2e9: {  	s3 =	rddreg [dreg:$0x2];
	[bflag:$0x3] =	sbarrier.arrive $0xFFFF;
	s2 =	simm.s32 @!p0 $0x1C01  }
0x2ea: {  	[timem:s3], [sflag:s2] =	dma.local @!p0 [hbm:s0], s1  }
0x2eb: {  	s0 =	simm.s32 @!p0 $0x1  }
0x2ec: {  	_ =	swait.ge @!p0 [sflag:s0], s1  }
0x2ed: {  	s1 =	ssub.s32 @!p0 $0x0, s1;
	[sflag:s0] =	ssyncset.done @!p0 $0x0  }
0x2ee: {  	[sflag:s0] =	ssyncadd.s32 @!p0 s1  }
0x2ef: {  	[bflag:$0x3] =	sbarrier.arrive $0xFFFF  }
0x2f0: {  	_ =	shalt  }

</sc_bundles>
